<compile_context>
chip_gen: v7x
topology: tpu7x:2x2x1
jax: 0.10.2.dev20260603
libtpu: 0.0.44.dev20260713+nightly
codegen_flags: <defaults>
</compile_context>

<pallas_src>
import functools

import jax
import jax.numpy as jnp
from jax import lax
from jax.experimental import pallas as pl
from jax.experimental.pallas import tpu as pltpu
from jax.experimental.pallas import tpu_sc as plsc

NUM_TRICKS = 100000
NUM_DRAFT_TRICKS = 1000
NUM_EMBEDDINGS = NUM_TRICKS + NUM_DRAFT_TRICKS
DRAFT_DELTA = NUM_TRICKS
DRAFT_PHASE = 2
EMBED_DIM = 128

NUM_WORKERS = 32
LANES = 16
CHUNK = 128
NBUF = 5


@functools.lru_cache(maxsize=None)
def _build(n_total):
    n = n_total // NUM_WORKERS
    n_units = n // CHUNK
    rounds = n_units // NBUF
    vec_per_unit = CHUNK // LANES
    mesh = plsc.VectorSubcoreMesh(core_axis_name="c", subcore_axis_name="s")

    @functools.partial(
        pl.kernel,
        mesh=mesh,
        compiler_params=pltpu.CompilerParams(use_tc_tiling_on_sc=False),
        out_type=jax.ShapeDtypeStruct((n_total, EMBED_DIM), jnp.float32),
        scratch_types=[
            pltpu.VMEM((n,), jnp.int32),
            pltpu.VMEM((n,), jnp.int32),
        ]
        + [pltpu.VMEM((CHUNK, EMBED_DIM), jnp.float32) for _ in range(NBUF)]
        + [pltpu.SemaphoreType.DMA for _ in range(2 * NBUF)],
    )
    def kern(trick_hbm, phase_hbm, table_hbm, out_hbm, idx_v, phase_v, *bufs_sems):
        rows = bufs_sems[:NBUF]
        g_sem = bufs_sems[NBUF:2 * NBUF]
        s_sem = bufs_sems[2 * NBUF:]
        wid = lax.axis_index("s") * 2 + lax.axis_index("c")
        base = wid * n
        pltpu.sync_copy(trick_hbm.at[pl.ds(base, n)], idx_v)
        pltpu.sync_copy(phase_hbm.at[pl.ds(base, n)], phase_v)

        def compute_idx(u):
            for j in range(vec_per_unit):
                o = u * CHUNK + j * LANES
                t = idx_v[pl.ds(o, LANES)]
                p = phase_v[pl.ds(o, LANES)]
                t = t + jnp.where(p == DRAFT_PHASE, DRAFT_DELTA, 0)
                idx_v[pl.ds(o, LANES)] = jnp.clip(t, -1, NUM_EMBEDDINGS - 1) + 1

        def gather_start(u, b):
            pltpu.async_copy(
                table_hbm.at[idx_v.at[pl.ds(u * CHUNK, CHUNK)]], rows[b], g_sem[b]
            )

        def gather_wait(u, b):
            pltpu.make_async_copy(
                table_hbm.at[idx_v.at[pl.ds(u * CHUNK, CHUNK)]], rows[b], g_sem[b]
            ).wait()

        def scatter_start(u, b):
            return pltpu.async_copy(
                rows[b], out_hbm.at[pl.ds(base + u * CHUNK, CHUNK)], s_sem[b]
            )

        for b in range(NBUF):
            compute_idx(b)
            gather_start(b, b)

        def main_round(r, carry):
            u0 = r * NBUF
            for b in range(NBUF):
                u = u0 + b
                gather_wait(u, b)
                sc = scatter_start(u, b)
                compute_idx(u + NBUF)
                sc.wait()
                gather_start(u + NBUF, b)
            return carry

        lax.fori_loop(0, rounds - 1, main_round, 0)

        u0 = (rounds - 1) * NBUF
        for b in range(NBUF):
            u = u0 + b
            gather_wait(u, b)
            scatter_start(u, b).wait()

    return kern


def kernel(trick, phase, table):
    b, h = trick.shape
    n_total = b * h
    out = _build(n_total)(
        trick.reshape(n_total).astype(jnp.int32),
        phase.reshape(n_total).astype(jnp.int32),
        table,
    )
    return out.reshape(b, h, EMBED_DIM)

# --- scband reference (transcript-rebuilt; emitter-appended) ---
"""Pipeline reference for scband-trick-model-36928128811654 (READ-ONLY COPY).

The authoritative reference and input builder live on the scoring server;
editing this copy changes nothing except your own understanding.
"""

import jax, jax.numpy as jnp
import numpy as np

NUM_TRICKS = 100000
NUM_DRAFT_TRICKS = 1000
NUM_EMBEDDINGS = NUM_TRICKS + NUM_DRAFT_TRICKS  # 101000
DRAFT_DELTA = NUM_TRICKS
DRAFT_PHASE = 2
EMBED_DIM = 128
BATCH = 1024
HIST = 200


def setup_inputs(seed: int = 0) -> dict:
    key = jax.random.key(seed)
    k1, k2, k3 = jax.random.split(key, 3)
    trick = jax.random.randint(k1, (BATCH, HIST), 0, NUM_TRICKS, dtype=jnp.int64 if jax.config.jax_enable_x64 else jnp.int32).astype(jnp.int32)
    phase = jax.random.randint(k2, (BATCH, HIST), 0, 4, dtype=jnp.int32)
    # nn.Embedding(num_embeddings + 1, output_dim, padding_idx=0): row 0 is the padding row (zeros)
    table = jax.random.normal(k3, (NUM_EMBEDDINGS + 1, EMBED_DIM), dtype=jnp.float32)
    table = table.at[0].set(0.0)
    return {"trick": trick, "phase": phase, "table": table}


def reference(trick, phase, table):
    # TrickModel.forward with use_drafting=True, onnx=True
    mask = (phase == DRAFT_PHASE).astype(trick.dtype)
    delta = mask * DRAFT_DELTA
    trick = trick + delta
    # PaddedEmbed.forward (onnx branch): clamp then shift by +1 into padded table
    x = jnp.clip(trick, -1, NUM_EMBEDDINGS - 1)
    x = (x + 1).astype(jnp.int32)
    out = jnp.take(table, x, axis=0)
    # dropout p=0.0 -> identity
    return out

if __name__ == "__main__":
    import jax
    _d = setup_inputs()
    print(jax.jit(kernel)(*tuple(_d.values())))

</pallas_src>

<mosaic_0001>
#map = affine_map<(d0, d1) -> (0)>
#map1 = affine_map<(d0, d1) -> (0, 0)>
module attributes {stable_mosaic.version = 14 : i64} {
  func.func @kern(%arg0: i32, %arg1: i32, %arg2: memref<204800xi32, #tpu.memory_space<hbm>>, %arg3: memref<204800xi32, #tpu.memory_space<hbm>>, %arg4: memref<101001x128xf32, #tpu.memory_space<hbm>>, %arg5: memref<204800x128xf32, #tpu.memory_space<hbm>>, %arg6: memref<6400xi32, #tpu.memory_space<vmem>>, %arg7: memref<6400xi32, #tpu.memory_space<vmem>>, %arg8: memref<128x128xf32, #tpu.memory_space<vmem>>, %arg9: memref<128x128xf32, #tpu.memory_space<vmem>>, %arg10: memref<128x128xf32, #tpu.memory_space<vmem>>, %arg11: memref<128x128xf32, #tpu.memory_space<vmem>>, %arg12: memref<128x128xf32, #tpu.memory_space<vmem>>, %arg13: memref<!tpu.dma_semaphore, #tpu.memory_space<semaphore_mem>>, %arg14: memref<!tpu.dma_semaphore, #tpu.memory_space<semaphore_mem>>, %arg15: memref<!tpu.dma_semaphore, #tpu.memory_space<semaphore_mem>>, %arg16: memref<!tpu.dma_semaphore, #tpu.memory_space<semaphore_mem>>, %arg17: memref<!tpu.dma_semaphore, #tpu.memory_space<semaphore_mem>>, %arg18: memref<!tpu.dma_semaphore, #tpu.memory_space<semaphore_mem>>, %arg19: memref<!tpu.dma_semaphore, #tpu.memory_space<semaphore_mem>>, %arg20: memref<!tpu.dma_semaphore, #tpu.memory_space<semaphore_mem>>, %arg21: memref<!tpu.dma_semaphore, #tpu.memory_space<semaphore_mem>>, %arg22: memref<!tpu.dma_semaphore, #tpu.memory_space<semaphore_mem>>) attributes {dimension_semantics = [#tpu.dimension_semantics<core_parallel>, #tpu.dimension_semantics<subcore_parallel>], iteration_bounds = array<i64: 2, 16>, scalar_prefetch = 0 : i64, scratch_operands = 17 : i64, tpu.core_type = #tpu.core_type<sc_vector_subcore>, window_params = [{transform_indices = #map}, {transform_indices = #map}, {transform_indices = #map1}, {transform_indices = #map1}]} {
    %mul3A = arith.constant 2 : i32
    %mul3A_0 = arith.muli %arg1, %mul3A : i32
    %add3A = arith.addi %mul3A_0, %arg0 : i32
    %mul3A_1 = arith.constant 6400 : i32
    %mul3A_2 = arith.muli %add3A, %mul3A_1 : i32
    "tpu.region"() ({
      %run_scoped3A = tpu.sem_alloc : memref<!tpu.dma_semaphore, #tpu.memory_space<semaphore_mem>>
      %dma_start3A_1218 = tpu.memref_slice %arg2[%mul3A_2] : memref<204800xi32, #tpu.memory_space<hbm>> -> memref<6400xi32, #tpu.memory_space<hbm>>
      %dma_start3A_1219 = tpu.memref_slice %arg2[%mul3A_2] : memref<204800xi32, #tpu.memory_space<hbm>> -> memref<6400xi32, #tpu.memory_space<hbm>>
      tpu.enqueue_dma source(%dma_start3A_1219 : memref<6400xi32, #tpu.memory_space<hbm>>) target(%arg6 : memref<6400xi32, #tpu.memory_space<vmem>>) target_semaphore(%run_scoped3A : memref<!tpu.dma_semaphore, #tpu.memory_space<semaphore_mem>>)
      %dma_wait3A_1220 = tpu.memref_slice %arg2[%mul3A_2] : memref<204800xi32, #tpu.memory_space<hbm>> -> memref<6400xi32, #tpu.memory_space<hbm>>
      %dma_wait3A_1221 = tpu.memref_slice %arg2[%mul3A_2] : memref<204800xi32, #tpu.memory_space<hbm>> -> memref<6400xi32, #tpu.memory_space<hbm>>
      tpu.wait_dma2 semaphore(%run_scoped3A : memref<!tpu.dma_semaphore, #tpu.memory_space<semaphore_mem>>) src(%dma_wait3A_1221 : memref<6400xi32, #tpu.memory_space<hbm>>) dst(%arg6 : memref<6400xi32, #tpu.memory_space<vmem>>)
      tpu.yield
    }) : () -> ()
    "tpu.region"() ({
      %run_scoped3A = tpu.sem_alloc : memref<!tpu.dma_semaphore, #tpu.memory_space<semaphore_mem>>
      %dma_start3A_1218 = tpu.memref_slice %arg3[%mul3A_2] : memref<204800xi32, #tpu.memory_space<hbm>> -> memref<6400xi32, #tpu.memory_space<hbm>>
      %dma_start3A_1219 = tpu.memref_slice %arg3[%mul3A_2] : memref<204800xi32, #tpu.memory_space<hbm>> -> memref<6400xi32, #tpu.memory_space<hbm>>
      tpu.enqueue_dma source(%dma_start3A_1219 : memref<6400xi32, #tpu.memory_space<hbm>>) target(%arg7 : memref<6400xi32, #tpu.memory_space<vmem>>) target_semaphore(%run_scoped3A : memref<!tpu.dma_semaphore, #tpu.memory_space<semaphore_mem>>)
      %dma_wait3A_1220 = tpu.memref_slice %arg3[%mul3A_2] : memref<204800xi32, #tpu.memory_space<hbm>> -> memref<6400xi32, #tpu.memory_space<hbm>>
      %dma_wait3A_1221 = tpu.memref_slice %arg3[%mul3A_2] : memref<204800xi32, #tpu.memory_space<hbm>> -> memref<6400xi32, #tpu.memory_space<hbm>>
      tpu.wait_dma2 semaphore(%run_scoped3A : memref<!tpu.dma_semaphore, #tpu.memory_space<semaphore_mem>>) src(%dma_wait3A_1221 : memref<6400xi32, #tpu.memory_space<hbm>>) dst(%arg7 : memref<6400xi32, #tpu.memory_space<vmem>>)
      tpu.yield
    }) : () -> ()
    %get3A = arith.constant 0 : index
    %get3A_3 = tpu.vector_load %arg6[%get3A] {strides = array<i32>} : memref<6400xi32, #tpu.memory_space<vmem>>, vector<16xi32>,
    %get3A_4 = vector.shape_cast %get3A_3 : vector<16xi32> to vector<16xi32>
    %get3A_5 = arith.constant 0 : index
    %get3A_6 = tpu.vector_load %arg7[%get3A_5] {strides = array<i32>} : memref<6400xi32, #tpu.memory_space<vmem>>, vector<16xi32>,
    %get3A_7 = vector.shape_cast %get3A_6 : vector<16xi32> to vector<16xi32>
    %eq3A = arith.constant 2 : i32
    %eq3A_8 = vector.broadcast %eq3A : i32 to vector<16xi32>
    %eq3A_9 = arith.cmpi eq, %get3A_7, %eq3A_8 : vector<16xi32>
    %jit3A = arith.constant 100000 : i32
    %jit3A_10 = arith.constant 0 : i32
    %broadcast_in_dim3A = vector.broadcast %jit3A : i32 to vector<16xi32>
    %broadcast_in_dim3A_11 = vector.broadcast %jit3A_10 : i32 to vector<16xi32>
    %select_n3A = arith.select %eq3A_9, %broadcast_in_dim3A, %broadcast_in_dim3A_11 : vector<16xi1>, vector<16xi32>
    %add3A_12 = arith.addi %get3A_4, %select_n3A : vector<16xi32>
    %jit3A_13 = arith.constant -1 : i32
    %jit3A_14 = arith.constant 100999 : i32
    %max3A = vector.broadcast %jit3A_13 : i32 to vector<16xi32>
    %max3A_15 = arith.maxsi %max3A, %add3A_12 : vector<16xi32>
    %min3A = vector.broadcast %jit3A_14 : i32 to vector<16xi32>
    %min3A_16 = arith.minsi %min3A, %max3A_15 : vector<16xi32>
    %add3A_17 = arith.constant 1 : i32
    %add3A_18 = vector.broadcast %add3A_17 : i32 to vector<16xi32>
    %add3A_19 = arith.addi %min3A_16, %add3A_18 : vector<16xi32>
    %swap3A = arith.constant 0 : index
    %swap3A_20 = tpu.vector_load %arg6[%swap3A] {strides = array<i32>} : memref<6400xi32, #tpu.memory_space<vmem>>, vector<16xi32>,
    %swap3A_21 = vector.shape_cast %swap3A_20 : vector<16xi32> to vector<16xi32>
    %swap3A_22 = vector.shape_cast %add3A_19 : vector<16xi32> to vector<16xi32>
    tpu.vector_store %arg6[%swap3A], %swap3A_22 {strides = array<i32>} : memref<6400xi32, #tpu.memory_space<vmem>>, vector<16xi32>,
    %get3A_23 = arith.constant 16 : index
    %get3A_24 = tpu.vector_load %arg6[%get3A_23] {strides = array<i32>} : memref<6400xi32, #tpu.memory_space<vmem>>, vector<16xi32>,
    %get3A_25 = vector.shape_cast %get3A_24 : vector<16xi32> to vector<16xi32>
    %get3A_26 = arith.constant 16 : index
    %get3A_27 = tpu.vector_load %arg7[%get3A_26] {strides = array<i32>} : memref<6400xi32, #tpu.memory_space<vmem>>, vector<16xi32>,
    %get3A_28 = vector.shape_cast %get3A_27 : vector<16xi32> to vector<16xi32>
    %eq3A_29 = arith.constant 2 : i32
    %eq3A_30 = vector.broadcast %eq3A_29 : i32 to vector<16xi32>
    %eq3A_31 = arith.cmpi eq, %get3A_28, %eq3A_30 : vector<16xi32>
    %jit3A_32 = arith.constant 100000 : i32
    %jit3A_33 = arith.constant 0 : i32
    %broadcast_in_dim3A_34 = vector.broadcast %jit3A_32 : i32 to vector<16xi32>
    %broadcast_in_dim3A_35 = vector.broadcast %jit3A_33 : i32 to vector<16xi32>
    %select_n3A_36 = arith.select %eq3A_31, %broadcast_in_dim3A_34, %broadcast_in_dim3A_35 : vector<16xi1>, vector<16xi32>
    %add3A_37 = arith.addi %get3A_25, %select_n3A_36 : vector<16xi32>
    %jit3A_38 = arith.constant -1 : i32
    %jit3A_39 = arith.constant 100999 : i32
    %max3A_40 = vector.broadcast %jit3A_38 : i32 to vector<16xi32>
    %max3A_41 = arith.maxsi %max3A_40, %add3A_37 : vector<16xi32>
    %min3A_42 = vector.broadcast %jit3A_39 : i32 to vector<16xi32>
    %min3A_43 = arith.minsi %min3A_42, %max3A_41 : vector<16xi32>
    %add3A_44 = arith.constant 1 : i32
    %add3A_45 = vector.broadcast %add3A_44 : i32 to vector<16xi32>
    %add3A_46 = arith.addi %min3A_43, %add3A_45 : vector<16xi32>
    %swap3A_47 = arith.constant 16 : index
    %swap3A_48 = tpu.vector_load %arg6[%swap3A_47] {strides = array<i32>} : memref<6400xi32, #tpu.memory_space<vmem>>, vector<16xi32>,
    %swap3A_49 = vector.shape_cast %swap3A_48 : vector<16xi32> to vector<16xi32>
    %swap3A_50 = vector.shape_cast %add3A_46 : vector<16xi32> to vector<16xi32>
    tpu.vector_store %arg6[%swap3A_47], %swap3A_50 {strides = array<i32>} : memref<6400xi32, #tpu.memory_space<vmem>>, vector<16xi32>,
    %get3A_51 = arith.constant 32 : index
    %get3A_52 = tpu.vector_load %arg6[%get3A_51] {strides = array<i32>} : memref<6400xi32, #tpu.memory_space<vmem>>, vector<16xi32>,
    %get3A_53 = vector.shape_cast %get3A_52 : vector<16xi32> to vector<16xi32>
    %get3A_54 = arith.constant 32 : index
    %get3A_55 = tpu.vector_load %arg7[%get3A_54] {strides = array<i32>} : memref<6400xi32, #tpu.memory_space<vmem>>, vector<16xi32>,
    %get3A_56 = vector.shape_cast %get3A_55 : vector<16xi32> to vector<16xi32>
    %eq3A_57 = arith.constant 2 : i32
    %eq3A_58 = vector.broadcast %eq3A_57 : i32 to vector<16xi32>
    %eq3A_59 = arith.cmpi eq, %get3A_56, %eq3A_58 : vector<16xi32>
    %jit3A_60 = arith.constant 100000 : i32
    %jit3A_61 = arith.constant 0 : i32
    %broadcast_in_dim3A_62 = vector.broadcast %jit3A_60 : i32 to vector<16xi32>
    %broadcast_in_dim3A_63 = vector.broadcast %jit3A_61 : i32 to vector<16xi32>
    %select_n3A_64 = arith.select %eq3A_59, %broadcast_in_dim3A_62, %broadcast_in_dim3A_63 : vector<16xi1>, vector<16xi32>
    %add3A_65 = arith.addi %get3A_53, %select_n3A_64 : vector<16xi32>
    %jit3A_66 = arith.constant -1 : i32
    %jit3A_67 = arith.constant 100999 : i32
    %max3A_68 = vector.broadcast %jit3A_66 : i32 to vector<16xi32>
    %max3A_69 = arith.maxsi %max3A_68, %add3A_65 : vector<16xi32>
    %min3A_70 = vector.broadcast %jit3A_67 : i32 to vector<16xi32>
    %min3A_71 = arith.minsi %min3A_70, %max3A_69 : vector<16xi32>
    %add3A_72 = arith.constant 1 : i32
    %add3A_73 = vector.broadcast %add3A_72 : i32 to vector<16xi32>
    %add3A_74 = arith.addi %min3A_71, %add3A_73 : vector<16xi32>
    %swap3A_75 = arith.constant 32 : index
    %swap3A_76 = tpu.vector_load %arg6[%swap3A_75] {strides = array<i32>} : memref<6400xi32, #tpu.memory_space<vmem>>, vector<16xi32>,
    %swap3A_77 = vector.shape_cast %swap3A_76 : vector<16xi32> to vector<16xi32>
    %swap3A_78 = vector.shape_cast %add3A_74 : vector<16xi32> to vector<16xi32>
    tpu.vector_store %arg6[%swap3A_75], %swap3A_78 {strides = array<i32>} : memref<6400xi32, #tpu.memory_space<vmem>>, vector<16xi32>,
    %get3A_79 = arith.constant 48 : index
    %get3A_80 = tpu.vector_load %arg6[%get3A_79] {strides = array<i32>} : memref<6400xi32, #tpu.memory_space<vmem>>, vector<16xi32>,
    %get3A_81 = vector.shape_cast %get3A_80 : vector<16xi32> to vector<16xi32>
    %get3A_82 = arith.constant 48 : index
    %get3A_83 = tpu.vector_load %arg7[%get3A_82] {strides = array<i32>} : memref<6400xi32, #tpu.memory_space<vmem>>, vector<16xi32>,
    %get3A_84 = vector.shape_cast %get3A_83 : vector<16xi32> to vector<16xi32>
    %eq3A_85 = arith.constant 2 : i32
    %eq3A_86 = vector.broadcast %eq3A_85 : i32 to vector<16xi32>
    %eq3A_87 = arith.cmpi eq, %get3A_84, %eq3A_86 : vector<16xi32>
    %jit3A_88 = arith.constant 100000 : i32
    %jit3A_89 = arith.constant 0 : i32
    %broadcast_in_dim3A_90 = vector.broadcast %jit3A_88 : i32 to vector<16xi32>
    %broadcast_in_dim3A_91 = vector.broadcast %jit3A_89 : i32 to vector<16xi32>
    %select_n3A_92 = arith.select %eq3A_87, %broadcast_in_dim3A_90, %broadcast_in_dim3A_91 : vector<16xi1>, vector<16xi32>
    %add3A_93 = arith.addi %get3A_81, %select_n3A_92 : vector<16xi32>
    %jit3A_94 = arith.constant -1 : i32
    %jit3A_95 = arith.constant 100999 : i32
    %max3A_96 = vector.broadcast %jit3A_94 : i32 to vector<16xi32>
    %max3A_97 = arith.maxsi %max3A_96, %add3A_93 : vector<16xi32>
    %min3A_98 = vector.broadcast %jit3A_95 : i32 to vector<16xi32>
    %min3A_99 = arith.minsi %min3A_98, %max3A_97 : vector<16xi32>
    %add3A_100 = arith.constant 1 : i32
    %add3A_101 = vector.broadcast %add3A_100 : i32 to vector<16xi32>
    %add3A_102 = arith.addi %min3A_99, %add3A_101 : vector<16xi32>
    %swap3A_103 = arith.constant 48 : index
    %swap3A_104 = tpu.vector_load %arg6[%swap3A_103] {strides = array<i32>} : memref<6400xi32, #tpu.memory_space<vmem>>, vector<16xi32>,
    %swap3A_105 = vector.shape_cast %swap3A_104 : vector<16xi32> to vector<16xi32>
    %swap3A_106 = vector.shape_cast %add3A_102 : vector<16xi32> to vector<16xi32>
    tpu.vector_store %arg6[%swap3A_103], %swap3A_106 {strides = array<i32>} : memref<6400xi32, #tpu.memory_space<vmem>>, vector<16xi32>,
    %get3A_107 = arith.constant 64 : index
    %get3A_108 = tpu.vector_load %arg6[%get3A_107] {strides = array<i32>} : memref<6400xi32, #tpu.memory_space<vmem>>, vector<16xi32>,
    %get3A_109 = vector.shape_cast %get3A_108 : vector<16xi32> to vector<16xi32>
    %get3A_110 = arith.constant 64 : index
    %get3A_111 = tpu.vector_load %arg7[%get3A_110] {strides = array<i32>} : memref<6400xi32, #tpu.memory_space<vmem>>, vector<16xi32>,
    %get3A_112 = vector.shape_cast %get3A_111 : vector<16xi32> to vector<16xi32>
    %eq3A_113 = arith.constant 2 : i32
    %eq3A_114 = vector.broadcast %eq3A_113 : i32 to vector<16xi32>
    %eq3A_115 = arith.cmpi eq, %get3A_112, %eq3A_114 : vector<16xi32>
    %jit3A_116 = arith.constant 100000 : i32
    %jit3A_117 = arith.constant 0 : i32
    %broadcast_in_dim3A_118 = vector.broadcast %jit3A_116 : i32 to vector<16xi32>
    %broadcast_in_dim3A_119 = vector.broadcast %jit3A_117 : i32 to vector<16xi32>
    %select_n3A_120 = arith.select %eq3A_115, %broadcast_in_dim3A_118, %broadcast_in_dim3A_119 : vector<16xi1>, vector<16xi32>
    %add3A_121 = arith.addi %get3A_109, %select_n3A_120 : vector<16xi32>
    %jit3A_122 = arith.constant -1 : i32
    %jit3A_123 = arith.constant 100999 : i32
    %max3A_124 = vector.broadcast %jit3A_122 : i32 to vector<16xi32>
    %max3A_125 = arith.maxsi %max3A_124, %add3A_121 : vector<16xi32>
    %min3A_126 = vector.broadcast %jit3A_123 : i32 to vector<16xi32>
    %min3A_127 = arith.minsi %min3A_126, %max3A_125 : vector<16xi32>
    %add3A_128 = arith.constant 1 : i32
    %add3A_129 = vector.broadcast %add3A_128 : i32 to vector<16xi32>
    %add3A_130 = arith.addi %min3A_127, %add3A_129 : vector<16xi32>
    %swap3A_131 = arith.constant 64 : index
    %swap3A_132 = tpu.vector_load %arg6[%swap3A_131] {strides = array<i32>} : memref<6400xi32, #tpu.memory_space<vmem>>, vector<16xi32>,
    %swap3A_133 = vector.shape_cast %swap3A_132 : vector<16xi32> to vector<16xi32>
    %swap3A_134 = vector.shape_cast %add3A_130 : vector<16xi32> to vector<16xi32>
    tpu.vector_store %arg6[%swap3A_131], %swap3A_134 {strides = array<i32>} : memref<6400xi32, #tpu.memory_space<vmem>>, vector<16xi32>,
    %get3A_135 = arith.constant 80 : index
    %get3A_136 = tpu.vector_load %arg6[%get3A_135] {strides = array<i32>} : memref<6400xi32, #tpu.memory_space<vmem>>, vector<16xi32>,
    %get3A_137 = vector.shape_cast %get3A_136 : vector<16xi32> to vector<16xi32>
    %get3A_138 = arith.constant 80 : index
    %get3A_139 = tpu.vector_load %arg7[%get3A_138] {strides = array<i32>} : memref<6400xi32, #tpu.memory_space<vmem>>, vector<16xi32>,
    %get3A_140 = vector.shape_cast %get3A_139 : vector<16xi32> to vector<16xi32>
    %eq3A_141 = arith.constant 2 : i32
    %eq3A_142 = vector.broadcast %eq3A_141 : i32 to vector<16xi32>
    %eq3A_143 = arith.cmpi eq, %get3A_140, %eq3A_142 : vector<16xi32>
    %jit3A_144 = arith.constant 100000 : i32
    %jit3A_145 = arith.constant 0 : i32
    %broadcast_in_dim3A_146 = vector.broadcast %jit3A_144 : i32 to vector<16xi32>
    %broadcast_in_dim3A_147 = vector.broadcast %jit3A_145 : i32 to vector<16xi32>
    %select_n3A_148 = arith.select %eq3A_143, %broadcast_in_dim3A_146, %broadcast_in_dim3A_147 : vector<16xi1>, vector<16xi32>
    %add3A_149 = arith.addi %get3A_137, %select_n3A_148 : vector<16xi32>
    %jit3A_150 = arith.constant -1 : i32
    %jit3A_151 = arith.constant 100999 : i32
    %max3A_152 = vector.broadcast %jit3A_150 : i32 to vector<16xi32>
    %max3A_153 = arith.maxsi %max3A_152, %add3A_149 : vector<16xi32>
    %min3A_154 = vector.broadcast %jit3A_151 : i32 to vector<16xi32>
    %min3A_155 = arith.minsi %min3A_154, %max3A_153 : vector<16xi32>
    %add3A_156 = arith.constant 1 : i32
    %add3A_157 = vector.broadcast %add3A_156 : i32 to vector<16xi32>
    %add3A_158 = arith.addi %min3A_155, %add3A_157 : vector<16xi32>
    %swap3A_159 = arith.constant 80 : index
    %swap3A_160 = tpu.vector_load %arg6[%swap3A_159] {strides = array<i32>} : memref<6400xi32, #tpu.memory_space<vmem>>, vector<16xi32>,
    %swap3A_161 = vector.shape_cast %swap3A_160 : vector<16xi32> to vector<16xi32>
    %swap3A_162 = vector.shape_cast %add3A_158 : vector<16xi32> to vector<16xi32>
    tpu.vector_store %arg6[%swap3A_159], %swap3A_162 {strides = array<i32>} : memref<6400xi32, #tpu.memory_space<vmem>>, vector<16xi32>,
    %get3A_163 = arith.constant 96 : index
    %get3A_164 = tpu.vector_load %arg6[%get3A_163] {strides = array<i32>} : memref<6400xi32, #tpu.memory_space<vmem>>, vector<16xi32>,
    %get3A_165 = vector.shape_cast %get3A_164 : vector<16xi32> to vector<16xi32>
    %get3A_166 = arith.constant 96 : index
    %get3A_167 = tpu.vector_load %arg7[%get3A_166] {strides = array<i32>} : memref<6400xi32, #tpu.memory_space<vmem>>, vector<16xi32>,
    %get3A_168 = vector.shape_cast %get3A_167 : vector<16xi32> to vector<16xi32>
    %eq3A_169 = arith.constant 2 : i32
    %eq3A_170 = vector.broadcast %eq3A_169 : i32 to vector<16xi32>
    %eq3A_171 = arith.cmpi eq, %get3A_168, %eq3A_170 : vector<16xi32>
    %jit3A_172 = arith.constant 100000 : i32
    %jit3A_173 = arith.constant 0 : i32
    %broadcast_in_dim3A_174 = vector.broadcast %jit3A_172 : i32 to vector<16xi32>
    %broadcast_in_dim3A_175 = vector.broadcast %jit3A_173 : i32 to vector<16xi32>
    %select_n3A_176 = arith.select %eq3A_171, %broadcast_in_dim3A_174, %broadcast_in_dim3A_175 : vector<16xi1>, vector<16xi32>
    %add3A_177 = arith.addi %get3A_165, %select_n3A_176 : vector<16xi32>
    %jit3A_178 = arith.constant -1 : i32
    %jit3A_179 = arith.constant 100999 : i32
    %max3A_180 = vector.broadcast %jit3A_178 : i32 to vector<16xi32>
    %max3A_181 = arith.maxsi %max3A_180, %add3A_177 : vector<16xi32>
    %min3A_182 = vector.broadcast %jit3A_179 : i32 to vector<16xi32>
    %min3A_183 = arith.minsi %min3A_182, %max3A_181 : vector<16xi32>
    %add3A_184 = arith.constant 1 : i32
    %add3A_185 = vector.broadcast %add3A_184 : i32 to vector<16xi32>
    %add3A_186 = arith.addi %min3A_183, %add3A_185 : vector<16xi32>
    %swap3A_187 = arith.constant 96 : index
    %swap3A_188 = tpu.vector_load %arg6[%swap3A_187] {strides = array<i32>} : memref<6400xi32, #tpu.memory_space<vmem>>, vector<16xi32>,
    %swap3A_189 = vector.shape_cast %swap3A_188 : vector<16xi32> to vector<16xi32>
    %swap3A_190 = vector.shape_cast %add3A_186 : vector<16xi32> to vector<16xi32>
    tpu.vector_store %arg6[%swap3A_187], %swap3A_190 {strides = array<i32>} : memref<6400xi32, #tpu.memory_space<vmem>>, vector<16xi32>,
    %get3A_191 = arith.constant 112 : index
    %get3A_192 = tpu.vector_load %arg6[%get3A_191] {strides = array<i32>} : memref<6400xi32, #tpu.memory_space<vmem>>, vector<16xi32>,
    %get3A_193 = vector.shape_cast %get3A_192 : vector<16xi32> to vector<16xi32>
    %get3A_194 = arith.constant 112 : index
    %get3A_195 = tpu.vector_load %arg7[%get3A_194] {strides = array<i32>} : memref<6400xi32, #tpu.memory_space<vmem>>, vector<16xi32>,
    %get3A_196 = vector.shape_cast %get3A_195 : vector<16xi32> to vector<16xi32>
    %eq3A_197 = arith.constant 2 : i32
    %eq3A_198 = vector.broadcast %eq3A_197 : i32 to vector<16xi32>
    %eq3A_199 = arith.cmpi eq, %get3A_196, %eq3A_198 : vector<16xi32>
    %jit3A_200 = arith.constant 100000 : i32
    %jit3A_201 = arith.constant 0 : i32
    %broadcast_in_dim3A_202 = vector.broadcast %jit3A_200 : i32 to vector<16xi32>
    %broadcast_in_dim3A_203 = vector.broadcast %jit3A_201 : i32 to vector<16xi32>
    %select_n3A_204 = arith.select %eq3A_199, %broadcast_in_dim3A_202, %broadcast_in_dim3A_203 : vector<16xi1>, vector<16xi32>
    %add3A_205 = arith.addi %get3A_193, %select_n3A_204 : vector<16xi32>
    %jit3A_206 = arith.constant -1 : i32
    %jit3A_207 = arith.constant 100999 : i32
    %max3A_208 = vector.broadcast %jit3A_206 : i32 to vector<16xi32>
    %max3A_209 = arith.maxsi %max3A_208, %add3A_205 : vector<16xi32>
    %min3A_210 = vector.broadcast %jit3A_207 : i32 to vector<16xi32>
    %min3A_211 = arith.minsi %min3A_210, %max3A_209 : vector<16xi32>
    %add3A_212 = arith.constant 1 : i32
    %add3A_213 = vector.broadcast %add3A_212 : i32 to vector<16xi32>
    %add3A_214 = arith.addi %min3A_211, %add3A_213 : vector<16xi32>
    %swap3A_215 = arith.constant 112 : index
    %swap3A_216 = tpu.vector_load %arg6[%swap3A_215] {strides = array<i32>} : memref<6400xi32, #tpu.memory_space<vmem>>, vector<16xi32>,
    %swap3A_217 = vector.shape_cast %swap3A_216 : vector<16xi32> to vector<16xi32>
    %swap3A_218 = vector.shape_cast %add3A_214 : vector<16xi32> to vector<16xi32>
    tpu.vector_store %arg6[%swap3A_215], %swap3A_218 {strides = array<i32>} : memref<6400xi32, #tpu.memory_space<vmem>>, vector<16xi32>,
    %dma_start3A = arith.constant 0 : i32
    %dma_start3A_219 = tpu.memref_slice %arg6[%dma_start3A] : memref<6400xi32, #tpu.memory_space<vmem>> -> memref<128xi32, #tpu.memory_space<vmem>>
    %dma_start3A_220 = arith.constant 0 : i32
    %dma_start3A_221 = arith.constant 0 : i32
    %dma_start3A_222 = tpu.memref_slice %arg4[%dma_start3A_220, %dma_start3A_221] : memref<101001x128xf32, #tpu.memory_space<hbm>> -> memref<101001x128xf32, #tpu.memory_space<hbm>>
    tpu.enqueue_indirect_dma source(%dma_start3A_222 : memref<101001x128xf32, #tpu.memory_space<hbm>>) target(%arg8 : memref<128x128xf32, #tpu.memory_space<vmem>>) offsets(%dma_start3A_219 : memref<128xi32, #tpu.memory_space<vmem>>) semaphore(%arg13 : memref<!tpu.dma_semaphore, #tpu.memory_space<semaphore_mem>>)
    %get3A_223 = arith.constant 128 : index
    %get3A_224 = tpu.vector_load %arg6[%get3A_223] {strides = array<i32>} : memref<6400xi32, #tpu.memory_space<vmem>>, vector<16xi32>,
    %get3A_225 = vector.shape_cast %get3A_224 : vector<16xi32> to vector<16xi32>
    %get3A_226 = arith.constant 128 : index
    %get3A_227 = tpu.vector_load %arg7[%get3A_226] {strides = array<i32>} : memref<6400xi32, #tpu.memory_space<vmem>>, vector<16xi32>,
    %get3A_228 = vector.shape_cast %get3A_227 : vector<16xi32> to vector<16xi32>
    %eq3A_229 = arith.constant 2 : i32
    %eq3A_230 = vector.broadcast %eq3A_229 : i32 to vector<16xi32>
    %eq3A_231 = arith.cmpi eq, %get3A_228, %eq3A_230 : vector<16xi32>
    %jit3A_232 = arith.constant 100000 : i32
    %jit3A_233 = arith.constant 0 : i32
    %broadcast_in_dim3A_234 = vector.broadcast %jit3A_232 : i32 to vector<16xi32>
    %broadcast_in_dim3A_235 = vector.broadcast %jit3A_233 : i32 to vector<16xi32>
    %select_n3A_236 = arith.select %eq3A_231, %broadcast_in_dim3A_234, %broadcast_in_dim3A_235 : vector<16xi1>, vector<16xi32>
    %add3A_237 = arith.addi %get3A_225, %select_n3A_236 : vector<16xi32>
    %jit3A_238 = arith.constant -1 : i32
    %jit3A_239 = arith.constant 100999 : i32
    %max3A_240 = vector.broadcast %jit3A_238 : i32 to vector<16xi32>
    %max3A_241 = arith.maxsi %max3A_240, %add3A_237 : vector<16xi32>
    %min3A_242 = vector.broadcast %jit3A_239 : i32 to vector<16xi32>
    %min3A_243 = arith.minsi %min3A_242, %max3A_241 : vector<16xi32>
    %add3A_244 = arith.constant 1 : i32
    %add3A_245 = vector.broadcast %add3A_244 : i32 to vector<16xi32>
    %add3A_246 = arith.addi %min3A_243, %add3A_245 : vector<16xi32>
    %swap3A_247 = arith.constant 128 : index
    %swap3A_248 = tpu.vector_load %arg6[%swap3A_247] {strides = array<i32>} : memref<6400xi32, #tpu.memory_space<vmem>>, vector<16xi32>,
    %swap3A_249 = vector.shape_cast %swap3A_248 : vector<16xi32> to vector<16xi32>
    %swap3A_250 = vector.shape_cast %add3A_246 : vector<16xi32> to vector<16xi32>
    tpu.vector_store %arg6[%swap3A_247], %swap3A_250 {strides = array<i32>} : memref<6400xi32, #tpu.memory_space<vmem>>, vector<16xi32>,
    %get3A_251 = arith.constant 144 : index
    %get3A_252 = tpu.vector_load %arg6[%get3A_251] {strides = array<i32>} : memref<6400xi32, #tpu.memory_space<vmem>>, vector<16xi32>,
    %get3A_253 = vector.shape_cast %get3A_252 : vector<16xi32> to vector<16xi32>
    %get3A_254 = arith.constant 144 : index
    %get3A_255 = tpu.vector_load %arg7[%get3A_254] {strides = array<i32>} : memref<6400xi32, #tpu.memory_space<vmem>>, vector<16xi32>,
    %get3A_256 = vector.shape_cast %get3A_255 : vector<16xi32> to vector<16xi32>
    %eq3A_257 = arith.constant 2 : i32
    %eq3A_258 = vector.broadcast %eq3A_257 : i32 to vector<16xi32>
    %eq3A_259 = arith.cmpi eq, %get3A_256, %eq3A_258 : vector<16xi32>
    %jit3A_260 = arith.constant 100000 : i32
    %jit3A_261 = arith.constant 0 : i32
    %broadcast_in_dim3A_262 = vector.broadcast %jit3A_260 : i32 to vector<16xi32>
    %broadcast_in_dim3A_263 = vector.broadcast %jit3A_261 : i32 to vector<16xi32>
    %select_n3A_264 = arith.select %eq3A_259, %broadcast_in_dim3A_262, %broadcast_in_dim3A_263 : vector<16xi1>, vector<16xi32>
    %add3A_265 = arith.addi %get3A_253, %select_n3A_264 : vector<16xi32>
    %jit3A_266 = arith.constant -1 : i32
    %jit3A_267 = arith.constant 100999 : i32
    %max3A_268 = vector.broadcast %jit3A_266 : i32 to vector<16xi32>
    %max3A_269 = arith.maxsi %max3A_268, %add3A_265 : vector<16xi32>
    %min3A_270 = vector.broadcast %jit3A_267 : i32 to vector<16xi32>
    %min3A_271 = arith.minsi %min3A_270, %max3A_269 : vector<16xi32>
    %add3A_272 = arith.constant 1 : i32
    %add3A_273 = vector.broadcast %add3A_272 : i32 to vector<16xi32>
    %add3A_274 = arith.addi %min3A_271, %add3A_273 : vector<16xi32>
    %swap3A_275 = arith.constant 144 : index
    %swap3A_276 = tpu.vector_load %arg6[%swap3A_275] {strides = array<i32>} : memref<6400xi32, #tpu.memory_space<vmem>>, vector<16xi32>,
    %swap3A_277 = vector.shape_cast %swap3A_276 : vector<16xi32> to vector<16xi32>
    %swap3A_278 = vector.shape_cast %add3A_274 : vector<16xi32> to vector<16xi32>
    tpu.vector_store %arg6[%swap3A_275], %swap3A_278 {strides = array<i32>} : memref<6400xi32, #tpu.memory_space<vmem>>, vector<16xi32>,
    %get3A_279 = arith.constant 160 : index
    %get3A_280 = tpu.vector_load %arg6[%get3A_279] {strides = array<i32>} : memref<6400xi32, #tpu.memory_space<vmem>>, vector<16xi32>,
    %get3A_281 = vector.shape_cast %get3A_280 : vector<16xi32> to vector<16xi32>
    %get3A_282 = arith.constant 160 : index
    %get3A_283 = tpu.vector_load %arg7[%get3A_282] {strides = array<i32>} : memref<6400xi32, #tpu.memory_space<vmem>>, vector<16xi32>,
    %get3A_284 = vector.shape_cast %get3A_283 : vector<16xi32> to vector<16xi32>
    %eq3A_285 = arith.constant 2 : i32
    %eq3A_286 = vector.broadcast %eq3A_285 : i32 to vector<16xi32>
    %eq3A_287 = arith.cmpi eq, %get3A_284, %eq3A_286 : vector<16xi32>
    %jit3A_288 = arith.constant 100000 : i32
    %jit3A_289 = arith.constant 0 : i32
    %broadcast_in_dim3A_290 = vector.broadcast %jit3A_288 : i32 to vector<16xi32>
    %broadcast_in_dim3A_291 = vector.broadcast %jit3A_289 : i32 to vector<16xi32>
    %select_n3A_292 = arith.select %eq3A_287, %broadcast_in_dim3A_290, %broadcast_in_dim3A_291 : vector<16xi1>, vector<16xi32>
    %add3A_293 = arith.addi %get3A_281, %select_n3A_292 : vector<16xi32>
    %jit3A_294 = arith.constant -1 : i32
    %jit3A_295 = arith.constant 100999 : i32
    %max3A_296 = vector.broadcast %jit3A_294 : i32 to vector<16xi32>
    %max3A_297 = arith.maxsi %max3A_296, %add3A_293 : vector<16xi32>
    %min3A_298 = vector.broadcast %jit3A_295 : i32 to vector<16xi32>
    %min3A_299 = arith.minsi %min3A_298, %max3A_297 : vector<16xi32>
    %add3A_300 = arith.constant 1 : i32
    %add3A_301 = vector.broadcast %add3A_300 : i32 to vector<16xi32>
    %add3A_302 = arith.addi %min3A_299, %add3A_301 : vector<16xi32>
    %swap3A_303 = arith.constant 160 : index
    %swap3A_304 = tpu.vector_load %arg6[%swap3A_303] {strides = array<i32>} : memref<6400xi32, #tpu.memory_space<vmem>>, vector<16xi32>,
    %swap3A_305 = vector.shape_cast %swap3A_304 : vector<16xi32> to vector<16xi32>
    %swap3A_306 = vector.shape_cast %add3A_302 : vector<16xi32> to vector<16xi32>
    tpu.vector_store %arg6[%swap3A_303], %swap3A_306 {strides = array<i32>} : memref<6400xi32, #tpu.memory_space<vmem>>, vector<16xi32>,
    %get3A_307 = arith.constant 176 : index
    %get3A_308 = tpu.vector_load %arg6[%get3A_307] {strides = array<i32>} : memref<6400xi32, #tpu.memory_space<vmem>>, vector<16xi32>,
    %get3A_309 = vector.shape_cast %get3A_308 : vector<16xi32> to vector<16xi32>
    %get3A_310 = arith.constant 176 : index
    %get3A_311 = tpu.vector_load %arg7[%get3A_310] {strides = array<i32>} : memref<6400xi32, #tpu.memory_space<vmem>>, vector<16xi32>,
    %get3A_312 = vector.shape_cast %get3A_311 : vector<16xi32> to vector<16xi32>
    %eq3A_313 = arith.constant 2 : i32
    %eq3A_314 = vector.broadcast %eq3A_313 : i32 to vector<16xi32>
    %eq3A_315 = arith.cmpi eq, %get3A_312, %eq3A_314 : vector<16xi32>
    %jit3A_316 = arith.constant 100000 : i32
    %jit3A_317 = arith.constant 0 : i32
    %broadcast_in_dim3A_318 = vector.broadcast %jit3A_316 : i32 to vector<16xi32>
    %broadcast_in_dim3A_319 = vector.broadcast %jit3A_317 : i32 to vector<16xi32>
    %select_n3A_320 = arith.select %eq3A_315, %broadcast_in_dim3A_318, %broadcast_in_dim3A_319 : vector<16xi1>, vector<16xi32>
    %add3A_321 = arith.addi %get3A_309, %select_n3A_320 : vector<16xi32>
    %jit3A_322 = arith.constant -1 : i32
    %jit3A_323 = arith.constant 100999 : i32
    %max3A_324 = vector.broadcast %jit3A_322 : i32 to vector<16xi32>
    %max3A_325 = arith.maxsi %max3A_324, %add3A_321 : vector<16xi32>
    %min3A_326 = vector.broadcast %jit3A_323 : i32 to vector<16xi32>
    %min3A_327 = arith.minsi %min3A_326, %max3A_325 : vector<16xi32>
    %add3A_328 = arith.constant 1 : i32
    %add3A_329 = vector.broadcast %add3A_328 : i32 to vector<16xi32>
    %add3A_330 = arith.addi %min3A_327, %add3A_329 : vector<16xi32>
    %swap3A_331 = arith.constant 176 : index
    %swap3A_332 = tpu.vector_load %arg6[%swap3A_331] {strides = array<i32>} : memref<6400xi32, #tpu.memory_space<vmem>>, vector<16xi32>,
    %swap3A_333 = vector.shape_cast %swap3A_332 : vector<16xi32> to vector<16xi32>
    %swap3A_334 = vector.shape_cast %add3A_330 : vector<16xi32> to vector<16xi32>
    tpu.vector_store %arg6[%swap3A_331], %swap3A_334 {strides = array<i32>} : memref<6400xi32, #tpu.memory_space<vmem>>, vector<16xi32>,
    %get3A_335 = arith.constant 192 : index
    %get3A_336 = tpu.vector_load %arg6[%get3A_335] {strides = array<i32>} : memref<6400xi32, #tpu.memory_space<vmem>>, vector<16xi32>,
    %get3A_337 = vector.shape_cast %get3A_336 : vector<16xi32> to vector<16xi32>
    %get3A_338 = arith.constant 192 : index
    %get3A_339 = tpu.vector_load %arg7[%get3A_338] {strides = array<i32>} : memref<6400xi32, #tpu.memory_space<vmem>>, vector<16xi32>,
    %get3A_340 = vector.shape_cast %get3A_339 : vector<16xi32> to vector<16xi32>
    %eq3A_341 = arith.constant 2 : i32
    %eq3A_342 = vector.broadcast %eq3A_341 : i32 to vector<16xi32>
    %eq3A_343 = arith.cmpi eq, %get3A_340, %eq3A_342 : vector<16xi32>
    %jit3A_344 = arith.constant 100000 : i32
    %jit3A_345 = arith.constant 0 : i32
    %broadcast_in_dim3A_346 = vector.broadcast %jit3A_344 : i32 to vector<16xi32>
    %broadcast_in_dim3A_347 = vector.broadcast %jit3A_345 : i32 to vector<16xi32>
    %select_n3A_348 = arith.select %eq3A_343, %broadcast_in_dim3A_346, %broadcast_in_dim3A_347 : vector<16xi1>, vector<16xi32>
    %add3A_349 = arith.addi %get3A_337, %select_n3A_348 : vector<16xi32>
    %jit3A_350 = arith.constant -1 : i32
    %jit3A_351 = arith.constant 100999 : i32
    %max3A_352 = vector.broadcast %jit3A_350 : i32 to vector<16xi32>
    %max3A_353 = arith.maxsi %max3A_352, %add3A_349 : vector<16xi32>
    %min3A_354 = vector.broadcast %jit3A_351 : i32 to vector<16xi32>
    %min3A_355 = arith.minsi %min3A_354, %max3A_353 : vector<16xi32>
    %add3A_356 = arith.constant 1 : i32
    %add3A_357 = vector.broadcast %add3A_356 : i32 to vector<16xi32>
    %add3A_358 = arith.addi %min3A_355, %add3A_357 : vector<16xi32>
    %swap3A_359 = arith.constant 192 : index
    %swap3A_360 = tpu.vector_load %arg6[%swap3A_359] {strides = array<i32>} : memref<6400xi32, #tpu.memory_space<vmem>>, vector<16xi32>,
    %swap3A_361 = vector.shape_cast %swap3A_360 : vector<16xi32> to vector<16xi32>
    %swap3A_362 = vector.shape_cast %add3A_358 : vector<16xi32> to vector<16xi32>
    tpu.vector_store %arg6[%swap3A_359], %swap3A_362 {strides = array<i32>} : memref<6400xi32, #tpu.memory_space<vmem>>, vector<16xi32>,
    %get3A_363 = arith.constant 208 : index
    %get3A_364 = tpu.vector_load %arg6[%get3A_363] {strides = array<i32>} : memref<6400xi32, #tpu.memory_space<vmem>>, vector<16xi32>,
    %get3A_365 = vector.shape_cast %get3A_364 : vector<16xi32> to vector<16xi32>
    %get3A_366 = arith.constant 208 : index
    %get3A_367 = tpu.vector_load %arg7[%get3A_366] {strides = array<i32>} : memref<6400xi32, #tpu.memory_space<vmem>>, vector<16xi32>,
    %get3A_368 = vector.shape_cast %get3A_367 : vector<16xi32> to vector<16xi32>
    %eq3A_369 = arith.constant 2 : i32
    %eq3A_370 = vector.broadcast %eq3A_369 : i32 to vector<16xi32>
    %eq3A_371 = arith.cmpi eq, %get3A_368, %eq3A_370 : vector<16xi32>
    %jit3A_372 = arith.constant 100000 : i32
    %jit3A_373 = arith.constant 0 : i32
    %broadcast_in_dim3A_374 = vector.broadcast %jit3A_372 : i32 to vector<16xi32>
    %broadcast_in_dim3A_375 = vector.broadcast %jit3A_373 : i32 to vector<16xi32>
    %select_n3A_376 = arith.select %eq3A_371, %broadcast_in_dim3A_374, %broadcast_in_dim3A_375 : vector<16xi1>, vector<16xi32>
    %add3A_377 = arith.addi %get3A_365, %select_n3A_376 : vector<16xi32>
    %jit3A_378 = arith.constant -1 : i32
    %jit3A_379 = arith.constant 100999 : i32
    %max3A_380 = vector.broadcast %jit3A_378 : i32 to vector<16xi32>
    %max3A_381 = arith.maxsi %max3A_380, %add3A_377 : vector<16xi32>
    %min3A_382 = vector.broadcast %jit3A_379 : i32 to vector<16xi32>
    %min3A_383 = arith.minsi %min3A_382, %max3A_381 : vector<16xi32>
    %add3A_384 = arith.constant 1 : i32
    %add3A_385 = vector.broadcast %add3A_384 : i32 to vector<16xi32>
    %add3A_386 = arith.addi %min3A_383, %add3A_385 : vector<16xi32>
    %swap3A_387 = arith.constant 208 : index
    %swap3A_388 = tpu.vector_load %arg6[%swap3A_387] {strides = array<i32>} : memref<6400xi32, #tpu.memory_space<vmem>>, vector<16xi32>,
    %swap3A_389 = vector.shape_cast %swap3A_388 : vector<16xi32> to vector<16xi32>
    %swap3A_390 = vector.shape_cast %add3A_386 : vector<16xi32> to vector<16xi32>
    tpu.vector_store %arg6[%swap3A_387], %swap3A_390 {strides = array<i32>} : memref<6400xi32, #tpu.memory_space<vmem>>, vector<16xi32>,
    %get3A_391 = arith.constant 224 : index
    %get3A_392 = tpu.vector_load %arg6[%get3A_391] {strides = array<i32>} : memref<6400xi32, #tpu.memory_space<vmem>>, vector<16xi32>,
    %get3A_393 = vector.shape_cast %get3A_392 : vector<16xi32> to vector<16xi32>
    %get3A_394 = arith.constant 224 : index
    %get3A_395 = tpu.vector_load %arg7[%get3A_394] {strides = array<i32>} : memref<6400xi32, #tpu.memory_space<vmem>>, vector<16xi32>,
    %get3A_396 = vector.shape_cast %get3A_395 : vector<16xi32> to vector<16xi32>
    %eq3A_397 = arith.constant 2 : i32
    %eq3A_398 = vector.broadcast %eq3A_397 : i32 to vector<16xi32>
    %eq3A_399 = arith.cmpi eq, %get3A_396, %eq3A_398 : vector<16xi32>
    %jit3A_400 = arith.constant 100000 : i32
    %jit3A_401 = arith.constant 0 : i32
    %broadcast_in_dim3A_402 = vector.broadcast %jit3A_400 : i32 to vector<16xi32>
    %broadcast_in_dim3A_403 = vector.broadcast %jit3A_401 : i32 to vector<16xi32>
    %select_n3A_404 = arith.select %eq3A_399, %broadcast_in_dim3A_402, %broadcast_in_dim3A_403 : vector<16xi1>, vector<16xi32>
    %add3A_405 = arith.addi %get3A_393, %select_n3A_404 : vector<16xi32>
    %jit3A_406 = arith.constant -1 : i32
    %jit3A_407 = arith.constant 100999 : i32
    %max3A_408 = vector.broadcast %jit3A_406 : i32 to vector<16xi32>
    %max3A_409 = arith.maxsi %max3A_408, %add3A_405 : vector<16xi32>
    %min3A_410 = vector.broadcast %jit3A_407 : i32 to vector<16xi32>
    %min3A_411 = arith.minsi %min3A_410, %max3A_409 : vector<16xi32>
    %add3A_412 = arith.constant 1 : i32
    %add3A_413 = vector.broadcast %add3A_412 : i32 to vector<16xi32>
    %add3A_414 = arith.addi %min3A_411, %add3A_413 : vector<16xi32>
    %swap3A_415 = arith.constant 224 : index
    %swap3A_416 = tpu.vector_load %arg6[%swap3A_415] {strides = array<i32>} : memref<6400xi32, #tpu.memory_space<vmem>>, vector<16xi32>,
    %swap3A_417 = vector.shape_cast %swap3A_416 : vector<16xi32> to vector<16xi32>
    %swap3A_418 = vector.shape_cast %add3A_414 : vector<16xi32> to vector<16xi32>
    tpu.vector_store %arg6[%swap3A_415], %swap3A_418 {strides = array<i32>} : memref<6400xi32, #tpu.memory_space<vmem>>, vector<16xi32>,
    %get3A_419 = arith.constant 240 : index
    %get3A_420 = tpu.vector_load %arg6[%get3A_419] {strides = array<i32>} : memref<6400xi32, #tpu.memory_space<vmem>>, vector<16xi32>,
    %get3A_421 = vector.shape_cast %get3A_420 : vector<16xi32> to vector<16xi32>
    %get3A_422 = arith.constant 240 : index
    %get3A_423 = tpu.vector_load %arg7[%get3A_422] {strides = array<i32>} : memref<6400xi32, #tpu.memory_space<vmem>>, vector<16xi32>,
    %get3A_424 = vector.shape_cast %get3A_423 : vector<16xi32> to vector<16xi32>
    %eq3A_425 = arith.constant 2 : i32
    %eq3A_426 = vector.broadcast %eq3A_425 : i32 to vector<16xi32>
    %eq3A_427 = arith.cmpi eq, %get3A_424, %eq3A_426 : vector<16xi32>
    %jit3A_428 = arith.constant 100000 : i32
    %jit3A_429 = arith.constant 0 : i32
    %broadcast_in_dim3A_430 = vector.broadcast %jit3A_428 : i32 to vector<16xi32>
    %broadcast_in_dim3A_431 = vector.broadcast %jit3A_429 : i32 to vector<16xi32>
    %select_n3A_432 = arith.select %eq3A_427, %broadcast_in_dim3A_430, %broadcast_in_dim3A_431 : vector<16xi1>, vector<16xi32>
    %add3A_433 = arith.addi %get3A_421, %select_n3A_432 : vector<16xi32>
    %jit3A_434 = arith.constant -1 : i32
    %jit3A_435 = arith.constant 100999 : i32
    %max3A_436 = vector.broadcast %jit3A_434 : i32 to vector<16xi32>
    %max3A_437 = arith.maxsi %max3A_436, %add3A_433 : vector<16xi32>
    %min3A_438 = vector.broadcast %jit3A_435 : i32 to vector<16xi32>
    %min3A_439 = arith.minsi %min3A_438, %max3A_437 : vector<16xi32>
    %add3A_440 = arith.constant 1 : i32
    %add3A_441 = vector.broadcast %add3A_440 : i32 to vector<16xi32>
    %add3A_442 = arith.addi %min3A_439, %add3A_441 : vector<16xi32>
    %swap3A_443 = arith.constant 240 : index
    %swap3A_444 = tpu.vector_load %arg6[%swap3A_443] {strides = array<i32>} : memref<6400xi32, #tpu.memory_space<vmem>>, vector<16xi32>,
    %swap3A_445 = vector.shape_cast %swap3A_444 : vector<16xi32> to vector<16xi32>
    %swap3A_446 = vector.shape_cast %add3A_442 : vector<16xi32> to vector<16xi32>
    tpu.vector_store %arg6[%swap3A_443], %swap3A_446 {strides = array<i32>} : memref<6400xi32, #tpu.memory_space<vmem>>, vector<16xi32>,
    %dma_start3A_447 = arith.constant 128 : i32
    %dma_start3A_448 = tpu.memref_slice %arg6[%dma_start3A_447] : memref<6400xi32, #tpu.memory_space<vmem>> -> memref<128xi32, #tpu.memory_space<vmem>>
    %dma_start3A_449 = arith.constant 0 : i32
    %dma_start3A_450 = arith.constant 0 : i32
    %dma_start3A_451 = tpu.memref_slice %arg4[%dma_start3A_449, %dma_start3A_450] : memref<101001x128xf32, #tpu.memory_space<hbm>> -> memref<101001x128xf32, #tpu.memory_space<hbm>>
    tpu.enqueue_indirect_dma source(%dma_start3A_451 : memref<101001x128xf32, #tpu.memory_space<hbm>>) target(%arg9 : memref<128x128xf32, #tpu.memory_space<vmem>>) offsets(%dma_start3A_448 : memref<128xi32, #tpu.memory_space<vmem>>) semaphore(%arg14 : memref<!tpu.dma_semaphore, #tpu.memory_space<semaphore_mem>>)
    %get3A_452 = arith.constant 256 : index
    %get3A_453 = tpu.vector_load %arg6[%get3A_452] {strides = array<i32>} : memref<6400xi32, #tpu.memory_space<vmem>>, vector<16xi32>,
    %get3A_454 = vector.shape_cast %get3A_453 : vector<16xi32> to vector<16xi32>
    %get3A_455 = arith.constant 256 : index
    %get3A_456 = tpu.vector_load %arg7[%get3A_455] {strides = array<i32>} : memref<6400xi32, #tpu.memory_space<vmem>>, vector<16xi32>,
    %get3A_457 = vector.shape_cast %get3A_456 : vector<16xi32> to vector<16xi32>
    %eq3A_458 = arith.constant 2 : i32
    %eq3A_459 = vector.broadcast %eq3A_458 : i32 to vector<16xi32>
    %eq3A_460 = arith.cmpi eq, %get3A_457, %eq3A_459 : vector<16xi32>
    %jit3A_461 = arith.constant 100000 : i32
    %jit3A_462 = arith.constant 0 : i32
    %broadcast_in_dim3A_463 = vector.broadcast %jit3A_461 : i32 to vector<16xi32>
    %broadcast_in_dim3A_464 = vector.broadcast %jit3A_462 : i32 to vector<16xi32>
    %select_n3A_465 = arith.select %eq3A_460, %broadcast_in_dim3A_463, %broadcast_in_dim3A_464 : vector<16xi1>, vector<16xi32>
    %add3A_466 = arith.addi %get3A_454, %select_n3A_465 : vector<16xi32>
    %jit3A_467 = arith.constant -1 : i32
    %jit3A_468 = arith.constant 100999 : i32
    %max3A_469 = vector.broadcast %jit3A_467 : i32 to vector<16xi32>
    %max3A_470 = arith.maxsi %max3A_469, %add3A_466 : vector<16xi32>
    %min3A_471 = vector.broadcast %jit3A_468 : i32 to vector<16xi32>
    %min3A_472 = arith.minsi %min3A_471, %max3A_470 : vector<16xi32>
    %add3A_473 = arith.constant 1 : i32
    %add3A_474 = vector.broadcast %add3A_473 : i32 to vector<16xi32>
    %add3A_475 = arith.addi %min3A_472, %add3A_474 : vector<16xi32>
    %swap3A_476 = arith.constant 256 : index
    %swap3A_477 = tpu.vector_load %arg6[%swap3A_476] {strides = array<i32>} : memref<6400xi32, #tpu.memory_space<vmem>>, vector<16xi32>,
    %swap3A_478 = vector.shape_cast %swap3A_477 : vector<16xi32> to vector<16xi32>
    %swap3A_479 = vector.shape_cast %add3A_475 : vector<16xi32> to vector<16xi32>
    tpu.vector_store %arg6[%swap3A_476], %swap3A_479 {strides = array<i32>} : memref<6400xi32, #tpu.memory_space<vmem>>, vector<16xi32>,
    %get3A_480 = arith.constant 272 : index
    %get3A_481 = tpu.vector_load %arg6[%get3A_480] {strides = array<i32>} : memref<6400xi32, #tpu.memory_space<vmem>>, vector<16xi32>,
    %get3A_482 = vector.shape_cast %get3A_481 : vector<16xi32> to vector<16xi32>
    %get3A_483 = arith.constant 272 : index
    %get3A_484 = tpu.vector_load %arg7[%get3A_483] {strides = array<i32>} : memref<6400xi32, #tpu.memory_space<vmem>>, vector<16xi32>,
    %get3A_485 = vector.shape_cast %get3A_484 : vector<16xi32> to vector<16xi32>
    %eq3A_486 = arith.constant 2 : i32
    %eq3A_487 = vector.broadcast %eq3A_486 : i32 to vector<16xi32>
    %eq3A_488 = arith.cmpi eq, %get3A_485, %eq3A_487 : vector<16xi32>
    %jit3A_489 = arith.constant 100000 : i32
    %jit3A_490 = arith.constant 0 : i32
    %broadcast_in_dim3A_491 = vector.broadcast %jit3A_489 : i32 to vector<16xi32>
    %broadcast_in_dim3A_492 = vector.broadcast %jit3A_490 : i32 to vector<16xi32>
    %select_n3A_493 = arith.select %eq3A_488, %broadcast_in_dim3A_491, %broadcast_in_dim3A_492 : vector<16xi1>, vector<16xi32>
    %add3A_494 = arith.addi %get3A_482, %select_n3A_493 : vector<16xi32>
    %jit3A_495 = arith.constant -1 : i32
    %jit3A_496 = arith.constant 100999 : i32
    %max3A_497 = vector.broadcast %jit3A_495 : i32 to vector<16xi32>
    %max3A_498 = arith.maxsi %max3A_497, %add3A_494 : vector<16xi32>
    %min3A_499 = vector.broadcast %jit3A_496 : i32 to vector<16xi32>
    %min3A_500 = arith.minsi %min3A_499, %max3A_498 : vector<16xi32>
    %add3A_501 = arith.constant 1 : i32
    %add3A_502 = vector.broadcast %add3A_501 : i32 to vector<16xi32>
    %add3A_503 = arith.addi %min3A_500, %add3A_502 : vector<16xi32>
    %swap3A_504 = arith.constant 272 : index
    %swap3A_505 = tpu.vector_load %arg6[%swap3A_504] {strides = array<i32>} : memref<6400xi32, #tpu.memory_space<vmem>>, vector<16xi32>,
    %swap3A_506 = vector.shape_cast %swap3A_505 : vector<16xi32> to vector<16xi32>
    %swap3A_507 = vector.shape_cast %add3A_503 : vector<16xi32> to vector<16xi32>
    tpu.vector_store %arg6[%swap3A_504], %swap3A_507 {strides = array<i32>} : memref<6400xi32, #tpu.memory_space<vmem>>, vector<16xi32>,
    %get3A_508 = arith.constant 288 : index
    %get3A_509 = tpu.vector_load %arg6[%get3A_508] {strides = array<i32>} : memref<6400xi32, #tpu.memory_space<vmem>>, vector<16xi32>,
    %get3A_510 = vector.shape_cast %get3A_509 : vector<16xi32> to vector<16xi32>
    %get3A_511 = arith.constant 288 : index
    %get3A_512 = tpu.vector_load %arg7[%get3A_511] {strides = array<i32>} : memref<6400xi32, #tpu.memory_space<vmem>>, vector<16xi32>,
    %get3A_513 = vector.shape_cast %get3A_512 : vector<16xi32> to vector<16xi32>
    %eq3A_514 = arith.constant 2 : i32
    %eq3A_515 = vector.broadcast %eq3A_514 : i32 to vector<16xi32>
    %eq3A_516 = arith.cmpi eq, %get3A_513, %eq3A_515 : vector<16xi32>
    %jit3A_517 = arith.constant 100000 : i32
    %jit3A_518 = arith.constant 0 : i32
    %broadcast_in_dim3A_519 = vector.broadcast %jit3A_517 : i32 to vector<16xi32>
    %broadcast_in_dim3A_520 = vector.broadcast %jit3A_518 : i32 to vector<16xi32>
    %select_n3A_521 = arith.select %eq3A_516, %broadcast_in_dim3A_519, %broadcast_in_dim3A_520 : vector<16xi1>, vector<16xi32>
    %add3A_522 = arith.addi %get3A_510, %select_n3A_521 : vector<16xi32>
    %jit3A_523 = arith.constant -1 : i32
    %jit3A_524 = arith.constant 100999 : i32
    %max3A_525 = vector.broadcast %jit3A_523 : i32 to vector<16xi32>
    %max3A_526 = arith.maxsi %max3A_525, %add3A_522 : vector<16xi32>
    %min3A_527 = vector.broadcast %jit3A_524 : i32 to vector<16xi32>
    %min3A_528 = arith.minsi %min3A_527, %max3A_526 : vector<16xi32>
    %add3A_529 = arith.constant 1 : i32
    %add3A_530 = vector.broadcast %add3A_529 : i32 to vector<16xi32>
    %add3A_531 = arith.addi %min3A_528, %add3A_530 : vector<16xi32>
    %swap3A_532 = arith.constant 288 : index
    %swap3A_533 = tpu.vector_load %arg6[%swap3A_532] {strides = array<i32>} : memref<6400xi32, #tpu.memory_space<vmem>>, vector<16xi32>,
    %swap3A_534 = vector.shape_cast %swap3A_533 : vector<16xi32> to vector<16xi32>
    %swap3A_535 = vector.shape_cast %add3A_531 : vector<16xi32> to vector<16xi32>
    tpu.vector_store %arg6[%swap3A_532], %swap3A_535 {strides = array<i32>} : memref<6400xi32, #tpu.memory_space<vmem>>, vector<16xi32>,
    %get3A_536 = arith.constant 304 : index
    %get3A_537 = tpu.vector_load %arg6[%get3A_536] {strides = array<i32>} : memref<6400xi32, #tpu.memory_space<vmem>>, vector<16xi32>,
    %get3A_538 = vector.shape_cast %get3A_537 : vector<16xi32> to vector<16xi32>
    %get3A_539 = arith.constant 304 : index
    %get3A_540 = tpu.vector_load %arg7[%get3A_539] {strides = array<i32>} : memref<6400xi32, #tpu.memory_space<vmem>>, vector<16xi32>,
    %get3A_541 = vector.shape_cast %get3A_540 : vector<16xi32> to vector<16xi32>
    %eq3A_542 = arith.constant 2 : i32
    %eq3A_543 = vector.broadcast %eq3A_542 : i32 to vector<16xi32>
    %eq3A_544 = arith.cmpi eq, %get3A_541, %eq3A_543 : vector<16xi32>
    %jit3A_545 = arith.constant 100000 : i32
    %jit3A_546 = arith.constant 0 : i32
    %broadcast_in_dim3A_547 = vector.broadcast %jit3A_545 : i32 to vector<16xi32>
    %broadcast_in_dim3A_548 = vector.broadcast %jit3A_546 : i32 to vector<16xi32>
    %select_n3A_549 = arith.select %eq3A_544, %broadcast_in_dim3A_547, %broadcast_in_dim3A_548 : vector<16xi1>, vector<16xi32>
    %add3A_550 = arith.addi %get3A_538, %select_n3A_549 : vector<16xi32>
    %jit3A_551 = arith.constant -1 : i32
    %jit3A_552 = arith.constant 100999 : i32
    %max3A_553 = vector.broadcast %jit3A_551 : i32 to vector<16xi32>
    %max3A_554 = arith.maxsi %max3A_553, %add3A_550 : vector<16xi32>
    %min3A_555 = vector.broadcast %jit3A_552 : i32 to vector<16xi32>
    %min3A_556 = arith.minsi %min3A_555, %max3A_554 : vector<16xi32>
    %add3A_557 = arith.constant 1 : i32
    %add3A_558 = vector.broadcast %add3A_557 : i32 to vector<16xi32>
    %add3A_559 = arith.addi %min3A_556, %add3A_558 : vector<16xi32>
    %swap3A_560 = arith.constant 304 : index
    %swap3A_561 = tpu.vector_load %arg6[%swap3A_560] {strides = array<i32>} : memref<6400xi32, #tpu.memory_space<vmem>>, vector<16xi32>,
    %swap3A_562 = vector.shape_cast %swap3A_561 : vector<16xi32> to vector<16xi32>
    %swap3A_563 = vector.shape_cast %add3A_559 : vector<16xi32> to vector<16xi32>
    tpu.vector_store %arg6[%swap3A_560], %swap3A_563 {strides = array<i32>} : memref<6400xi32, #tpu.memory_space<vmem>>, vector<16xi32>,
    %get3A_564 = arith.constant 320 : index
    %get3A_565 = tpu.vector_load %arg6[%get3A_564] {strides = array<i32>} : memref<6400xi32, #tpu.memory_space<vmem>>, vector<16xi32>,
    %get3A_566 = vector.shape_cast %get3A_565 : vector<16xi32> to vector<16xi32>
    %get3A_567 = arith.constant 320 : index
    %get3A_568 = tpu.vector_load %arg7[%get3A_567] {strides = array<i32>} : memref<6400xi32, #tpu.memory_space<vmem>>, vector<16xi32>,
    %get3A_569 = vector.shape_cast %get3A_568 : vector<16xi32> to vector<16xi32>
    %eq3A_570 = arith.constant 2 : i32
    %eq3A_571 = vector.broadcast %eq3A_570 : i32 to vector<16xi32>
    %eq3A_572 = arith.cmpi eq, %get3A_569, %eq3A_571 : vector<16xi32>
    %jit3A_573 = arith.constant 100000 : i32
    %jit3A_574 = arith.constant 0 : i32
    %broadcast_in_dim3A_575 = vector.broadcast %jit3A_573 : i32 to vector<16xi32>
    %broadcast_in_dim3A_576 = vector.broadcast %jit3A_574 : i32 to vector<16xi32>
    %select_n3A_577 = arith.select %eq3A_572, %broadcast_in_dim3A_575, %broadcast_in_dim3A_576 : vector<16xi1>, vector<16xi32>
    %add3A_578 = arith.addi %get3A_566, %select_n3A_577 : vector<16xi32>
    %jit3A_579 = arith.constant -1 : i32
    %jit3A_580 = arith.constant 100999 : i32
    %max3A_581 = vector.broadcast %jit3A_579 : i32 to vector<16xi32>
    %max3A_582 = arith.maxsi %max3A_581, %add3A_578 : vector<16xi32>
    %min3A_583 = vector.broadcast %jit3A_580 : i32 to vector<16xi32>
    %min3A_584 = arith.minsi %min3A_583, %max3A_582 : vector<16xi32>
    %add3A_585 = arith.constant 1 : i32
    %add3A_586 = vector.broadcast %add3A_585 : i32 to vector<16xi32>
    %add3A_587 = arith.addi %min3A_584, %add3A_586 : vector<16xi32>
    %swap3A_588 = arith.constant 320 : index
    %swap3A_589 = tpu.vector_load %arg6[%swap3A_588] {strides = array<i32>} : memref<6400xi32, #tpu.memory_space<vmem>>, vector<16xi32>,
    %swap3A_590 = vector.shape_cast %swap3A_589 : vector<16xi32> to vector<16xi32>
    %swap3A_591 = vector.shape_cast %add3A_587 : vector<16xi32> to vector<16xi32>
    tpu.vector_store %arg6[%swap3A_588], %swap3A_591 {strides = array<i32>} : memref<6400xi32, #tpu.memory_space<vmem>>, vector<16xi32>,
    %get3A_592 = arith.constant 336 : index
    %get3A_593 = tpu.vector_load %arg6[%get3A_592] {strides = array<i32>} : memref<6400xi32, #tpu.memory_space<vmem>>, vector<16xi32>,
    %get3A_594 = vector.shape_cast %get3A_593 : vector<16xi32> to vector<16xi32>
    %get3A_595 = arith.constant 336 : index
    %get3A_596 = tpu.vector_load %arg7[%get3A_595] {strides = array<i32>} : memref<6400xi32, #tpu.memory_space<vmem>>, vector<16xi32>,
    %get3A_597 = vector.shape_cast %get3A_596 : vector<16xi32> to vector<16xi32>
    %eq3A_598 = arith.constant 2 : i32
    %eq3A_599 = vector.broadcast %eq3A_598 : i32 to vector<16xi32>
    %eq3A_600 = arith.cmpi eq, %get3A_597, %eq3A_599 : vector<16xi32>
    %jit3A_601 = arith.constant 100000 : i32
    %jit3A_602 = arith.constant 0 : i32
    %broadcast_in_dim3A_603 = vector.broadcast %jit3A_601 : i32 to vector<16xi32>
    %broadcast_in_dim3A_604 = vector.broadcast %jit3A_602 : i32 to vector<16xi32>
    %select_n3A_605 = arith.select %eq3A_600, %broadcast_in_dim3A_603, %broadcast_in_dim3A_604 : vector<16xi1>, vector<16xi32>
    %add3A_606 = arith.addi %get3A_594, %select_n3A_605 : vector<16xi32>
    %jit3A_607 = arith.constant -1 : i32
    %jit3A_608 = arith.constant 100999 : i32
    %max3A_609 = vector.broadcast %jit3A_607 : i32 to vector<16xi32>
    %max3A_610 = arith.maxsi %max3A_609, %add3A_606 : vector<16xi32>
    %min3A_611 = vector.broadcast %jit3A_608 : i32 to vector<16xi32>
    %min3A_612 = arith.minsi %min3A_611, %max3A_610 : vector<16xi32>
    %add3A_613 = arith.constant 1 : i32
    %add3A_614 = vector.broadcast %add3A_613 : i32 to vector<16xi32>
    %add3A_615 = arith.addi %min3A_612, %add3A_614 : vector<16xi32>
    %swap3A_616 = arith.constant 336 : index
    %swap3A_617 = tpu.vector_load %arg6[%swap3A_616] {strides = array<i32>} : memref<6400xi32, #tpu.memory_space<vmem>>, vector<16xi32>,
    %swap3A_618 = vector.shape_cast %swap3A_617 : vector<16xi32> to vector<16xi32>
    %swap3A_619 = vector.shape_cast %add3A_615 : vector<16xi32> to vector<16xi32>
    tpu.vector_store %arg6[%swap3A_616], %swap3A_619 {strides = array<i32>} : memref<6400xi32, #tpu.memory_space<vmem>>, vector<16xi32>,
    %get3A_620 = arith.constant 352 : index
    %get3A_621 = tpu.vector_load %arg6[%get3A_620] {strides = array<i32>} : memref<6400xi32, #tpu.memory_space<vmem>>, vector<16xi32>,
    %get3A_622 = vector.shape_cast %get3A_621 : vector<16xi32> to vector<16xi32>
    %get3A_623 = arith.constant 352 : index
    %get3A_624 = tpu.vector_load %arg7[%get3A_623] {strides = array<i32>} : memref<6400xi32, #tpu.memory_space<vmem>>, vector<16xi32>,
    %get3A_625 = vector.shape_cast %get3A_624 : vector<16xi32> to vector<16xi32>
    %eq3A_626 = arith.constant 2 : i32
    %eq3A_627 = vector.broadcast %eq3A_626 : i32 to vector<16xi32>
    %eq3A_628 = arith.cmpi eq, %get3A_625, %eq3A_627 : vector<16xi32>
    %jit3A_629 = arith.constant 100000 : i32
    %jit3A_630 = arith.constant 0 : i32
    %broadcast_in_dim3A_631 = vector.broadcast %jit3A_629 : i32 to vector<16xi32>
    %broadcast_in_dim3A_632 = vector.broadcast %jit3A_630 : i32 to vector<16xi32>
    %select_n3A_633 = arith.select %eq3A_628, %broadcast_in_dim3A_631, %broadcast_in_dim3A_632 : vector<16xi1>, vector<16xi32>
    %add3A_634 = arith.addi %get3A_622, %select_n3A_633 : vector<16xi32>
    %jit3A_635 = arith.constant -1 : i32
    %jit3A_636 = arith.constant 100999 : i32
    %max3A_637 = vector.broadcast %jit3A_635 : i32 to vector<16xi32>
    %max3A_638 = arith.maxsi %max3A_637, %add3A_634 : vector<16xi32>
    %min3A_639 = vector.broadcast %jit3A_636 : i32 to vector<16xi32>
    %min3A_640 = arith.minsi %min3A_639, %max3A_638 : vector<16xi32>
    %add3A_641 = arith.constant 1 : i32
    %add3A_642 = vector.broadcast %add3A_641 : i32 to vector<16xi32>
    %add3A_643 = arith.addi %min3A_640, %add3A_642 : vector<16xi32>
    %swap3A_644 = arith.constant 352 : index
    %swap3A_645 = tpu.vector_load %arg6[%swap3A_644] {strides = array<i32>} : memref<6400xi32, #tpu.memory_space<vmem>>, vector<16xi32>,
    %swap3A_646 = vector.shape_cast %swap3A_645 : vector<16xi32> to vector<16xi32>
    %swap3A_647 = vector.shape_cast %add3A_643 : vector<16xi32> to vector<16xi32>
    tpu.vector_store %arg6[%swap3A_644], %swap3A_647 {strides = array<i32>} : memref<6400xi32, #tpu.memory_space<vmem>>, vector<16xi32>,
    %get3A_648 = arith.constant 368 : index
    %get3A_649 = tpu.vector_load %arg6[%get3A_648] {strides = array<i32>} : memref<6400xi32, #tpu.memory_space<vmem>>, vector<16xi32>,
    %get3A_650 = vector.shape_cast %get3A_649 : vector<16xi32> to vector<16xi32>
    %get3A_651 = arith.constant 368 : index
    %get3A_652 = tpu.vector_load %arg7[%get3A_651] {strides = array<i32>} : memref<6400xi32, #tpu.memory_space<vmem>>, vector<16xi32>,
    %get3A_653 = vector.shape_cast %get3A_652 : vector<16xi32> to vector<16xi32>
    %eq3A_654 = arith.constant 2 : i32
    %eq3A_655 = vector.broadcast %eq3A_654 : i32 to vector<16xi32>
    %eq3A_656 = arith.cmpi eq, %get3A_653, %eq3A_655 : vector<16xi32>
    %jit3A_657 = arith.constant 100000 : i32
    %jit3A_658 = arith.constant 0 : i32
    %broadcast_in_dim3A_659 = vector.broadcast %jit3A_657 : i32 to vector<16xi32>
    %broadcast_in_dim3A_660 = vector.broadcast %jit3A_658 : i32 to vector<16xi32>
    %select_n3A_661 = arith.select %eq3A_656, %broadcast_in_dim3A_659, %broadcast_in_dim3A_660 : vector<16xi1>, vector<16xi32>
    %add3A_662 = arith.addi %get3A_650, %select_n3A_661 : vector<16xi32>
    %jit3A_663 = arith.constant -1 : i32
    %jit3A_664 = arith.constant 100999 : i32
    %max3A_665 = vector.broadcast %jit3A_663 : i32 to vector<16xi32>
    %max3A_666 = arith.maxsi %max3A_665, %add3A_662 : vector<16xi32>
    %min3A_667 = vector.broadcast %jit3A_664 : i32 to vector<16xi32>
    %min3A_668 = arith.minsi %min3A_667, %max3A_666 : vector<16xi32>
    %add3A_669 = arith.constant 1 : i32
    %add3A_670 = vector.broadcast %add3A_669 : i32 to vector<16xi32>
    %add3A_671 = arith.addi %min3A_668, %add3A_670 : vector<16xi32>
    %swap3A_672 = arith.constant 368 : index
    %swap3A_673 = tpu.vector_load %arg6[%swap3A_672] {strides = array<i32>} : memref<6400xi32, #tpu.memory_space<vmem>>, vector<16xi32>,
    %swap3A_674 = vector.shape_cast %swap3A_673 : vector<16xi32> to vector<16xi32>
    %swap3A_675 = vector.shape_cast %add3A_671 : vector<16xi32> to vector<16xi32>
    tpu.vector_store %arg6[%swap3A_672], %swap3A_675 {strides = array<i32>} : memref<6400xi32, #tpu.memory_space<vmem>>, vector<16xi32>,
    %dma_start3A_676 = arith.constant 256 : i32
    %dma_start3A_677 = tpu.memref_slice %arg6[%dma_start3A_676] : memref<6400xi32, #tpu.memory_space<vmem>> -> memref<128xi32, #tpu.memory_space<vmem>>
    %dma_start3A_678 = arith.constant 0 : i32
    %dma_start3A_679 = arith.constant 0 : i32
    %dma_start3A_680 = tpu.memref_slice %arg4[%dma_start3A_678, %dma_start3A_679] : memref<101001x128xf32, #tpu.memory_space<hbm>> -> memref<101001x128xf32, #tpu.memory_space<hbm>>
    tpu.enqueue_indirect_dma source(%dma_start3A_680 : memref<101001x128xf32, #tpu.memory_space<hbm>>) target(%arg10 : memref<128x128xf32, #tpu.memory_space<vmem>>) offsets(%dma_start3A_677 : memref<128xi32, #tpu.memory_space<vmem>>) semaphore(%arg15 : memref<!tpu.dma_semaphore, #tpu.memory_space<semaphore_mem>>)
    %get3A_681 = arith.constant 384 : index
    %get3A_682 = tpu.vector_load %arg6[%get3A_681] {strides = array<i32>} : memref<6400xi32, #tpu.memory_space<vmem>>, vector<16xi32>,
    %get3A_683 = vector.shape_cast %get3A_682 : vector<16xi32> to vector<16xi32>
    %get3A_684 = arith.constant 384 : index
    %get3A_685 = tpu.vector_load %arg7[%get3A_684] {strides = array<i32>} : memref<6400xi32, #tpu.memory_space<vmem>>, vector<16xi32>,
    %get3A_686 = vector.shape_cast %get3A_685 : vector<16xi32> to vector<16xi32>
    %eq3A_687 = arith.constant 2 : i32
    %eq3A_688 = vector.broadcast %eq3A_687 : i32 to vector<16xi32>
    %eq3A_689 = arith.cmpi eq, %get3A_686, %eq3A_688 : vector<16xi32>
    %jit3A_690 = arith.constant 100000 : i32
    %jit3A_691 = arith.constant 0 : i32
    %broadcast_in_dim3A_692 = vector.broadcast %jit3A_690 : i32 to vector<16xi32>
    %broadcast_in_dim3A_693 = vector.broadcast %jit3A_691 : i32 to vector<16xi32>
    %select_n3A_694 = arith.select %eq3A_689, %broadcast_in_dim3A_692, %broadcast_in_dim3A_693 : vector<16xi1>, vector<16xi32>
    %add3A_695 = arith.addi %get3A_683, %select_n3A_694 : vector<16xi32>
    %jit3A_696 = arith.constant -1 : i32
    %jit3A_697 = arith.constant 100999 : i32
    %max3A_698 = vector.broadcast %jit3A_696 : i32 to vector<16xi32>
    %max3A_699 = arith.maxsi %max3A_698, %add3A_695 : vector<16xi32>
    %min3A_700 = vector.broadcast %jit3A_697 : i32 to vector<16xi32>
    %min3A_701 = arith.minsi %min3A_700, %max3A_699 : vector<16xi32>
    %add3A_702 = arith.constant 1 : i32
    %add3A_703 = vector.broadcast %add3A_702 : i32 to vector<16xi32>
    %add3A_704 = arith.addi %min3A_701, %add3A_703 : vector<16xi32>
    %swap3A_705 = arith.constant 384 : index
    %swap3A_706 = tpu.vector_load %arg6[%swap3A_705] {strides = array<i32>} : memref<6400xi32, #tpu.memory_space<vmem>>, vector<16xi32>,
    %swap3A_707 = vector.shape_cast %swap3A_706 : vector<16xi32> to vector<16xi32>
    %swap3A_708 = vector.shape_cast %add3A_704 : vector<16xi32> to vector<16xi32>
    tpu.vector_store %arg6[%swap3A_705], %swap3A_708 {strides = array<i32>} : memref<6400xi32, #tpu.memory_space<vmem>>, vector<16xi32>,
    %get3A_709 = arith.constant 400 : index
    %get3A_710 = tpu.vector_load %arg6[%get3A_709] {strides = array<i32>} : memref<6400xi32, #tpu.memory_space<vmem>>, vector<16xi32>,
    %get3A_711 = vector.shape_cast %get3A_710 : vector<16xi32> to vector<16xi32>
    %get3A_712 = arith.constant 400 : index
    %get3A_713 = tpu.vector_load %arg7[%get3A_712] {strides = array<i32>} : memref<6400xi32, #tpu.memory_space<vmem>>, vector<16xi32>,
    %get3A_714 = vector.shape_cast %get3A_713 : vector<16xi32> to vector<16xi32>
    %eq3A_715 = arith.constant 2 : i32
    %eq3A_716 = vector.broadcast %eq3A_715 : i32 to vector<16xi32>
    %eq3A_717 = arith.cmpi eq, %get3A_714, %eq3A_716 : vector<16xi32>
    %jit3A_718 = arith.constant 100000 : i32
    %jit3A_719 = arith.constant 0 : i32
    %broadcast_in_dim3A_720 = vector.broadcast %jit3A_718 : i32 to vector<16xi32>
    %broadcast_in_dim3A_721 = vector.broadcast %jit3A_719 : i32 to vector<16xi32>
    %select_n3A_722 = arith.select %eq3A_717, %broadcast_in_dim3A_720, %broadcast_in_dim3A_721 : vector<16xi1>, vector<16xi32>
    %add3A_723 = arith.addi %get3A_711, %select_n3A_722 : vector<16xi32>
    %jit3A_724 = arith.constant -1 : i32
    %jit3A_725 = arith.constant 100999 : i32
    %max3A_726 = vector.broadcast %jit3A_724 : i32 to vector<16xi32>
    %max3A_727 = arith.maxsi %max3A_726, %add3A_723 : vector<16xi32>
    %min3A_728 = vector.broadcast %jit3A_725 : i32 to vector<16xi32>
    %min3A_729 = arith.minsi %min3A_728, %max3A_727 : vector<16xi32>
    %add3A_730 = arith.constant 1 : i32
    %add3A_731 = vector.broadcast %add3A_730 : i32 to vector<16xi32>
    %add3A_732 = arith.addi %min3A_729, %add3A_731 : vector<16xi32>
    %swap3A_733 = arith.constant 400 : index
    %swap3A_734 = tpu.vector_load %arg6[%swap3A_733] {strides = array<i32>} : memref<6400xi32, #tpu.memory_space<vmem>>, vector<16xi32>,
    %swap3A_735 = vector.shape_cast %swap3A_734 : vector<16xi32> to vector<16xi32>
    %swap3A_736 = vector.shape_cast %add3A_732 : vector<16xi32> to vector<16xi32>
    tpu.vector_store %arg6[%swap3A_733], %swap3A_736 {strides = array<i32>} : memref<6400xi32, #tpu.memory_space<vmem>>, vector<16xi32>,
    %get3A_737 = arith.constant 416 : index
    %get3A_738 = tpu.vector_load %arg6[%get3A_737] {strides = array<i32>} : memref<6400xi32, #tpu.memory_space<vmem>>, vector<16xi32>,
    %get3A_739 = vector.shape_cast %get3A_738 : vector<16xi32> to vector<16xi32>
    %get3A_740 = arith.constant 416 : index
    %get3A_741 = tpu.vector_load %arg7[%get3A_740] {strides = array<i32>} : memref<6400xi32, #tpu.memory_space<vmem>>, vector<16xi32>,
    %get3A_742 = vector.shape_cast %get3A_741 : vector<16xi32> to vector<16xi32>
    %eq3A_743 = arith.constant 2 : i32
    %eq3A_744 = vector.broadcast %eq3A_743 : i32 to vector<16xi32>
    %eq3A_745 = arith.cmpi eq, %get3A_742, %eq3A_744 : vector<16xi32>
    %jit3A_746 = arith.constant 100000 : i32
    %jit3A_747 = arith.constant 0 : i32
    %broadcast_in_dim3A_748 = vector.broadcast %jit3A_746 : i32 to vector<16xi32>
    %broadcast_in_dim3A_749 = vector.broadcast %jit3A_747 : i32 to vector<16xi32>
    %select_n3A_750 = arith.select %eq3A_745, %broadcast_in_dim3A_748, %broadcast_in_dim3A_749 : vector<16xi1>, vector<16xi32>
    %add3A_751 = arith.addi %get3A_739, %select_n3A_750 : vector<16xi32>
    %jit3A_752 = arith.constant -1 : i32
    %jit3A_753 = arith.constant 100999 : i32
    %max3A_754 = vector.broadcast %jit3A_752 : i32 to vector<16xi32>
    %max3A_755 = arith.maxsi %max3A_754, %add3A_751 : vector<16xi32>
    %min3A_756 = vector.broadcast %jit3A_753 : i32 to vector<16xi32>
    %min3A_757 = arith.minsi %min3A_756, %max3A_755 : vector<16xi32>
    %add3A_758 = arith.constant 1 : i32
    %add3A_759 = vector.broadcast %add3A_758 : i32 to vector<16xi32>
    %add3A_760 = arith.addi %min3A_757, %add3A_759 : vector<16xi32>
    %swap3A_761 = arith.constant 416 : index
    %swap3A_762 = tpu.vector_load %arg6[%swap3A_761] {strides = array<i32>} : memref<6400xi32, #tpu.memory_space<vmem>>, vector<16xi32>,
    %swap3A_763 = vector.shape_cast %swap3A_762 : vector<16xi32> to vector<16xi32>
    %swap3A_764 = vector.shape_cast %add3A_760 : vector<16xi32> to vector<16xi32>
    tpu.vector_store %arg6[%swap3A_761], %swap3A_764 {strides = array<i32>} : memref<6400xi32, #tpu.memory_space<vmem>>, vector<16xi32>,
    %get3A_765 = arith.constant 432 : index
    %get3A_766 = tpu.vector_load %arg6[%get3A_765] {strides = array<i32>} : memref<6400xi32, #tpu.memory_space<vmem>>, vector<16xi32>,
    %get3A_767 = vector.shape_cast %get3A_766 : vector<16xi32> to vector<16xi32>
    %get3A_768 = arith.constant 432 : index
    %get3A_769 = tpu.vector_load %arg7[%get3A_768] {strides = array<i32>} : memref<6400xi32, #tpu.memory_space<vmem>>, vector<16xi32>,
    %get3A_770 = vector.shape_cast %get3A_769 : vector<16xi32> to vector<16xi32>
    %eq3A_771 = arith.constant 2 : i32
    %eq3A_772 = vector.broadcast %eq3A_771 : i32 to vector<16xi32>
    %eq3A_773 = arith.cmpi eq, %get3A_770, %eq3A_772 : vector<16xi32>
    %jit3A_774 = arith.constant 100000 : i32
    %jit3A_775 = arith.constant 0 : i32
    %broadcast_in_dim3A_776 = vector.broadcast %jit3A_774 : i32 to vector<16xi32>
    %broadcast_in_dim3A_777 = vector.broadcast %jit3A_775 : i32 to vector<16xi32>
    %select_n3A_778 = arith.select %eq3A_773, %broadcast_in_dim3A_776, %broadcast_in_dim3A_777 : vector<16xi1>, vector<16xi32>
    %add3A_779 = arith.addi %get3A_767, %select_n3A_778 : vector<16xi32>
    %jit3A_780 = arith.constant -1 : i32
    %jit3A_781 = arith.constant 100999 : i32
    %max3A_782 = vector.broadcast %jit3A_780 : i32 to vector<16xi32>
    %max3A_783 = arith.maxsi %max3A_782, %add3A_779 : vector<16xi32>
    %min3A_784 = vector.broadcast %jit3A_781 : i32 to vector<16xi32>
    %min3A_785 = arith.minsi %min3A_784, %max3A_783 : vector<16xi32>
    %add3A_786 = arith.constant 1 : i32
    %add3A_787 = vector.broadcast %add3A_786 : i32 to vector<16xi32>
    %add3A_788 = arith.addi %min3A_785, %add3A_787 : vector<16xi32>
    %swap3A_789 = arith.constant 432 : index
    %swap3A_790 = tpu.vector_load %arg6[%swap3A_789] {strides = array<i32>} : memref<6400xi32, #tpu.memory_space<vmem>>, vector<16xi32>,
    %swap3A_791 = vector.shape_cast %swap3A_790 : vector<16xi32> to vector<16xi32>
    %swap3A_792 = vector.shape_cast %add3A_788 : vector<16xi32> to vector<16xi32>
    tpu.vector_store %arg6[%swap3A_789], %swap3A_792 {strides = array<i32>} : memref<6400xi32, #tpu.memory_space<vmem>>, vector<16xi32>,
    %get3A_793 = arith.constant 448 : index
    %get3A_794 = tpu.vector_load %arg6[%get3A_793] {strides = array<i32>} : memref<6400xi32, #tpu.memory_space<vmem>>, vector<16xi32>,
    %get3A_795 = vector.shape_cast %get3A_794 : vector<16xi32> to vector<16xi32>
    %get3A_796 = arith.constant 448 : index
    %get3A_797 = tpu.vector_load %arg7[%get3A_796] {strides = array<i32>} : memref<6400xi32, #tpu.memory_space<vmem>>, vector<16xi32>,
    %get3A_798 = vector.shape_cast %get3A_797 : vector<16xi32> to vector<16xi32>
    %eq3A_799 = arith.constant 2 : i32
    %eq3A_800 = vector.broadcast %eq3A_799 : i32 to vector<16xi32>
    %eq3A_801 = arith.cmpi eq, %get3A_798, %eq3A_800 : vector<16xi32>
    %jit3A_802 = arith.constant 100000 : i32
    %jit3A_803 = arith.constant 0 : i32
    %broadcast_in_dim3A_804 = vector.broadcast %jit3A_802 : i32 to vector<16xi32>
    %broadcast_in_dim3A_805 = vector.broadcast %jit3A_803 : i32 to vector<16xi32>
    %select_n3A_806 = arith.select %eq3A_801, %broadcast_in_dim3A_804, %broadcast_in_dim3A_805 : vector<16xi1>, vector<16xi32>
    %add3A_807 = arith.addi %get3A_795, %select_n3A_806 : vector<16xi32>
    %jit3A_808 = arith.constant -1 : i32
    %jit3A_809 = arith.constant 100999 : i32
    %max3A_810 = vector.broadcast %jit3A_808 : i32 to vector<16xi32>
    %max3A_811 = arith.maxsi %max3A_810, %add3A_807 : vector<16xi32>
    %min3A_812 = vector.broadcast %jit3A_809 : i32 to vector<16xi32>
    %min3A_813 = arith.minsi %min3A_812, %max3A_811 : vector<16xi32>
    %add3A_814 = arith.constant 1 : i32
    %add3A_815 = vector.broadcast %add3A_814 : i32 to vector<16xi32>
    %add3A_816 = arith.addi %min3A_813, %add3A_815 : vector<16xi32>
    %swap3A_817 = arith.constant 448 : index
    %swap3A_818 = tpu.vector_load %arg6[%swap3A_817] {strides = array<i32>} : memref<6400xi32, #tpu.memory_space<vmem>>, vector<16xi32>,
    %swap3A_819 = vector.shape_cast %swap3A_818 : vector<16xi32> to vector<16xi32>
    %swap3A_820 = vector.shape_cast %add3A_816 : vector<16xi32> to vector<16xi32>
    tpu.vector_store %arg6[%swap3A_817], %swap3A_820 {strides = array<i32>} : memref<6400xi32, #tpu.memory_space<vmem>>, vector<16xi32>,
    %get3A_821 = arith.constant 464 : index
    %get3A_822 = tpu.vector_load %arg6[%get3A_821] {strides = array<i32>} : memref<6400xi32, #tpu.memory_space<vmem>>, vector<16xi32>,
    %get3A_823 = vector.shape_cast %get3A_822 : vector<16xi32> to vector<16xi32>
    %get3A_824 = arith.constant 464 : index
    %get3A_825 = tpu.vector_load %arg7[%get3A_824] {strides = array<i32>} : memref<6400xi32, #tpu.memory_space<vmem>>, vector<16xi32>,
    %get3A_826 = vector.shape_cast %get3A_825 : vector<16xi32> to vector<16xi32>
    %eq3A_827 = arith.constant 2 : i32
    %eq3A_828 = vector.broadcast %eq3A_827 : i32 to vector<16xi32>
    %eq3A_829 = arith.cmpi eq, %get3A_826, %eq3A_828 : vector<16xi32>
    %jit3A_830 = arith.constant 100000 : i32
    %jit3A_831 = arith.constant 0 : i32
    %broadcast_in_dim3A_832 = vector.broadcast %jit3A_830 : i32 to vector<16xi32>
    %broadcast_in_dim3A_833 = vector.broadcast %jit3A_831 : i32 to vector<16xi32>
    %select_n3A_834 = arith.select %eq3A_829, %broadcast_in_dim3A_832, %broadcast_in_dim3A_833 : vector<16xi1>, vector<16xi32>
    %add3A_835 = arith.addi %get3A_823, %select_n3A_834 : vector<16xi32>
    %jit3A_836 = arith.constant -1 : i32
    %jit3A_837 = arith.constant 100999 : i32
    %max3A_838 = vector.broadcast %jit3A_836 : i32 to vector<16xi32>
    %max3A_839 = arith.maxsi %max3A_838, %add3A_835 : vector<16xi32>
    %min3A_840 = vector.broadcast %jit3A_837 : i32 to vector<16xi32>
    %min3A_841 = arith.minsi %min3A_840, %max3A_839 : vector<16xi32>
    %add3A_842 = arith.constant 1 : i32
    %add3A_843 = vector.broadcast %add3A_842 : i32 to vector<16xi32>
    %add3A_844 = arith.addi %min3A_841, %add3A_843 : vector<16xi32>
    %swap3A_845 = arith.constant 464 : index
    %swap3A_846 = tpu.vector_load %arg6[%swap3A_845] {strides = array<i32>} : memref<6400xi32, #tpu.memory_space<vmem>>, vector<16xi32>,
    %swap3A_847 = vector.shape_cast %swap3A_846 : vector<16xi32> to vector<16xi32>
    %swap3A_848 = vector.shape_cast %add3A_844 : vector<16xi32> to vector<16xi32>
    tpu.vector_store %arg6[%swap3A_845], %swap3A_848 {strides = array<i32>} : memref<6400xi32, #tpu.memory_space<vmem>>, vector<16xi32>,
    %get3A_849 = arith.constant 480 : index
    %get3A_850 = tpu.vector_load %arg6[%get3A_849] {strides = array<i32>} : memref<6400xi32, #tpu.memory_space<vmem>>, vector<16xi32>,
    %get3A_851 = vector.shape_cast %get3A_850 : vector<16xi32> to vector<16xi32>
    %get3A_852 = arith.constant 480 : index
    %get3A_853 = tpu.vector_load %arg7[%get3A_852] {strides = array<i32>} : memref<6400xi32, #tpu.memory_space<vmem>>, vector<16xi32>,
    %get3A_854 = vector.shape_cast %get3A_853 : vector<16xi32> to vector<16xi32>
    %eq3A_855 = arith.constant 2 : i32
    %eq3A_856 = vector.broadcast %eq3A_855 : i32 to vector<16xi32>
    %eq3A_857 = arith.cmpi eq, %get3A_854, %eq3A_856 : vector<16xi32>
    %jit3A_858 = arith.constant 100000 : i32
    %jit3A_859 = arith.constant 0 : i32
    %broadcast_in_dim3A_860 = vector.broadcast %jit3A_858 : i32 to vector<16xi32>
    %broadcast_in_dim3A_861 = vector.broadcast %jit3A_859 : i32 to vector<16xi32>
    %select_n3A_862 = arith.select %eq3A_857, %broadcast_in_dim3A_860, %broadcast_in_dim3A_861 : vector<16xi1>, vector<16xi32>
    %add3A_863 = arith.addi %get3A_851, %select_n3A_862 : vector<16xi32>
    %jit3A_864 = arith.constant -1 : i32
    %jit3A_865 = arith.constant 100999 : i32
    %max3A_866 = vector.broadcast %jit3A_864 : i32 to vector<16xi32>
    %max3A_867 = arith.maxsi %max3A_866, %add3A_863 : vector<16xi32>
    %min3A_868 = vector.broadcast %jit3A_865 : i32 to vector<16xi32>
    %min3A_869 = arith.minsi %min3A_868, %max3A_867 : vector<16xi32>
    %add3A_870 = arith.constant 1 : i32
    %add3A_871 = vector.broadcast %add3A_870 : i32 to vector<16xi32>
    %add3A_872 = arith.addi %min3A_869, %add3A_871 : vector<16xi32>
    %swap3A_873 = arith.constant 480 : index
    %swap3A_874 = tpu.vector_load %arg6[%swap3A_873] {strides = array<i32>} : memref<6400xi32, #tpu.memory_space<vmem>>, vector<16xi32>,
    %swap3A_875 = vector.shape_cast %swap3A_874 : vector<16xi32> to vector<16xi32>
    %swap3A_876 = vector.shape_cast %add3A_872 : vector<16xi32> to vector<16xi32>
    tpu.vector_store %arg6[%swap3A_873], %swap3A_876 {strides = array<i32>} : memref<6400xi32, #tpu.memory_space<vmem>>, vector<16xi32>,
    %get3A_877 = arith.constant 496 : index
    %get3A_878 = tpu.vector_load %arg6[%get3A_877] {strides = array<i32>} : memref<6400xi32, #tpu.memory_space<vmem>>, vector<16xi32>,
    %get3A_879 = vector.shape_cast %get3A_878 : vector<16xi32> to vector<16xi32>
    %get3A_880 = arith.constant 496 : index
    %get3A_881 = tpu.vector_load %arg7[%get3A_880] {strides = array<i32>} : memref<6400xi32, #tpu.memory_space<vmem>>, vector<16xi32>,
    %get3A_882 = vector.shape_cast %get3A_881 : vector<16xi32> to vector<16xi32>
    %eq3A_883 = arith.constant 2 : i32
    %eq3A_884 = vector.broadcast %eq3A_883 : i32 to vector<16xi32>
    %eq3A_885 = arith.cmpi eq, %get3A_882, %eq3A_884 : vector<16xi32>
    %jit3A_886 = arith.constant 100000 : i32
    %jit3A_887 = arith.constant 0 : i32
    %broadcast_in_dim3A_888 = vector.broadcast %jit3A_886 : i32 to vector<16xi32>
    %broadcast_in_dim3A_889 = vector.broadcast %jit3A_887 : i32 to vector<16xi32>
    %select_n3A_890 = arith.select %eq3A_885, %broadcast_in_dim3A_888, %broadcast_in_dim3A_889 : vector<16xi1>, vector<16xi32>
    %add3A_891 = arith.addi %get3A_879, %select_n3A_890 : vector<16xi32>
    %jit3A_892 = arith.constant -1 : i32
    %jit3A_893 = arith.constant 100999 : i32
    %max3A_894 = vector.broadcast %jit3A_892 : i32 to vector<16xi32>
    %max3A_895 = arith.maxsi %max3A_894, %add3A_891 : vector<16xi32>
    %min3A_896 = vector.broadcast %jit3A_893 : i32 to vector<16xi32>
    %min3A_897 = arith.minsi %min3A_896, %max3A_895 : vector<16xi32>
    %add3A_898 = arith.constant 1 : i32
    %add3A_899 = vector.broadcast %add3A_898 : i32 to vector<16xi32>
    %add3A_900 = arith.addi %min3A_897, %add3A_899 : vector<16xi32>
    %swap3A_901 = arith.constant 496 : index
    %swap3A_902 = tpu.vector_load %arg6[%swap3A_901] {strides = array<i32>} : memref<6400xi32, #tpu.memory_space<vmem>>, vector<16xi32>,
    %swap3A_903 = vector.shape_cast %swap3A_902 : vector<16xi32> to vector<16xi32>
    %swap3A_904 = vector.shape_cast %add3A_900 : vector<16xi32> to vector<16xi32>
    tpu.vector_store %arg6[%swap3A_901], %swap3A_904 {strides = array<i32>} : memref<6400xi32, #tpu.memory_space<vmem>>, vector<16xi32>,
    %dma_start3A_905 = arith.constant 384 : i32
    %dma_start3A_906 = tpu.memref_slice %arg6[%dma_start3A_905] : memref<6400xi32, #tpu.memory_space<vmem>> -> memref<128xi32, #tpu.memory_space<vmem>>
    %dma_start3A_907 = arith.constant 0 : i32
    %dma_start3A_908 = arith.constant 0 : i32
    %dma_start3A_909 = tpu.memref_slice %arg4[%dma_start3A_907, %dma_start3A_908] : memref<101001x128xf32, #tpu.memory_space<hbm>> -> memref<101001x128xf32, #tpu.memory_space<hbm>>
    tpu.enqueue_indirect_dma source(%dma_start3A_909 : memref<101001x128xf32, #tpu.memory_space<hbm>>) target(%arg11 : memref<128x128xf32, #tpu.memory_space<vmem>>) offsets(%dma_start3A_906 : memref<128xi32, #tpu.memory_space<vmem>>) semaphore(%arg16 : memref<!tpu.dma_semaphore, #tpu.memory_space<semaphore_mem>>)
    %get3A_910 = arith.constant 512 : index
    %get3A_911 = tpu.vector_load %arg6[%get3A_910] {strides = array<i32>} : memref<6400xi32, #tpu.memory_space<vmem>>, vector<16xi32>,
    %get3A_912 = vector.shape_cast %get3A_911 : vector<16xi32> to vector<16xi32>
    %get3A_913 = arith.constant 512 : index
    %get3A_914 = tpu.vector_load %arg7[%get3A_913] {strides = array<i32>} : memref<6400xi32, #tpu.memory_space<vmem>>, vector<16xi32>,
    %get3A_915 = vector.shape_cast %get3A_914 : vector<16xi32> to vector<16xi32>
    %eq3A_916 = arith.constant 2 : i32
    %eq3A_917 = vector.broadcast %eq3A_916 : i32 to vector<16xi32>
    %eq3A_918 = arith.cmpi eq, %get3A_915, %eq3A_917 : vector<16xi32>
    %jit3A_919 = arith.constant 100000 : i32
    %jit3A_920 = arith.constant 0 : i32
    %broadcast_in_dim3A_921 = vector.broadcast %jit3A_919 : i32 to vector<16xi32>
    %broadcast_in_dim3A_922 = vector.broadcast %jit3A_920 : i32 to vector<16xi32>
    %select_n3A_923 = arith.select %eq3A_918, %broadcast_in_dim3A_921, %broadcast_in_dim3A_922 : vector<16xi1>, vector<16xi32>
    %add3A_924 = arith.addi %get3A_912, %select_n3A_923 : vector<16xi32>
    %jit3A_925 = arith.constant -1 : i32
    %jit3A_926 = arith.constant 100999 : i32
    %max3A_927 = vector.broadcast %jit3A_925 : i32 to vector<16xi32>
    %max3A_928 = arith.maxsi %max3A_927, %add3A_924 : vector<16xi32>
    %min3A_929 = vector.broadcast %jit3A_926 : i32 to vector<16xi32>
    %min3A_930 = arith.minsi %min3A_929, %max3A_928 : vector<16xi32>
    %add3A_931 = arith.constant 1 : i32
    %add3A_932 = vector.broadcast %add3A_931 : i32 to vector<16xi32>
    %add3A_933 = arith.addi %min3A_930, %add3A_932 : vector<16xi32>
    %swap3A_934 = arith.constant 512 : index
    %swap3A_935 = tpu.vector_load %arg6[%swap3A_934] {strides = array<i32>} : memref<6400xi32, #tpu.memory_space<vmem>>, vector<16xi32>,
    %swap3A_936 = vector.shape_cast %swap3A_935 : vector<16xi32> to vector<16xi32>
    %swap3A_937 = vector.shape_cast %add3A_933 : vector<16xi32> to vector<16xi32>
    tpu.vector_store %arg6[%swap3A_934], %swap3A_937 {strides = array<i32>} : memref<6400xi32, #tpu.memory_space<vmem>>, vector<16xi32>,
    %get3A_938 = arith.constant 528 : index
    %get3A_939 = tpu.vector_load %arg6[%get3A_938] {strides = array<i32>} : memref<6400xi32, #tpu.memory_space<vmem>>, vector<16xi32>,
    %get3A_940 = vector.shape_cast %get3A_939 : vector<16xi32> to vector<16xi32>
    %get3A_941 = arith.constant 528 : index
    %get3A_942 = tpu.vector_load %arg7[%get3A_941] {strides = array<i32>} : memref<6400xi32, #tpu.memory_space<vmem>>, vector<16xi32>,
    %get3A_943 = vector.shape_cast %get3A_942 : vector<16xi32> to vector<16xi32>
    %eq3A_944 = arith.constant 2 : i32
    %eq3A_945 = vector.broadcast %eq3A_944 : i32 to vector<16xi32>
    %eq3A_946 = arith.cmpi eq, %get3A_943, %eq3A_945 : vector<16xi32>
    %jit3A_947 = arith.constant 100000 : i32
    %jit3A_948 = arith.constant 0 : i32
    %broadcast_in_dim3A_949 = vector.broadcast %jit3A_947 : i32 to vector<16xi32>
    %broadcast_in_dim3A_950 = vector.broadcast %jit3A_948 : i32 to vector<16xi32>
    %select_n3A_951 = arith.select %eq3A_946, %broadcast_in_dim3A_949, %broadcast_in_dim3A_950 : vector<16xi1>, vector<16xi32>
    %add3A_952 = arith.addi %get3A_940, %select_n3A_951 : vector<16xi32>
    %jit3A_953 = arith.constant -1 : i32
    %jit3A_954 = arith.constant 100999 : i32
    %max3A_955 = vector.broadcast %jit3A_953 : i32 to vector<16xi32>
    %max3A_956 = arith.maxsi %max3A_955, %add3A_952 : vector<16xi32>
    %min3A_957 = vector.broadcast %jit3A_954 : i32 to vector<16xi32>
    %min3A_958 = arith.minsi %min3A_957, %max3A_956 : vector<16xi32>
    %add3A_959 = arith.constant 1 : i32
    %add3A_960 = vector.broadcast %add3A_959 : i32 to vector<16xi32>
    %add3A_961 = arith.addi %min3A_958, %add3A_960 : vector<16xi32>
    %swap3A_962 = arith.constant 528 : index
    %swap3A_963 = tpu.vector_load %arg6[%swap3A_962] {strides = array<i32>} : memref<6400xi32, #tpu.memory_space<vmem>>, vector<16xi32>,
    %swap3A_964 = vector.shape_cast %swap3A_963 : vector<16xi32> to vector<16xi32>
    %swap3A_965 = vector.shape_cast %add3A_961 : vector<16xi32> to vector<16xi32>
    tpu.vector_store %arg6[%swap3A_962], %swap3A_965 {strides = array<i32>} : memref<6400xi32, #tpu.memory_space<vmem>>, vector<16xi32>,
    %get3A_966 = arith.constant 544 : index
    %get3A_967 = tpu.vector_load %arg6[%get3A_966] {strides = array<i32>} : memref<6400xi32, #tpu.memory_space<vmem>>, vector<16xi32>,
    %get3A_968 = vector.shape_cast %get3A_967 : vector<16xi32> to vector<16xi32>
    %get3A_969 = arith.constant 544 : index
    %get3A_970 = tpu.vector_load %arg7[%get3A_969] {strides = array<i32>} : memref<6400xi32, #tpu.memory_space<vmem>>, vector<16xi32>,
    %get3A_971 = vector.shape_cast %get3A_970 : vector<16xi32> to vector<16xi32>
    %eq3A_972 = arith.constant 2 : i32
    %eq3A_973 = vector.broadcast %eq3A_972 : i32 to vector<16xi32>
    %eq3A_974 = arith.cmpi eq, %get3A_971, %eq3A_973 : vector<16xi32>
    %jit3A_975 = arith.constant 100000 : i32
    %jit3A_976 = arith.constant 0 : i32
    %broadcast_in_dim3A_977 = vector.broadcast %jit3A_975 : i32 to vector<16xi32>
    %broadcast_in_dim3A_978 = vector.broadcast %jit3A_976 : i32 to vector<16xi32>
    %select_n3A_979 = arith.select %eq3A_974, %broadcast_in_dim3A_977, %broadcast_in_dim3A_978 : vector<16xi1>, vector<16xi32>
    %add3A_980 = arith.addi %get3A_968, %select_n3A_979 : vector<16xi32>
    %jit3A_981 = arith.constant -1 : i32
    %jit3A_982 = arith.constant 100999 : i32
    %max3A_983 = vector.broadcast %jit3A_981 : i32 to vector<16xi32>
    %max3A_984 = arith.maxsi %max3A_983, %add3A_980 : vector<16xi32>
    %min3A_985 = vector.broadcast %jit3A_982 : i32 to vector<16xi32>
    %min3A_986 = arith.minsi %min3A_985, %max3A_984 : vector<16xi32>
    %add3A_987 = arith.constant 1 : i32
    %add3A_988 = vector.broadcast %add3A_987 : i32 to vector<16xi32>
    %add3A_989 = arith.addi %min3A_986, %add3A_988 : vector<16xi32>
    %swap3A_990 = arith.constant 544 : index
    %swap3A_991 = tpu.vector_load %arg6[%swap3A_990] {strides = array<i32>} : memref<6400xi32, #tpu.memory_space<vmem>>, vector<16xi32>,
    %swap3A_992 = vector.shape_cast %swap3A_991 : vector<16xi32> to vector<16xi32>
    %swap3A_993 = vector.shape_cast %add3A_989 : vector<16xi32> to vector<16xi32>
    tpu.vector_store %arg6[%swap3A_990], %swap3A_993 {strides = array<i32>} : memref<6400xi32, #tpu.memory_space<vmem>>, vector<16xi32>,
    %get3A_994 = arith.constant 560 : index
    %get3A_995 = tpu.vector_load %arg6[%get3A_994] {strides = array<i32>} : memref<6400xi32, #tpu.memory_space<vmem>>, vector<16xi32>,
    %get3A_996 = vector.shape_cast %get3A_995 : vector<16xi32> to vector<16xi32>
    %get3A_997 = arith.constant 560 : index
    %get3A_998 = tpu.vector_load %arg7[%get3A_997] {strides = array<i32>} : memref<6400xi32, #tpu.memory_space<vmem>>, vector<16xi32>,
    %get3A_999 = vector.shape_cast %get3A_998 : vector<16xi32> to vector<16xi32>
    %eq3A_1000 = arith.constant 2 : i32
    %eq3A_1001 = vector.broadcast %eq3A_1000 : i32 to vector<16xi32>
    %eq3A_1002 = arith.cmpi eq, %get3A_999, %eq3A_1001 : vector<16xi32>
    %jit3A_1003 = arith.constant 100000 : i32
    %jit3A_1004 = arith.constant 0 : i32
    %broadcast_in_dim3A_1005 = vector.broadcast %jit3A_1003 : i32 to vector<16xi32>
    %broadcast_in_dim3A_1006 = vector.broadcast %jit3A_1004 : i32 to vector<16xi32>
    %select_n3A_1007 = arith.select %eq3A_1002, %broadcast_in_dim3A_1005, %broadcast_in_dim3A_1006 : vector<16xi1>, vector<16xi32>
    %add3A_1008 = arith.addi %get3A_996, %select_n3A_1007 : vector<16xi32>
    %jit3A_1009 = arith.constant -1 : i32
    %jit3A_1010 = arith.constant 100999 : i32
    %max3A_1011 = vector.broadcast %jit3A_1009 : i32 to vector<16xi32>
    %max3A_1012 = arith.maxsi %max3A_1011, %add3A_1008 : vector<16xi32>
    %min3A_1013 = vector.broadcast %jit3A_1010 : i32 to vector<16xi32>
    %min3A_1014 = arith.minsi %min3A_1013, %max3A_1012 : vector<16xi32>
    %add3A_1015 = arith.constant 1 : i32
    %add3A_1016 = vector.broadcast %add3A_1015 : i32 to vector<16xi32>
    %add3A_1017 = arith.addi %min3A_1014, %add3A_1016 : vector<16xi32>
    %swap3A_1018 = arith.constant 560 : index
    %swap3A_1019 = tpu.vector_load %arg6[%swap3A_1018] {strides = array<i32>} : memref<6400xi32, #tpu.memory_space<vmem>>, vector<16xi32>,
    %swap3A_1020 = vector.shape_cast %swap3A_1019 : vector<16xi32> to vector<16xi32>
    %swap3A_1021 = vector.shape_cast %add3A_1017 : vector<16xi32> to vector<16xi32>
    tpu.vector_store %arg6[%swap3A_1018], %swap3A_1021 {strides = array<i32>} : memref<6400xi32, #tpu.memory_space<vmem>>, vector<16xi32>,
    %get3A_1022 = arith.constant 576 : index
    %get3A_1023 = tpu.vector_load %arg6[%get3A_1022] {strides = array<i32>} : memref<6400xi32, #tpu.memory_space<vmem>>, vector<16xi32>,
    %get3A_1024 = vector.shape_cast %get3A_1023 : vector<16xi32> to vector<16xi32>
    %get3A_1025 = arith.constant 576 : index
    %get3A_1026 = tpu.vector_load %arg7[%get3A_1025] {strides = array<i32>} : memref<6400xi32, #tpu.memory_space<vmem>>, vector<16xi32>,
    %get3A_1027 = vector.shape_cast %get3A_1026 : vector<16xi32> to vector<16xi32>
    %eq3A_1028 = arith.constant 2 : i32
    %eq3A_1029 = vector.broadcast %eq3A_1028 : i32 to vector<16xi32>
    %eq3A_1030 = arith.cmpi eq, %get3A_1027, %eq3A_1029 : vector<16xi32>
    %jit3A_1031 = arith.constant 100000 : i32
    %jit3A_1032 = arith.constant 0 : i32
    %broadcast_in_dim3A_1033 = vector.broadcast %jit3A_1031 : i32 to vector<16xi32>
    %broadcast_in_dim3A_1034 = vector.broadcast %jit3A_1032 : i32 to vector<16xi32>
    %select_n3A_1035 = arith.select %eq3A_1030, %broadcast_in_dim3A_1033, %broadcast_in_dim3A_1034 : vector<16xi1>, vector<16xi32>
    %add3A_1036 = arith.addi %get3A_1024, %select_n3A_1035 : vector<16xi32>
    %jit3A_1037 = arith.constant -1 : i32
    %jit3A_1038 = arith.constant 100999 : i32
    %max3A_1039 = vector.broadcast %jit3A_1037 : i32 to vector<16xi32>
    %max3A_1040 = arith.maxsi %max3A_1039, %add3A_1036 : vector<16xi32>
    %min3A_1041 = vector.broadcast %jit3A_1038 : i32 to vector<16xi32>
    %min3A_1042 = arith.minsi %min3A_1041, %max3A_1040 : vector<16xi32>
    %add3A_1043 = arith.constant 1 : i32
    %add3A_1044 = vector.broadcast %add3A_1043 : i32 to vector<16xi32>
    %add3A_1045 = arith.addi %min3A_1042, %add3A_1044 : vector<16xi32>
    %swap3A_1046 = arith.constant 576 : index
    %swap3A_1047 = tpu.vector_load %arg6[%swap3A_1046] {strides = array<i32>} : memref<6400xi32, #tpu.memory_space<vmem>>, vector<16xi32>,
    %swap3A_1048 = vector.shape_cast %swap3A_1047 : vector<16xi32> to vector<16xi32>
    %swap3A_1049 = vector.shape_cast %add3A_1045 : vector<16xi32> to vector<16xi32>
    tpu.vector_store %arg6[%swap3A_1046], %swap3A_1049 {strides = array<i32>} : memref<6400xi32, #tpu.memory_space<vmem>>, vector<16xi32>,
    %get3A_1050 = arith.constant 592 : index
    %get3A_1051 = tpu.vector_load %arg6[%get3A_1050] {strides = array<i32>} : memref<6400xi32, #tpu.memory_space<vmem>>, vector<16xi32>,
    %get3A_1052 = vector.shape_cast %get3A_1051 : vector<16xi32> to vector<16xi32>
    %get3A_1053 = arith.constant 592 : index
    %get3A_1054 = tpu.vector_load %arg7[%get3A_1053] {strides = array<i32>} : memref<6400xi32, #tpu.memory_space<vmem>>, vector<16xi32>,
    %get3A_1055 = vector.shape_cast %get3A_1054 : vector<16xi32> to vector<16xi32>
    %eq3A_1056 = arith.constant 2 : i32
    %eq3A_1057 = vector.broadcast %eq3A_1056 : i32 to vector<16xi32>
    %eq3A_1058 = arith.cmpi eq, %get3A_1055, %eq3A_1057 : vector<16xi32>
    %jit3A_1059 = arith.constant 100000 : i32
    %jit3A_1060 = arith.constant 0 : i32
    %broadcast_in_dim3A_1061 = vector.broadcast %jit3A_1059 : i32 to vector<16xi32>
    %broadcast_in_dim3A_1062 = vector.broadcast %jit3A_1060 : i32 to vector<16xi32>
    %select_n3A_1063 = arith.select %eq3A_1058, %broadcast_in_dim3A_1061, %broadcast_in_dim3A_1062 : vector<16xi1>, vector<16xi32>
    %add3A_1064 = arith.addi %get3A_1052, %select_n3A_1063 : vector<16xi32>
    %jit3A_1065 = arith.constant -1 : i32
    %jit3A_1066 = arith.constant 100999 : i32
    %max3A_1067 = vector.broadcast %jit3A_1065 : i32 to vector<16xi32>
    %max3A_1068 = arith.maxsi %max3A_1067, %add3A_1064 : vector<16xi32>
    %min3A_1069 = vector.broadcast %jit3A_1066 : i32 to vector<16xi32>
    %min3A_1070 = arith.minsi %min3A_1069, %max3A_1068 : vector<16xi32>
    %add3A_1071 = arith.constant 1 : i32
    %add3A_1072 = vector.broadcast %add3A_1071 : i32 to vector<16xi32>
    %add3A_1073 = arith.addi %min3A_1070, %add3A_1072 : vector<16xi32>
    %swap3A_1074 = arith.constant 592 : index
    %swap3A_1075 = tpu.vector_load %arg6[%swap3A_1074] {strides = array<i32>} : memref<6400xi32, #tpu.memory_space<vmem>>, vector<16xi32>,
    %swap3A_1076 = vector.shape_cast %swap3A_1075 : vector<16xi32> to vector<16xi32>
    %swap3A_1077 = vector.shape_cast %add3A_1073 : vector<16xi32> to vector<16xi32>
    tpu.vector_store %arg6[%swap3A_1074], %swap3A_1077 {strides = array<i32>} : memref<6400xi32, #tpu.memory_space<vmem>>, vector<16xi32>,
    %get3A_1078 = arith.constant 608 : index
    %get3A_1079 = tpu.vector_load %arg6[%get3A_1078] {strides = array<i32>} : memref<6400xi32, #tpu.memory_space<vmem>>, vector<16xi32>,
    %get3A_1080 = vector.shape_cast %get3A_1079 : vector<16xi32> to vector<16xi32>
    %get3A_1081 = arith.constant 608 : index
    %get3A_1082 = tpu.vector_load %arg7[%get3A_1081] {strides = array<i32>} : memref<6400xi32, #tpu.memory_space<vmem>>, vector<16xi32>,
    %get3A_1083 = vector.shape_cast %get3A_1082 : vector<16xi32> to vector<16xi32>
    %eq3A_1084 = arith.constant 2 : i32
    %eq3A_1085 = vector.broadcast %eq3A_1084 : i32 to vector<16xi32>
    %eq3A_1086 = arith.cmpi eq, %get3A_1083, %eq3A_1085 : vector<16xi32>
    %jit3A_1087 = arith.constant 100000 : i32
    %jit3A_1088 = arith.constant 0 : i32
    %broadcast_in_dim3A_1089 = vector.broadcast %jit3A_1087 : i32 to vector<16xi32>
    %broadcast_in_dim3A_1090 = vector.broadcast %jit3A_1088 : i32 to vector<16xi32>
    %select_n3A_1091 = arith.select %eq3A_1086, %broadcast_in_dim3A_1089, %broadcast_in_dim3A_1090 : vector<16xi1>, vector<16xi32>
    %add3A_1092 = arith.addi %get3A_1080, %select_n3A_1091 : vector<16xi32>
    %jit3A_1093 = arith.constant -1 : i32
    %jit3A_1094 = arith.constant 100999 : i32
    %max3A_1095 = vector.broadcast %jit3A_1093 : i32 to vector<16xi32>
    %max3A_1096 = arith.maxsi %max3A_1095, %add3A_1092 : vector<16xi32>
    %min3A_1097 = vector.broadcast %jit3A_1094 : i32 to vector<16xi32>
    %min3A_1098 = arith.minsi %min3A_1097, %max3A_1096 : vector<16xi32>
    %add3A_1099 = arith.constant 1 : i32
    %add3A_1100 = vector.broadcast %add3A_1099 : i32 to vector<16xi32>
    %add3A_1101 = arith.addi %min3A_1098, %add3A_1100 : vector<16xi32>
    %swap3A_1102 = arith.constant 608 : index
    %swap3A_1103 = tpu.vector_load %arg6[%swap3A_1102] {strides = array<i32>} : memref<6400xi32, #tpu.memory_space<vmem>>, vector<16xi32>,
    %swap3A_1104 = vector.shape_cast %swap3A_1103 : vector<16xi32> to vector<16xi32>
    %swap3A_1105 = vector.shape_cast %add3A_1101 : vector<16xi32> to vector<16xi32>
    tpu.vector_store %arg6[%swap3A_1102], %swap3A_1105 {strides = array<i32>} : memref<6400xi32, #tpu.memory_space<vmem>>, vector<16xi32>,
    %get3A_1106 = arith.constant 624 : index
    %get3A_1107 = tpu.vector_load %arg6[%get3A_1106] {strides = array<i32>} : memref<6400xi32, #tpu.memory_space<vmem>>, vector<16xi32>,
    %get3A_1108 = vector.shape_cast %get3A_1107 : vector<16xi32> to vector<16xi32>
    %get3A_1109 = arith.constant 624 : index
    %get3A_1110 = tpu.vector_load %arg7[%get3A_1109] {strides = array<i32>} : memref<6400xi32, #tpu.memory_space<vmem>>, vector<16xi32>,
    %get3A_1111 = vector.shape_cast %get3A_1110 : vector<16xi32> to vector<16xi32>
    %eq3A_1112 = arith.constant 2 : i32
    %eq3A_1113 = vector.broadcast %eq3A_1112 : i32 to vector<16xi32>
    %eq3A_1114 = arith.cmpi eq, %get3A_1111, %eq3A_1113 : vector<16xi32>
    %jit3A_1115 = arith.constant 100000 : i32
    %jit3A_1116 = arith.constant 0 : i32
    %broadcast_in_dim3A_1117 = vector.broadcast %jit3A_1115 : i32 to vector<16xi32>
    %broadcast_in_dim3A_1118 = vector.broadcast %jit3A_1116 : i32 to vector<16xi32>
    %select_n3A_1119 = arith.select %eq3A_1114, %broadcast_in_dim3A_1117, %broadcast_in_dim3A_1118 : vector<16xi1>, vector<16xi32>
    %add3A_1120 = arith.addi %get3A_1108, %select_n3A_1119 : vector<16xi32>
    %jit3A_1121 = arith.constant -1 : i32
    %jit3A_1122 = arith.constant 100999 : i32
    %max3A_1123 = vector.broadcast %jit3A_1121 : i32 to vector<16xi32>
    %max3A_1124 = arith.maxsi %max3A_1123, %add3A_1120 : vector<16xi32>
    %min3A_1125 = vector.broadcast %jit3A_1122 : i32 to vector<16xi32>
    %min3A_1126 = arith.minsi %min3A_1125, %max3A_1124 : vector<16xi32>
    %add3A_1127 = arith.constant 1 : i32
    %add3A_1128 = vector.broadcast %add3A_1127 : i32 to vector<16xi32>
    %add3A_1129 = arith.addi %min3A_1126, %add3A_1128 : vector<16xi32>
    %swap3A_1130 = arith.constant 624 : index
    %swap3A_1131 = tpu.vector_load %arg6[%swap3A_1130] {strides = array<i32>} : memref<6400xi32, #tpu.memory_space<vmem>>, vector<16xi32>,
    %swap3A_1132 = vector.shape_cast %swap3A_1131 : vector<16xi32> to vector<16xi32>
    %swap3A_1133 = vector.shape_cast %add3A_1129 : vector<16xi32> to vector<16xi32>
    tpu.vector_store %arg6[%swap3A_1130], %swap3A_1133 {strides = array<i32>} : memref<6400xi32, #tpu.memory_space<vmem>>, vector<16xi32>,
    %dma_start3A_1134 = arith.constant 512 : i32
    %dma_start3A_1135 = tpu.memref_slice %arg6[%dma_start3A_1134] : memref<6400xi32, #tpu.memory_space<vmem>> -> memref<128xi32, #tpu.memory_space<vmem>>
    %dma_start3A_1136 = arith.constant 0 : i32
    %dma_start3A_1137 = arith.constant 0 : i32
    %dma_start3A_1138 = tpu.memref_slice %arg4[%dma_start3A_1136, %dma_start3A_1137] : memref<101001x128xf32, #tpu.memory_space<hbm>> -> memref<101001x128xf32, #tpu.memory_space<hbm>>
    tpu.enqueue_indirect_dma source(%dma_start3A_1138 : memref<101001x128xf32, #tpu.memory_space<hbm>>) target(%arg12 : memref<128x128xf32, #tpu.memory_space<vmem>>) offsets(%dma_start3A_1135 : memref<128xi32, #tpu.memory_space<vmem>>) semaphore(%arg17 : memref<!tpu.dma_semaphore, #tpu.memory_space<semaphore_mem>>)
    %scan3A = arith.constant 0 : i32
    %scan3A_1139 = arith.constant 0 : i32
    %scan3A_1140 = arith.constant 9 : i32
    %scan3A_1141 = arith.addi %scan3A_1139, %scan3A_1140 : i32
    %scan3A_1142 = arith.constant 1 : i32
    scf.for %scan3A_1218 = %scan3A_1139 to %scan3A_1141 step %scan3A_1142  : i32 {
      %mul3A_1219 = arith.constant 5 : i32
      %mul3A_1220 = arith.muli %scan3A_1218, %mul3A_1219 : i32
      %add3A_1221 = arith.constant 0 : i32
      %add3A_1222 = arith.addi %mul3A_1220, %add3A_1221 : i32
      %mul3A_1223 = arith.constant 128 : i32
      %mul3A_1224 = arith.muli %add3A_1222, %mul3A_1223 : i32
      %dma_wait3A_1225 = tpu.memref_slice %arg6[%mul3A_1224] : memref<6400xi32, #tpu.memory_space<vmem>> -> memref<128xi32, #tpu.memory_space<vmem>>
      %dma_wait3A_1226 = arith.constant 0 : i32
      %dma_wait3A_1227 = arith.constant 0 : i32
      %dma_wait3A_1228 = tpu.memref_slice %arg4[%dma_wait3A_1226, %dma_wait3A_1227] : memref<101001x128xf32, #tpu.memory_space<hbm>> -> memref<101001x128xf32, #tpu.memory_space<hbm>>
      tpu.wait_indirect_dma semaphore(%arg13 : memref<!tpu.dma_semaphore, #tpu.memory_space<semaphore_mem>>) src(%dma_wait3A_1228 : memref<101001x128xf32, #tpu.memory_space<hbm>>) dst(%arg8 : memref<128x128xf32, #tpu.memory_space<vmem>>)
      %mul3A_1229 = arith.constant 128 : i32
      %mul3A_1230 = arith.muli %add3A_1222, %mul3A_1229 : i32
      %add3A_1231 = arith.addi %mul3A_2, %mul3A_1230 : i32
      %dma_start3A_1232 = arith.constant 0 : i32
      %dma_start3A_1233 = tpu.memref_slice %arg5[%add3A_1231, %dma_start3A_1232] : memref<204800x128xf32, #tpu.memory_space<hbm>> -> memref<128x128xf32, #tpu.memory_space<hbm>>
      %dma_start3A_1234 = arith.constant 0 : i32
      %dma_start3A_1235 = tpu.memref_slice %arg5[%add3A_1231, %dma_start3A_1234] : memref<204800x128xf32, #tpu.memory_space<hbm>> -> memref<128x128xf32, #tpu.memory_space<hbm>>
      tpu.enqueue_dma source(%arg8 : memref<128x128xf32, #tpu.memory_space<vmem>>) target(%dma_start3A_1235 : memref<128x128xf32, #tpu.memory_space<hbm>>) target_semaphore(%arg18 : memref<!tpu.dma_semaphore, #tpu.memory_space<semaphore_mem>>)
      %add3A_1236 = arith.constant 5 : i32
      %add3A_1237 = arith.addi %add3A_1222, %add3A_1236 : i32
      %mul3A_1238 = arith.constant 128 : i32
      %mul3A_1239 = arith.muli %add3A_1237, %mul3A_1238 : i32
      %add3A_1240 = arith.constant 0 : i32
      %add3A_1241 = arith.addi %mul3A_1239, %add3A_1240 : i32
      %get3A_1242 = arith.index_cast %add3A_1241 : i32 to index
      %get3A_1243 = tpu.vector_load %arg6[%get3A_1242] {strides = array<i32>} : memref<6400xi32, #tpu.memory_space<vmem>>, vector<16xi32>,
      %get3A_1244 = vector.shape_cast %get3A_1243 : vector<16xi32> to vector<16xi32>
      %get3A_1245 = arith.index_cast %add3A_1241 : i32 to index
      %get3A_1246 = tpu.vector_load %arg7[%get3A_1245] {strides = array<i32>} : memref<6400xi32, #tpu.memory_space<vmem>>, vector<16xi32>,
      %get3A_1247 = vector.shape_cast %get3A_1246 : vector<16xi32> to vector<16xi32>
      %eq3A_1248 = arith.constant 2 : i32
      %eq3A_1249 = vector.broadcast %eq3A_1248 : i32 to vector<16xi32>
      %eq3A_1250 = arith.cmpi eq, %get3A_1247, %eq3A_1249 : vector<16xi32>
      %jit3A_1251 = arith.constant 100000 : i32
      %jit3A_1252 = arith.constant 0 : i32
      %broadcast_in_dim3A_1253 = vector.broadcast %jit3A_1251 : i32 to vector<16xi32>
      %broadcast_in_dim3A_1254 = vector.broadcast %jit3A_1252 : i32 to vector<16xi32>
      %select_n3A_1255 = arith.select %eq3A_1250, %broadcast_in_dim3A_1253, %broadcast_in_dim3A_1254 : vector<16xi1>, vector<16xi32>
      %add3A_1256 = arith.addi %get3A_1244, %select_n3A_1255 : vector<16xi32>
      %jit3A_1257 = arith.constant -1 : i32
      %jit3A_1258 = arith.constant 100999 : i32
      %max3A_1259 = vector.broadcast %jit3A_1257 : i32 to vector<16xi32>
      %max3A_1260 = arith.maxsi %max3A_1259, %add3A_1256 : vector<16xi32>
      %min3A_1261 = vector.broadcast %jit3A_1258 : i32 to vector<16xi32>
      %min3A_1262 = arith.minsi %min3A_1261, %max3A_1260 : vector<16xi32>
      %add3A_1263 = arith.constant 1 : i32
      %add3A_1264 = vector.broadcast %add3A_1263 : i32 to vector<16xi32>
      %add3A_1265 = arith.addi %min3A_1262, %add3A_1264 : vector<16xi32>
      %swap3A_1266 = arith.index_cast %add3A_1241 : i32 to index
      %swap3A_1267 = tpu.vector_load %arg6[%swap3A_1266] {strides = array<i32>} : memref<6400xi32, #tpu.memory_space<vmem>>, vector<16xi32>,
      %swap3A_1268 = vector.shape_cast %swap3A_1267 : vector<16xi32> to vector<16xi32>
      %swap3A_1269 = vector.shape_cast %add3A_1265 : vector<16xi32> to vector<16xi32>
      tpu.vector_store %arg6[%swap3A_1266], %swap3A_1269 {strides = array<i32>} : memref<6400xi32, #tpu.memory_space<vmem>>, vector<16xi32>,
      %mul3A_1270 = arith.constant 128 : i32
      %mul3A_1271 = arith.muli %add3A_1237, %mul3A_1270 : i32
      %add3A_1272 = arith.constant 16 : i32
      %add3A_1273 = arith.addi %mul3A_1271, %add3A_1272 : i32
      %get3A_1274 = arith.index_cast %add3A_1273 : i32 to index
      %get3A_1275 = tpu.vector_load %arg6[%get3A_1274] {strides = array<i32>} : memref<6400xi32, #tpu.memory_space<vmem>>, vector<16xi32>,
      %get3A_1276 = vector.shape_cast %get3A_1275 : vector<16xi32> to vector<16xi32>
      %get3A_1277 = arith.index_cast %add3A_1273 : i32 to index
      %get3A_1278 = tpu.vector_load %arg7[%get3A_1277] {strides = array<i32>} : memref<6400xi32, #tpu.memory_space<vmem>>, vector<16xi32>,
      %get3A_1279 = vector.shape_cast %get3A_1278 : vector<16xi32> to vector<16xi32>
      %eq3A_1280 = arith.constant 2 : i32
      %eq3A_1281 = vector.broadcast %eq3A_1280 : i32 to vector<16xi32>
      %eq3A_1282 = arith.cmpi eq, %get3A_1279, %eq3A_1281 : vector<16xi32>
      %jit3A_1283 = arith.constant 100000 : i32
      %jit3A_1284 = arith.constant 0 : i32
      %broadcast_in_dim3A_1285 = vector.broadcast %jit3A_1283 : i32 to vector<16xi32>
      %broadcast_in_dim3A_1286 = vector.broadcast %jit3A_1284 : i32 to vector<16xi32>
      %select_n3A_1287 = arith.select %eq3A_1282, %broadcast_in_dim3A_1285, %broadcast_in_dim3A_1286 : vector<16xi1>, vector<16xi32>
      %add3A_1288 = arith.addi %get3A_1276, %select_n3A_1287 : vector<16xi32>
      %jit3A_1289 = arith.constant -1 : i32
      %jit3A_1290 = arith.constant 100999 : i32
      %max3A_1291 = vector.broadcast %jit3A_1289 : i32 to vector<16xi32>
      %max3A_1292 = arith.maxsi %max3A_1291, %add3A_1288 : vector<16xi32>
      %min3A_1293 = vector.broadcast %jit3A_1290 : i32 to vector<16xi32>
      %min3A_1294 = arith.minsi %min3A_1293, %max3A_1292 : vector<16xi32>
      %add3A_1295 = arith.constant 1 : i32
      %add3A_1296 = vector.broadcast %add3A_1295 : i32 to vector<16xi32>
      %add3A_1297 = arith.addi %min3A_1294, %add3A_1296 : vector<16xi32>
      %swap3A_1298 = arith.index_cast %add3A_1273 : i32 to index
      %swap3A_1299 = tpu.vector_load %arg6[%swap3A_1298] {strides = array<i32>} : memref<6400xi32, #tpu.memory_space<vmem>>, vector<16xi32>,
      %swap3A_1300 = vector.shape_cast %swap3A_1299 : vector<16xi32> to vector<16xi32>
      %swap3A_1301 = vector.shape_cast %add3A_1297 : vector<16xi32> to vector<16xi32>
      tpu.vector_store %arg6[%swap3A_1298], %swap3A_1301 {strides = array<i32>} : memref<6400xi32, #tpu.memory_space<vmem>>, vector<16xi32>,
      %mul3A_1302 = arith.constant 128 : i32
      %mul3A_1303 = arith.muli %add3A_1237, %mul3A_1302 : i32
      %add3A_1304 = arith.constant 32 : i32
      %add3A_1305 = arith.addi %mul3A_1303, %add3A_1304 : i32
      %get3A_1306 = arith.index_cast %add3A_1305 : i32 to index
      %get3A_1307 = tpu.vector_load %arg6[%get3A_1306] {strides = array<i32>} : memref<6400xi32, #tpu.memory_space<vmem>>, vector<16xi32>,
      %get3A_1308 = vector.shape_cast %get3A_1307 : vector<16xi32> to vector<16xi32>
      %get3A_1309 = arith.index_cast %add3A_1305 : i32 to index
      %get3A_1310 = tpu.vector_load %arg7[%get3A_1309] {strides = array<i32>} : memref<6400xi32, #tpu.memory_space<vmem>>, vector<16xi32>,
      %get3A_1311 = vector.shape_cast %get3A_1310 : vector<16xi32> to vector<16xi32>
      %eq3A_1312 = arith.constant 2 : i32
      %eq3A_1313 = vector.broadcast %eq3A_1312 : i32 to vector<16xi32>
      %eq3A_1314 = arith.cmpi eq, %get3A_1311, %eq3A_1313 : vector<16xi32>
      %jit3A_1315 = arith.constant 100000 : i32
      %jit3A_1316 = arith.constant 0 : i32
      %broadcast_in_dim3A_1317 = vector.broadcast %jit3A_1315 : i32 to vector<16xi32>
      %broadcast_in_dim3A_1318 = vector.broadcast %jit3A_1316 : i32 to vector<16xi32>
      %select_n3A_1319 = arith.select %eq3A_1314, %broadcast_in_dim3A_1317, %broadcast_in_dim3A_1318 : vector<16xi1>, vector<16xi32>
      %add3A_1320 = arith.addi %get3A_1308, %select_n3A_1319 : vector<16xi32>
      %jit3A_1321 = arith.constant -1 : i32
      %jit3A_1322 = arith.constant 100999 : i32
      %max3A_1323 = vector.broadcast %jit3A_1321 : i32 to vector<16xi32>
      %max3A_1324 = arith.maxsi %max3A_1323, %add3A_1320 : vector<16xi32>
      %min3A_1325 = vector.broadcast %jit3A_1322 : i32 to vector<16xi32>
      %min3A_1326 = arith.minsi %min3A_1325, %max3A_1324 : vector<16xi32>
      %add3A_1327 = arith.constant 1 : i32
      %add3A_1328 = vector.broadcast %add3A_1327 : i32 to vector<16xi32>
      %add3A_1329 = arith.addi %min3A_1326, %add3A_1328 : vector<16xi32>
      %swap3A_1330 = arith.index_cast %add3A_1305 : i32 to index
      %swap3A_1331 = tpu.vector_load %arg6[%swap3A_1330] {strides = array<i32>} : memref<6400xi32, #tpu.memory_space<vmem>>, vector<16xi32>,
      %swap3A_1332 = vector.shape_cast %swap3A_1331 : vector<16xi32> to vector<16xi32>
      %swap3A_1333 = vector.shape_cast %add3A_1329 : vector<16xi32> to vector<16xi32>
      tpu.vector_store %arg6[%swap3A_1330], %swap3A_1333 {strides = array<i32>} : memref<6400xi32, #tpu.memory_space<vmem>>, vector<16xi32>,
      %mul3A_1334 = arith.constant 128 : i32
      %mul3A_1335 = arith.muli %add3A_1237, %mul3A_1334 : i32
      %add3A_1336 = arith.constant 48 : i32
      %add3A_1337 = arith.addi %mul3A_1335, %add3A_1336 : i32
      %get3A_1338 = arith.index_cast %add3A_1337 : i32 to index
      %get3A_1339 = tpu.vector_load %arg6[%get3A_1338] {strides = array<i32>} : memref<6400xi32, #tpu.memory_space<vmem>>, vector<16xi32>,
      %get3A_1340 = vector.shape_cast %get3A_1339 : vector<16xi32> to vector<16xi32>
      %get3A_1341 = arith.index_cast %add3A_1337 : i32 to index
      %get3A_1342 = tpu.vector_load %arg7[%get3A_1341] {strides = array<i32>} : memref<6400xi32, #tpu.memory_space<vmem>>, vector<16xi32>,
      %get3A_1343 = vector.shape_cast %get3A_1342 : vector<16xi32> to vector<16xi32>
      %eq3A_1344 = arith.constant 2 : i32
      %eq3A_1345 = vector.broadcast %eq3A_1344 : i32 to vector<16xi32>
      %eq3A_1346 = arith.cmpi eq, %get3A_1343, %eq3A_1345 : vector<16xi32>
      %jit3A_1347 = arith.constant 100000 : i32
      %jit3A_1348 = arith.constant 0 : i32
      %broadcast_in_dim3A_1349 = vector.broadcast %jit3A_1347 : i32 to vector<16xi32>
      %broadcast_in_dim3A_1350 = vector.broadcast %jit3A_1348 : i32 to vector<16xi32>
      %select_n3A_1351 = arith.select %eq3A_1346, %broadcast_in_dim3A_1349, %broadcast_in_dim3A_1350 : vector<16xi1>, vector<16xi32>
      %add3A_1352 = arith.addi %get3A_1340, %select_n3A_1351 : vector<16xi32>
      %jit3A_1353 = arith.constant -1 : i32
      %jit3A_1354 = arith.constant 100999 : i32
      %max3A_1355 = vector.broadcast %jit3A_1353 : i32 to vector<16xi32>
      %max3A_1356 = arith.maxsi %max3A_1355, %add3A_1352 : vector<16xi32>
      %min3A_1357 = vector.broadcast %jit3A_1354 : i32 to vector<16xi32>
      %min3A_1358 = arith.minsi %min3A_1357, %max3A_1356 : vector<16xi32>
      %add3A_1359 = arith.constant 1 : i32
      %add3A_1360 = vector.broadcast %add3A_1359 : i32 to vector<16xi32>
      %add3A_1361 = arith.addi %min3A_1358, %add3A_1360 : vector<16xi32>
      %swap3A_1362 = arith.index_cast %add3A_1337 : i32 to index
      %swap3A_1363 = tpu.vector_load %arg6[%swap3A_1362] {strides = array<i32>} : memref<6400xi32, #tpu.memory_space<vmem>>, vector<16xi32>,
      %swap3A_1364 = vector.shape_cast %swap3A_1363 : vector<16xi32> to vector<16xi32>
      %swap3A_1365 = vector.shape_cast %add3A_1361 : vector<16xi32> to vector<16xi32>
      tpu.vector_store %arg6[%swap3A_1362], %swap3A_1365 {strides = array<i32>} : memref<6400xi32, #tpu.memory_space<vmem>>, vector<16xi32>,
      %mul3A_1366 = arith.constant 128 : i32
      %mul3A_1367 = arith.muli %add3A_1237, %mul3A_1366 : i32
      %add3A_1368 = arith.constant 64 : i32
      %add3A_1369 = arith.addi %mul3A_1367, %add3A_1368 : i32
      %get3A_1370 = arith.index_cast %add3A_1369 : i32 to index
      %get3A_1371 = tpu.vector_load %arg6[%get3A_1370] {strides = array<i32>} : memref<6400xi32, #tpu.memory_space<vmem>>, vector<16xi32>,
      %get3A_1372 = vector.shape_cast %get3A_1371 : vector<16xi32> to vector<16xi32>
      %get3A_1373 = arith.index_cast %add3A_1369 : i32 to index
      %get3A_1374 = tpu.vector_load %arg7[%get3A_1373] {strides = array<i32>} : memref<6400xi32, #tpu.memory_space<vmem>>, vector<16xi32>,
      %get3A_1375 = vector.shape_cast %get3A_1374 : vector<16xi32> to vector<16xi32>
      %eq3A_1376 = arith.constant 2 : i32
      %eq3A_1377 = vector.broadcast %eq3A_1376 : i32 to vector<16xi32>
      %eq3A_1378 = arith.cmpi eq, %get3A_1375, %eq3A_1377 : vector<16xi32>
      %jit3A_1379 = arith.constant 100000 : i32
      %jit3A_1380 = arith.constant 0 : i32
      %broadcast_in_dim3A_1381 = vector.broadcast %jit3A_1379 : i32 to vector<16xi32>
      %broadcast_in_dim3A_1382 = vector.broadcast %jit3A_1380 : i32 to vector<16xi32>
      %select_n3A_1383 = arith.select %eq3A_1378, %broadcast_in_dim3A_1381, %broadcast_in_dim3A_1382 : vector<16xi1>, vector<16xi32>
      %add3A_1384 = arith.addi %get3A_1372, %select_n3A_1383 : vector<16xi32>
      %jit3A_1385 = arith.constant -1 : i32
      %jit3A_1386 = arith.constant 100999 : i32
      %max3A_1387 = vector.broadcast %jit3A_1385 : i32 to vector<16xi32>
      %max3A_1388 = arith.maxsi %max3A_1387, %add3A_1384 : vector<16xi32>
      %min3A_1389 = vector.broadcast %jit3A_1386 : i32 to vector<16xi32>
      %min3A_1390 = arith.minsi %min3A_1389, %max3A_1388 : vector<16xi32>
      %add3A_1391 = arith.constant 1 : i32
      %add3A_1392 = vector.broadcast %add3A_1391 : i32 to vector<16xi32>
      %add3A_1393 = arith.addi %min3A_1390, %add3A_1392 : vector<16xi32>
      %swap3A_1394 = arith.index_cast %add3A_1369 : i32 to index
      %swap3A_1395 = tpu.vector_load %arg6[%swap3A_1394] {strides = array<i32>} : memref<6400xi32, #tpu.memory_space<vmem>>, vector<16xi32>,
      %swap3A_1396 = vector.shape_cast %swap3A_1395 : vector<16xi32> to vector<16xi32>
      %swap3A_1397 = vector.shape_cast %add3A_1393 : vector<16xi32> to vector<16xi32>
      tpu.vector_store %arg6[%swap3A_1394], %swap3A_1397 {strides = array<i32>} : memref<6400xi32, #tpu.memory_space<vmem>>, vector<16xi32>,
      %mul3A_1398 = arith.constant 128 : i32
      %mul3A_1399 = arith.muli %add3A_1237, %mul3A_1398 : i32
      %add3A_1400 = arith.constant 80 : i32
      %add3A_1401 = arith.addi %mul3A_1399, %add3A_1400 : i32
      %get3A_1402 = arith.index_cast %add3A_1401 : i32 to index
      %get3A_1403 = tpu.vector_load %arg6[%get3A_1402] {strides = array<i32>} : memref<6400xi32, #tpu.memory_space<vmem>>, vector<16xi32>,
      %get3A_1404 = vector.shape_cast %get3A_1403 : vector<16xi32> to vector<16xi32>
      %get3A_1405 = arith.index_cast %add3A_1401 : i32 to index
      %get3A_1406 = tpu.vector_load %arg7[%get3A_1405] {strides = array<i32>} : memref<6400xi32, #tpu.memory_space<vmem>>, vector<16xi32>,
      %get3A_1407 = vector.shape_cast %get3A_1406 : vector<16xi32> to vector<16xi32>
      %eq3A_1408 = arith.constant 2 : i32
      %eq3A_1409 = vector.broadcast %eq3A_1408 : i32 to vector<16xi32>
      %eq3A_1410 = arith.cmpi eq, %get3A_1407, %eq3A_1409 : vector<16xi32>
      %jit3A_1411 = arith.constant 100000 : i32
      %jit3A_1412 = arith.constant 0 : i32
      %broadcast_in_dim3A_1413 = vector.broadcast %jit3A_1411 : i32 to vector<16xi32>
      %broadcast_in_dim3A_1414 = vector.broadcast %jit3A_1412 : i32 to vector<16xi32>
      %select_n3A_1415 = arith.select %eq3A_1410, %broadcast_in_dim3A_1413, %broadcast_in_dim3A_1414 : vector<16xi1>, vector<16xi32>
      %add3A_1416 = arith.addi %get3A_1404, %select_n3A_1415 : vector<16xi32>
      %jit3A_1417 = arith.constant -1 : i32
      %jit3A_1418 = arith.constant 100999 : i32
      %max3A_1419 = vector.broadcast %jit3A_1417 : i32 to vector<16xi32>
      %max3A_1420 = arith.maxsi %max3A_1419, %add3A_1416 : vector<16xi32>
      %min3A_1421 = vector.broadcast %jit3A_1418 : i32 to vector<16xi32>
      %min3A_1422 = arith.minsi %min3A_1421, %max3A_1420 : vector<16xi32>
      %add3A_1423 = arith.constant 1 : i32
      %add3A_1424 = vector.broadcast %add3A_1423 : i32 to vector<16xi32>
      %add3A_1425 = arith.addi %min3A_1422, %add3A_1424 : vector<16xi32>
      %swap3A_1426 = arith.index_cast %add3A_1401 : i32 to index
      %swap3A_1427 = tpu.vector_load %arg6[%swap3A_1426] {strides = array<i32>} : memref<6400xi32, #tpu.memory_space<vmem>>, vector<16xi32>,
      %swap3A_1428 = vector.shape_cast %swap3A_1427 : vector<16xi32> to vector<16xi32>
      %swap3A_1429 = vector.shape_cast %add3A_1425 : vector<16xi32> to vector<16xi32>
      tpu.vector_store %arg6[%swap3A_1426], %swap3A_1429 {strides = array<i32>} : memref<6400xi32, #tpu.memory_space<vmem>>, vector<16xi32>,
      %mul3A_1430 = arith.constant 128 : i32
      %mul3A_1431 = arith.muli %add3A_1237, %mul3A_1430 : i32
      %add3A_1432 = arith.constant 96 : i32
      %add3A_1433 = arith.addi %mul3A_1431, %add3A_1432 : i32
      %get3A_1434 = arith.index_cast %add3A_1433 : i32 to index
      %get3A_1435 = tpu.vector_load %arg6[%get3A_1434] {strides = array<i32>} : memref<6400xi32, #tpu.memory_space<vmem>>, vector<16xi32>,
      %get3A_1436 = vector.shape_cast %get3A_1435 : vector<16xi32> to vector<16xi32>
      %get3A_1437 = arith.index_cast %add3A_1433 : i32 to index
      %get3A_1438 = tpu.vector_load %arg7[%get3A_1437] {strides = array<i32>} : memref<6400xi32, #tpu.memory_space<vmem>>, vector<16xi32>,
      %get3A_1439 = vector.shape_cast %get3A_1438 : vector<16xi32> to vector<16xi32>
      %eq3A_1440 = arith.constant 2 : i32
      %eq3A_1441 = vector.broadcast %eq3A_1440 : i32 to vector<16xi32>
      %eq3A_1442 = arith.cmpi eq, %get3A_1439, %eq3A_1441 : vector<16xi32>
      %jit3A_1443 = arith.constant 100000 : i32
      %jit3A_1444 = arith.constant 0 : i32
      %broadcast_in_dim3A_1445 = vector.broadcast %jit3A_1443 : i32 to vector<16xi32>
      %broadcast_in_dim3A_1446 = vector.broadcast %jit3A_1444 : i32 to vector<16xi32>
      %select_n3A_1447 = arith.select %eq3A_1442, %broadcast_in_dim3A_1445, %broadcast_in_dim3A_1446 : vector<16xi1>, vector<16xi32>
      %add3A_1448 = arith.addi %get3A_1436, %select_n3A_1447 : vector<16xi32>
      %jit3A_1449 = arith.constant -1 : i32
      %jit3A_1450 = arith.constant 100999 : i32
      %max3A_1451 = vector.broadcast %jit3A_1449 : i32 to vector<16xi32>
      %max3A_1452 = arith.maxsi %max3A_1451, %add3A_1448 : vector<16xi32>
      %min3A_1453 = vector.broadcast %jit3A_1450 : i32 to vector<16xi32>
      %min3A_1454 = arith.minsi %min3A_1453, %max3A_1452 : vector<16xi32>
      %add3A_1455 = arith.constant 1 : i32
      %add3A_1456 = vector.broadcast %add3A_1455 : i32 to vector<16xi32>
      %add3A_1457 = arith.addi %min3A_1454, %add3A_1456 : vector<16xi32>
      %swap3A_1458 = arith.index_cast %add3A_1433 : i32 to index
      %swap3A_1459 = tpu.vector_load %arg6[%swap3A_1458] {strides = array<i32>} : memref<6400xi32, #tpu.memory_space<vmem>>, vector<16xi32>,
      %swap3A_1460 = vector.shape_cast %swap3A_1459 : vector<16xi32> to vector<16xi32>
      %swap3A_1461 = vector.shape_cast %add3A_1457 : vector<16xi32> to vector<16xi32>
      tpu.vector_store %arg6[%swap3A_1458], %swap3A_1461 {strides = array<i32>} : memref<6400xi32, #tpu.memory_space<vmem>>, vector<16xi32>,
      %mul3A_1462 = arith.constant 128 : i32
      %mul3A_1463 = arith.muli %add3A_1237, %mul3A_1462 : i32
      %add3A_1464 = arith.constant 112 : i32
      %add3A_1465 = arith.addi %mul3A_1463, %add3A_1464 : i32
      %get3A_1466 = arith.index_cast %add3A_1465 : i32 to index
      %get3A_1467 = tpu.vector_load %arg6[%get3A_1466] {strides = array<i32>} : memref<6400xi32, #tpu.memory_space<vmem>>, vector<16xi32>,
      %get3A_1468 = vector.shape_cast %get3A_1467 : vector<16xi32> to vector<16xi32>
      %get3A_1469 = arith.index_cast %add3A_1465 : i32 to index
      %get3A_1470 = tpu.vector_load %arg7[%get3A_1469] {strides = array<i32>} : memref<6400xi32, #tpu.memory_space<vmem>>, vector<16xi32>,
      %get3A_1471 = vector.shape_cast %get3A_1470 : vector<16xi32> to vector<16xi32>
      %eq3A_1472 = arith.constant 2 : i32
      %eq3A_1473 = vector.broadcast %eq3A_1472 : i32 to vector<16xi32>
      %eq3A_1474 = arith.cmpi eq, %get3A_1471, %eq3A_1473 : vector<16xi32>
      %jit3A_1475 = arith.constant 100000 : i32
      %jit3A_1476 = arith.constant 0 : i32
      %broadcast_in_dim3A_1477 = vector.broadcast %jit3A_1475 : i32 to vector<16xi32>
      %broadcast_in_dim3A_1478 = vector.broadcast %jit3A_1476 : i32 to vector<16xi32>
      %select_n3A_1479 = arith.select %eq3A_1474, %broadcast_in_dim3A_1477, %broadcast_in_dim3A_1478 : vector<16xi1>, vector<16xi32>
      %add3A_1480 = arith.addi %get3A_1468, %select_n3A_1479 : vector<16xi32>
      %jit3A_1481 = arith.constant -1 : i32
      %jit3A_1482 = arith.constant 100999 : i32
      %max3A_1483 = vector.broadcast %jit3A_1481 : i32 to vector<16xi32>
      %max3A_1484 = arith.maxsi %max3A_1483, %add3A_1480 : vector<16xi32>
      %min3A_1485 = vector.broadcast %jit3A_1482 : i32 to vector<16xi32>
      %min3A_1486 = arith.minsi %min3A_1485, %max3A_1484 : vector<16xi32>
      %add3A_1487 = arith.constant 1 : i32
      %add3A_1488 = vector.broadcast %add3A_1487 : i32 to vector<16xi32>
      %add3A_1489 = arith.addi %min3A_1486, %add3A_1488 : vector<16xi32>
      %swap3A_1490 = arith.index_cast %add3A_1465 : i32 to index
      %swap3A_1491 = tpu.vector_load %arg6[%swap3A_1490] {strides = array<i32>} : memref<6400xi32, #tpu.memory_space<vmem>>, vector<16xi32>,
      %swap3A_1492 = vector.shape_cast %swap3A_1491 : vector<16xi32> to vector<16xi32>
      %swap3A_1493 = vector.shape_cast %add3A_1489 : vector<16xi32> to vector<16xi32>
      tpu.vector_store %arg6[%swap3A_1490], %swap3A_1493 {strides = array<i32>} : memref<6400xi32, #tpu.memory_space<vmem>>, vector<16xi32>,
      %dma_wait3A_1494 = arith.constant 0 : i32
      %dma_wait3A_1495 = tpu.memref_slice %arg5[%add3A_1231, %dma_wait3A_1494] : memref<204800x128xf32, #tpu.memory_space<hbm>> -> memref<128x128xf32, #tpu.memory_space<hbm>>
      %dma_wait3A_1496 = arith.constant 0 : i32
      %dma_wait3A_1497 = tpu.memref_slice %arg5[%add3A_1231, %dma_wait3A_1496] : memref<204800x128xf32, #tpu.memory_space<hbm>> -> memref<128x128xf32, #tpu.memory_space<hbm>>
      tpu.wait_dma2 semaphore(%arg18 : memref<!tpu.dma_semaphore, #tpu.memory_space<semaphore_mem>>) src(%arg8 : memref<128x128xf32, #tpu.memory_space<vmem>>) dst(%dma_wait3A_1497 : memref<128x128xf32, #tpu.memory_space<hbm>>)
      %add3A_1498 = arith.constant 5 : i32
      %add3A_1499 = arith.addi %add3A_1222, %add3A_1498 : i32
      %mul3A_1500 = arith.constant 128 : i32
      %mul3A_1501 = arith.muli %add3A_1499, %mul3A_1500 : i32
      %dma_start3A_1502 = tpu.memref_slice %arg6[%mul3A_1501] : memref<6400xi32, #tpu.memory_space<vmem>> -> memref<128xi32, #tpu.memory_space<vmem>>
      %dma_start3A_1503 = arith.constant 0 : i32
      %dma_start3A_1504 = arith.constant 0 : i32
      %dma_start3A_1505 = tpu.memref_slice %arg4[%dma_start3A_1503, %dma_start3A_1504] : memref<101001x128xf32, #tpu.memory_space<hbm>> -> memref<101001x128xf32, #tpu.memory_space<hbm>>
      tpu.enqueue_indirect_dma source(%dma_start3A_1505 : memref<101001x128xf32, #tpu.memory_space<hbm>>) target(%arg8 : memref<128x128xf32, #tpu.memory_space<vmem>>) offsets(%dma_start3A_1502 : memref<128xi32, #tpu.memory_space<vmem>>) semaphore(%arg13 : memref<!tpu.dma_semaphore, #tpu.memory_space<semaphore_mem>>)
      %add3A_1506 = arith.constant 1 : i32
      %add3A_1507 = arith.addi %mul3A_1220, %add3A_1506 : i32
      %mul3A_1508 = arith.constant 128 : i32
      %mul3A_1509 = arith.muli %add3A_1507, %mul3A_1508 : i32
      %dma_wait3A_1510 = tpu.memref_slice %arg6[%mul3A_1509] : memref<6400xi32, #tpu.memory_space<vmem>> -> memref<128xi32, #tpu.memory_space<vmem>>
      %dma_wait3A_1511 = arith.constant 0 : i32
      %dma_wait3A_1512 = arith.constant 0 : i32
      %dma_wait3A_1513 = tpu.memref_slice %arg4[%dma_wait3A_1511, %dma_wait3A_1512] : memref<101001x128xf32, #tpu.memory_space<hbm>> -> memref<101001x128xf32, #tpu.memory_space<hbm>>
      tpu.wait_indirect_dma semaphore(%arg14 : memref<!tpu.dma_semaphore, #tpu.memory_space<semaphore_mem>>) src(%dma_wait3A_1513 : memref<101001x128xf32, #tpu.memory_space<hbm>>) dst(%arg9 : memref<128x128xf32, #tpu.memory_space<vmem>>)
      %mul3A_1514 = arith.constant 128 : i32
      %mul3A_1515 = arith.muli %add3A_1507, %mul3A_1514 : i32
      %add3A_1516 = arith.addi %mul3A_2, %mul3A_1515 : i32
      %dma_start3A_1517 = arith.constant 0 : i32
      %dma_start3A_1518 = tpu.memref_slice %arg5[%add3A_1516, %dma_start3A_1517] : memref<204800x128xf32, #tpu.memory_space<hbm>> -> memref<128x128xf32, #tpu.memory_space<hbm>>
      %dma_start3A_1519 = arith.constant 0 : i32
      %dma_start3A_1520 = tpu.memref_slice %arg5[%add3A_1516, %dma_start3A_1519] : memref<204800x128xf32, #tpu.memory_space<hbm>> -> memref<128x128xf32, #tpu.memory_space<hbm>>
      tpu.enqueue_dma source(%arg9 : memref<128x128xf32, #tpu.memory_space<vmem>>) target(%dma_start3A_1520 : memref<128x128xf32, #tpu.memory_space<hbm>>) target_semaphore(%arg19 : memref<!tpu.dma_semaphore, #tpu.memory_space<semaphore_mem>>)
      %add3A_1521 = arith.constant 5 : i32
      %add3A_1522 = arith.addi %add3A_1507, %add3A_1521 : i32
      %mul3A_1523 = arith.constant 128 : i32
      %mul3A_1524 = arith.muli %add3A_1522, %mul3A_1523 : i32
      %add3A_1525 = arith.constant 0 : i32
      %add3A_1526 = arith.addi %mul3A_1524, %add3A_1525 : i32
      %get3A_1527 = arith.index_cast %add3A_1526 : i32 to index
      %get3A_1528 = tpu.vector_load %arg6[%get3A_1527] {strides = array<i32>} : memref<6400xi32, #tpu.memory_space<vmem>>, vector<16xi32>,
      %get3A_1529 = vector.shape_cast %get3A_1528 : vector<16xi32> to vector<16xi32>
      %get3A_1530 = arith.index_cast %add3A_1526 : i32 to index
      %get3A_1531 = tpu.vector_load %arg7[%get3A_1530] {strides = array<i32>} : memref<6400xi32, #tpu.memory_space<vmem>>, vector<16xi32>,
      %get3A_1532 = vector.shape_cast %get3A_1531 : vector<16xi32> to vector<16xi32>
      %eq3A_1533 = arith.constant 2 : i32
      %eq3A_1534 = vector.broadcast %eq3A_1533 : i32 to vector<16xi32>
      %eq3A_1535 = arith.cmpi eq, %get3A_1532, %eq3A_1534 : vector<16xi32>
      %jit3A_1536 = arith.constant 100000 : i32
      %jit3A_1537 = arith.constant 0 : i32
      %broadcast_in_dim3A_1538 = vector.broadcast %jit3A_1536 : i32 to vector<16xi32>
      %broadcast_in_dim3A_1539 = vector.broadcast %jit3A_1537 : i32 to vector<16xi32>
      %select_n3A_1540 = arith.select %eq3A_1535, %broadcast_in_dim3A_1538, %broadcast_in_dim3A_1539 : vector<16xi1>, vector<16xi32>
      %add3A_1541 = arith.addi %get3A_1529, %select_n3A_1540 : vector<16xi32>
      %jit3A_1542 = arith.constant -1 : i32
      %jit3A_1543 = arith.constant 100999 : i32
      %max3A_1544 = vector.broadcast %jit3A_1542 : i32 to vector<16xi32>
      %max3A_1545 = arith.maxsi %max3A_1544, %add3A_1541 : vector<16xi32>
      %min3A_1546 = vector.broadcast %jit3A_1543 : i32 to vector<16xi32>
      %min3A_1547 = arith.minsi %min3A_1546, %max3A_1545 : vector<16xi32>
      %add3A_1548 = arith.constant 1 : i32
      %add3A_1549 = vector.broadcast %add3A_1548 : i32 to vector<16xi32>
      %add3A_1550 = arith.addi %min3A_1547, %add3A_1549 : vector<16xi32>
      %swap3A_1551 = arith.index_cast %add3A_1526 : i32 to index
      %swap3A_1552 = tpu.vector_load %arg6[%swap3A_1551] {strides = array<i32>} : memref<6400xi32, #tpu.memory_space<vmem>>, vector<16xi32>,
      %swap3A_1553 = vector.shape_cast %swap3A_1552 : vector<16xi32> to vector<16xi32>
      %swap3A_1554 = vector.shape_cast %add3A_1550 : vector<16xi32> to vector<16xi32>
      tpu.vector_store %arg6[%swap3A_1551], %swap3A_1554 {strides = array<i32>} : memref<6400xi32, #tpu.memory_space<vmem>>, vector<16xi32>,
      %mul3A_1555 = arith.constant 128 : i32
      %mul3A_1556 = arith.muli %add3A_1522, %mul3A_1555 : i32
      %add3A_1557 = arith.constant 16 : i32
      %add3A_1558 = arith.addi %mul3A_1556, %add3A_1557 : i32
      %get3A_1559 = arith.index_cast %add3A_1558 : i32 to index
      %get3A_1560 = tpu.vector_load %arg6[%get3A_1559] {strides = array<i32>} : memref<6400xi32, #tpu.memory_space<vmem>>, vector<16xi32>,
      %get3A_1561 = vector.shape_cast %get3A_1560 : vector<16xi32> to vector<16xi32>
      %get3A_1562 = arith.index_cast %add3A_1558 : i32 to index
      %get3A_1563 = tpu.vector_load %arg7[%get3A_1562] {strides = array<i32>} : memref<6400xi32, #tpu.memory_space<vmem>>, vector<16xi32>,
      %get3A_1564 = vector.shape_cast %get3A_1563 : vector<16xi32> to vector<16xi32>
      %eq3A_1565 = arith.constant 2 : i32
      %eq3A_1566 = vector.broadcast %eq3A_1565 : i32 to vector<16xi32>
      %eq3A_1567 = arith.cmpi eq, %get3A_1564, %eq3A_1566 : vector<16xi32>
      %jit3A_1568 = arith.constant 100000 : i32
      %jit3A_1569 = arith.constant 0 : i32
      %broadcast_in_dim3A_1570 = vector.broadcast %jit3A_1568 : i32 to vector<16xi32>
      %broadcast_in_dim3A_1571 = vector.broadcast %jit3A_1569 : i32 to vector<16xi32>
      %select_n3A_1572 = arith.select %eq3A_1567, %broadcast_in_dim3A_1570, %broadcast_in_dim3A_1571 : vector<16xi1>, vector<16xi32>
      %add3A_1573 = arith.addi %get3A_1561, %select_n3A_1572 : vector<16xi32>
      %jit3A_1574 = arith.constant -1 : i32
      %jit3A_1575 = arith.constant 100999 : i32
      %max3A_1576 = vector.broadcast %jit3A_1574 : i32 to vector<16xi32>
      %max3A_1577 = arith.maxsi %max3A_1576, %add3A_1573 : vector<16xi32>
      %min3A_1578 = vector.broadcast %jit3A_1575 : i32 to vector<16xi32>
      %min3A_1579 = arith.minsi %min3A_1578, %max3A_1577 : vector<16xi32>
      %add3A_1580 = arith.constant 1 : i32
      %add3A_1581 = vector.broadcast %add3A_1580 : i32 to vector<16xi32>
      %add3A_1582 = arith.addi %min3A_1579, %add3A_1581 : vector<16xi32>
      %swap3A_1583 = arith.index_cast %add3A_1558 : i32 to index
      %swap3A_1584 = tpu.vector_load %arg6[%swap3A_1583] {strides = array<i32>} : memref<6400xi32, #tpu.memory_space<vmem>>, vector<16xi32>,
      %swap3A_1585 = vector.shape_cast %swap3A_1584 : vector<16xi32> to vector<16xi32>
      %swap3A_1586 = vector.shape_cast %add3A_1582 : vector<16xi32> to vector<16xi32>
      tpu.vector_store %arg6[%swap3A_1583], %swap3A_1586 {strides = array<i32>} : memref<6400xi32, #tpu.memory_space<vmem>>, vector<16xi32>,
      %mul3A_1587 = arith.constant 128 : i32
      %mul3A_1588 = arith.muli %add3A_1522, %mul3A_1587 : i32
      %add3A_1589 = arith.constant 32 : i32
      %add3A_1590 = arith.addi %mul3A_1588, %add3A_1589 : i32
      %get3A_1591 = arith.index_cast %add3A_1590 : i32 to index
      %get3A_1592 = tpu.vector_load %arg6[%get3A_1591] {strides = array<i32>} : memref<6400xi32, #tpu.memory_space<vmem>>, vector<16xi32>,
      %get3A_1593 = vector.shape_cast %get3A_1592 : vector<16xi32> to vector<16xi32>
      %get3A_1594 = arith.index_cast %add3A_1590 : i32 to index
      %get3A_1595 = tpu.vector_load %arg7[%get3A_1594] {strides = array<i32>} : memref<6400xi32, #tpu.memory_space<vmem>>, vector<16xi32>,
      %get3A_1596 = vector.shape_cast %get3A_1595 : vector<16xi32> to vector<16xi32>
      %eq3A_1597 = arith.constant 2 : i32
      %eq3A_1598 = vector.broadcast %eq3A_1597 : i32 to vector<16xi32>
      %eq3A_1599 = arith.cmpi eq, %get3A_1596, %eq3A_1598 : vector<16xi32>
      %jit3A_1600 = arith.constant 100000 : i32
      %jit3A_1601 = arith.constant 0 : i32
      %broadcast_in_dim3A_1602 = vector.broadcast %jit3A_1600 : i32 to vector<16xi32>
      %broadcast_in_dim3A_1603 = vector.broadcast %jit3A_1601 : i32 to vector<16xi32>
      %select_n3A_1604 = arith.select %eq3A_1599, %broadcast_in_dim3A_1602, %broadcast_in_dim3A_1603 : vector<16xi1>, vector<16xi32>
      %add3A_1605 = arith.addi %get3A_1593, %select_n3A_1604 : vector<16xi32>
      %jit3A_1606 = arith.constant -1 : i32
      %jit3A_1607 = arith.constant 100999 : i32
      %max3A_1608 = vector.broadcast %jit3A_1606 : i32 to vector<16xi32>
      %max3A_1609 = arith.maxsi %max3A_1608, %add3A_1605 : vector<16xi32>
      %min3A_1610 = vector.broadcast %jit3A_1607 : i32 to vector<16xi32>
      %min3A_1611 = arith.minsi %min3A_1610, %max3A_1609 : vector<16xi32>
      %add3A_1612 = arith.constant 1 : i32
      %add3A_1613 = vector.broadcast %add3A_1612 : i32 to vector<16xi32>
      %add3A_1614 = arith.addi %min3A_1611, %add3A_1613 : vector<16xi32>
      %swap3A_1615 = arith.index_cast %add3A_1590 : i32 to index
      %swap3A_1616 = tpu.vector_load %arg6[%swap3A_1615] {strides = array<i32>} : memref<6400xi32, #tpu.memory_space<vmem>>, vector<16xi32>,
      %swap3A_1617 = vector.shape_cast %swap3A_1616 : vector<16xi32> to vector<16xi32>
      %swap3A_1618 = vector.shape_cast %add3A_1614 : vector<16xi32> to vector<16xi32>
      tpu.vector_store %arg6[%swap3A_1615], %swap3A_1618 {strides = array<i32>} : memref<6400xi32, #tpu.memory_space<vmem>>, vector<16xi32>,
      %mul3A_1619 = arith.constant 128 : i32
      %mul3A_1620 = arith.muli %add3A_1522, %mul3A_1619 : i32
      %add3A_1621 = arith.constant 48 : i32
      %add3A_1622 = arith.addi %mul3A_1620, %add3A_1621 : i32
      %get3A_1623 = arith.index_cast %add3A_1622 : i32 to index
      %get3A_1624 = tpu.vector_load %arg6[%get3A_1623] {strides = array<i32>} : memref<6400xi32, #tpu.memory_space<vmem>>, vector<16xi32>,
      %get3A_1625 = vector.shape_cast %get3A_1624 : vector<16xi32> to vector<16xi32>
      %get3A_1626 = arith.index_cast %add3A_1622 : i32 to index
      %get3A_1627 = tpu.vector_load %arg7[%get3A_1626] {strides = array<i32>} : memref<6400xi32, #tpu.memory_space<vmem>>, vector<16xi32>,
      %get3A_1628 = vector.shape_cast %get3A_1627 : vector<16xi32> to vector<16xi32>
      %eq3A_1629 = arith.constant 2 : i32
      %eq3A_1630 = vector.broadcast %eq3A_1629 : i32 to vector<16xi32>
      %eq3A_1631 = arith.cmpi eq, %get3A_1628, %eq3A_1630 : vector<16xi32>
      %jit3A_1632 = arith.constant 100000 : i32
      %jit3A_1633 = arith.constant 0 : i32
      %broadcast_in_dim3A_1634 = vector.broadcast %jit3A_1632 : i32 to vector<16xi32>
      %broadcast_in_dim3A_1635 = vector.broadcast %jit3A_1633 : i32 to vector<16xi32>
      %select_n3A_1636 = arith.select %eq3A_1631, %broadcast_in_dim3A_1634, %broadcast_in_dim3A_1635 : vector<16xi1>, vector<16xi32>
      %add3A_1637 = arith.addi %get3A_1625, %select_n3A_1636 : vector<16xi32>
      %jit3A_1638 = arith.constant -1 : i32
      %jit3A_1639 = arith.constant 100999 : i32
      %max3A_1640 = vector.broadcast %jit3A_1638 : i32 to vector<16xi32>
      %max3A_1641 = arith.maxsi %max3A_1640, %add3A_1637 : vector<16xi32>
      %min3A_1642 = vector.broadcast %jit3A_1639 : i32 to vector<16xi32>
      %min3A_1643 = arith.minsi %min3A_1642, %max3A_1641 : vector<16xi32>
      %add3A_1644 = arith.constant 1 : i32
      %add3A_1645 = vector.broadcast %add3A_1644 : i32 to vector<16xi32>
      %add3A_1646 = arith.addi %min3A_1643, %add3A_1645 : vector<16xi32>
      %swap3A_1647 = arith.index_cast %add3A_1622 : i32 to index
      %swap3A_1648 = tpu.vector_load %arg6[%swap3A_1647] {strides = array<i32>} : memref<6400xi32, #tpu.memory_space<vmem>>, vector<16xi32>,
      %swap3A_1649 = vector.shape_cast %swap3A_1648 : vector<16xi32> to vector<16xi32>
      %swap3A_1650 = vector.shape_cast %add3A_1646 : vector<16xi32> to vector<16xi32>
      tpu.vector_store %arg6[%swap3A_1647], %swap3A_1650 {strides = array<i32>} : memref<6400xi32, #tpu.memory_space<vmem>>, vector<16xi32>,
      %mul3A_1651 = arith.constant 128 : i32
      %mul3A_1652 = arith.muli %add3A_1522, %mul3A_1651 : i32
      %add3A_1653 = arith.constant 64 : i32
      %add3A_1654 = arith.addi %mul3A_1652, %add3A_1653 : i32
      %get3A_1655 = arith.index_cast %add3A_1654 : i32 to index
      %get3A_1656 = tpu.vector_load %arg6[%get3A_1655] {strides = array<i32>} : memref<6400xi32, #tpu.memory_space<vmem>>, vector<16xi32>,
      %get3A_1657 = vector.shape_cast %get3A_1656 : vector<16xi32> to vector<16xi32>
      %get3A_1658 = arith.index_cast %add3A_1654 : i32 to index
      %get3A_1659 = tpu.vector_load %arg7[%get3A_1658] {strides = array<i32>} : memref<6400xi32, #tpu.memory_space<vmem>>, vector<16xi32>,
      %get3A_1660 = vector.shape_cast %get3A_1659 : vector<16xi32> to vector<16xi32>
      %eq3A_1661 = arith.constant 2 : i32
      %eq3A_1662 = vector.broadcast %eq3A_1661 : i32 to vector<16xi32>
      %eq3A_1663 = arith.cmpi eq, %get3A_1660, %eq3A_1662 : vector<16xi32>
      %jit3A_1664 = arith.constant 100000 : i32
      %jit3A_1665 = arith.constant 0 : i32
      %broadcast_in_dim3A_1666 = vector.broadcast %jit3A_1664 : i32 to vector<16xi32>
      %broadcast_in_dim3A_1667 = vector.broadcast %jit3A_1665 : i32 to vector<16xi32>
      %select_n3A_1668 = arith.select %eq3A_1663, %broadcast_in_dim3A_1666, %broadcast_in_dim3A_1667 : vector<16xi1>, vector<16xi32>
      %add3A_1669 = arith.addi %get3A_1657, %select_n3A_1668 : vector<16xi32>
      %jit3A_1670 = arith.constant -1 : i32
      %jit3A_1671 = arith.constant 100999 : i32
      %max3A_1672 = vector.broadcast %jit3A_1670 : i32 to vector<16xi32>
      %max3A_1673 = arith.maxsi %max3A_1672, %add3A_1669 : vector<16xi32>
      %min3A_1674 = vector.broadcast %jit3A_1671 : i32 to vector<16xi32>
      %min3A_1675 = arith.minsi %min3A_1674, %max3A_1673 : vector<16xi32>
      %add3A_1676 = arith.constant 1 : i32
      %add3A_1677 = vector.broadcast %add3A_1676 : i32 to vector<16xi32>
      %add3A_1678 = arith.addi %min3A_1675, %add3A_1677 : vector<16xi32>
      %swap3A_1679 = arith.index_cast %add3A_1654 : i32 to index
      %swap3A_1680 = tpu.vector_load %arg6[%swap3A_1679] {strides = array<i32>} : memref<6400xi32, #tpu.memory_space<vmem>>, vector<16xi32>,
      %swap3A_1681 = vector.shape_cast %swap3A_1680 : vector<16xi32> to vector<16xi32>
      %swap3A_1682 = vector.shape_cast %add3A_1678 : vector<16xi32> to vector<16xi32>
      tpu.vector_store %arg6[%swap3A_1679], %swap3A_1682 {strides = array<i32>} : memref<6400xi32, #tpu.memory_space<vmem>>, vector<16xi32>,
      %mul3A_1683 = arith.constant 128 : i32
      %mul3A_1684 = arith.muli %add3A_1522, %mul3A_1683 : i32
      %add3A_1685 = arith.constant 80 : i32
      %add3A_1686 = arith.addi %mul3A_1684, %add3A_1685 : i32
      %get3A_1687 = arith.index_cast %add3A_1686 : i32 to index
      %get3A_1688 = tpu.vector_load %arg6[%get3A_1687] {strides = array<i32>} : memref<6400xi32, #tpu.memory_space<vmem>>, vector<16xi32>,
      %get3A_1689 = vector.shape_cast %get3A_1688 : vector<16xi32> to vector<16xi32>
      %get3A_1690 = arith.index_cast %add3A_1686 : i32 to index
      %get3A_1691 = tpu.vector_load %arg7[%get3A_1690] {strides = array<i32>} : memref<6400xi32, #tpu.memory_space<vmem>>, vector<16xi32>,
      %get3A_1692 = vector.shape_cast %get3A_1691 : vector<16xi32> to vector<16xi32>
      %eq3A_1693 = arith.constant 2 : i32
      %eq3A_1694 = vector.broadcast %eq3A_1693 : i32 to vector<16xi32>
      %eq3A_1695 = arith.cmpi eq, %get3A_1692, %eq3A_1694 : vector<16xi32>
      %jit3A_1696 = arith.constant 100000 : i32
      %jit3A_1697 = arith.constant 0 : i32
      %broadcast_in_dim3A_1698 = vector.broadcast %jit3A_1696 : i32 to vector<16xi32>
      %broadcast_in_dim3A_1699 = vector.broadcast %jit3A_1697 : i32 to vector<16xi32>
      %select_n3A_1700 = arith.select %eq3A_1695, %broadcast_in_dim3A_1698, %broadcast_in_dim3A_1699 : vector<16xi1>, vector<16xi32>
      %add3A_1701 = arith.addi %get3A_1689, %select_n3A_1700 : vector<16xi32>
      %jit3A_1702 = arith.constant -1 : i32
      %jit3A_1703 = arith.constant 100999 : i32
      %max3A_1704 = vector.broadcast %jit3A_1702 : i32 to vector<16xi32>
      %max3A_1705 = arith.maxsi %max3A_1704, %add3A_1701 : vector<16xi32>
      %min3A_1706 = vector.broadcast %jit3A_1703 : i32 to vector<16xi32>
      %min3A_1707 = arith.minsi %min3A_1706, %max3A_1705 : vector<16xi32>
      %add3A_1708 = arith.constant 1 : i32
      %add3A_1709 = vector.broadcast %add3A_1708 : i32 to vector<16xi32>
      %add3A_1710 = arith.addi %min3A_1707, %add3A_1709 : vector<16xi32>
      %swap3A_1711 = arith.index_cast %add3A_1686 : i32 to index
      %swap3A_1712 = tpu.vector_load %arg6[%swap3A_1711] {strides = array<i32>} : memref<6400xi32, #tpu.memory_space<vmem>>, vector<16xi32>,
      %swap3A_1713 = vector.shape_cast %swap3A_1712 : vector<16xi32> to vector<16xi32>
      %swap3A_1714 = vector.shape_cast %add3A_1710 : vector<16xi32> to vector<16xi32>
      tpu.vector_store %arg6[%swap3A_1711], %swap3A_1714 {strides = array<i32>} : memref<6400xi32, #tpu.memory_space<vmem>>, vector<16xi32>,
      %mul3A_1715 = arith.constant 128 : i32
      %mul3A_1716 = arith.muli %add3A_1522, %mul3A_1715 : i32
      %add3A_1717 = arith.constant 96 : i32
      %add3A_1718 = arith.addi %mul3A_1716, %add3A_1717 : i32
      %get3A_1719 = arith.index_cast %add3A_1718 : i32 to index
      %get3A_1720 = tpu.vector_load %arg6[%get3A_1719] {strides = array<i32>} : memref<6400xi32, #tpu.memory_space<vmem>>, vector<16xi32>,
      %get3A_1721 = vector.shape_cast %get3A_1720 : vector<16xi32> to vector<16xi32>
      %get3A_1722 = arith.index_cast %add3A_1718 : i32 to index
      %get3A_1723 = tpu.vector_load %arg7[%get3A_1722] {strides = array<i32>} : memref<6400xi32, #tpu.memory_space<vmem>>, vector<16xi32>,
      %get3A_1724 = vector.shape_cast %get3A_1723 : vector<16xi32> to vector<16xi32>
      %eq3A_1725 = arith.constant 2 : i32
      %eq3A_1726 = vector.broadcast %eq3A_1725 : i32 to vector<16xi32>
      %eq3A_1727 = arith.cmpi eq, %get3A_1724, %eq3A_1726 : vector<16xi32>
      %jit3A_1728 = arith.constant 100000 : i32
      %jit3A_1729 = arith.constant 0 : i32
      %broadcast_in_dim3A_1730 = vector.broadcast %jit3A_1728 : i32 to vector<16xi32>
      %broadcast_in_dim3A_1731 = vector.broadcast %jit3A_1729 : i32 to vector<16xi32>
      %select_n3A_1732 = arith.select %eq3A_1727, %broadcast_in_dim3A_1730, %broadcast_in_dim3A_1731 : vector<16xi1>, vector<16xi32>
      %add3A_1733 = arith.addi %get3A_1721, %select_n3A_1732 : vector<16xi32>
      %jit3A_1734 = arith.constant -1 : i32
      %jit3A_1735 = arith.constant 100999 : i32
      %max3A_1736 = vector.broadcast %jit3A_1734 : i32 to vector<16xi32>
      %max3A_1737 = arith.maxsi %max3A_1736, %add3A_1733 : vector<16xi32>
      %min3A_1738 = vector.broadcast %jit3A_1735 : i32 to vector<16xi32>
      %min3A_1739 = arith.minsi %min3A_1738, %max3A_1737 : vector<16xi32>
      %add3A_1740 = arith.constant 1 : i32
      %add3A_1741 = vector.broadcast %add3A_1740 : i32 to vector<16xi32>
      %add3A_1742 = arith.addi %min3A_1739, %add3A_1741 : vector<16xi32>
      %swap3A_1743 = arith.index_cast %add3A_1718 : i32 to index
      %swap3A_1744 = tpu.vector_load %arg6[%swap3A_1743] {strides = array<i32>} : memref<6400xi32, #tpu.memory_space<vmem>>, vector<16xi32>,
      %swap3A_1745 = vector.shape_cast %swap3A_1744 : vector<16xi32> to vector<16xi32>
      %swap3A_1746 = vector.shape_cast %add3A_1742 : vector<16xi32> to vector<16xi32>
      tpu.vector_store %arg6[%swap3A_1743], %swap3A_1746 {strides = array<i32>} : memref<6400xi32, #tpu.memory_space<vmem>>, vector<16xi32>,
      %mul3A_1747 = arith.constant 128 : i32
      %mul3A_1748 = arith.muli %add3A_1522, %mul3A_1747 : i32
      %add3A_1749 = arith.constant 112 : i32
      %add3A_1750 = arith.addi %mul3A_1748, %add3A_1749 : i32
      %get3A_1751 = arith.index_cast %add3A_1750 : i32 to index
      %get3A_1752 = tpu.vector_load %arg6[%get3A_1751] {strides = array<i32>} : memref<6400xi32, #tpu.memory_space<vmem>>, vector<16xi32>,
      %get3A_1753 = vector.shape_cast %get3A_1752 : vector<16xi32> to vector<16xi32>
      %get3A_1754 = arith.index_cast %add3A_1750 : i32 to index
      %get3A_1755 = tpu.vector_load %arg7[%get3A_1754] {strides = array<i32>} : memref<6400xi32, #tpu.memory_space<vmem>>, vector<16xi32>,
      %get3A_1756 = vector.shape_cast %get3A_1755 : vector<16xi32> to vector<16xi32>
      %eq3A_1757 = arith.constant 2 : i32
      %eq3A_1758 = vector.broadcast %eq3A_1757 : i32 to vector<16xi32>
      %eq3A_1759 = arith.cmpi eq, %get3A_1756, %eq3A_1758 : vector<16xi32>
      %jit3A_1760 = arith.constant 100000 : i32
      %jit3A_1761 = arith.constant 0 : i32
      %broadcast_in_dim3A_1762 = vector.broadcast %jit3A_1760 : i32 to vector<16xi32>
      %broadcast_in_dim3A_1763 = vector.broadcast %jit3A_1761 : i32 to vector<16xi32>
      %select_n3A_1764 = arith.select %eq3A_1759, %broadcast_in_dim3A_1762, %broadcast_in_dim3A_1763 : vector<16xi1>, vector<16xi32>
      %add3A_1765 = arith.addi %get3A_1753, %select_n3A_1764 : vector<16xi32>
      %jit3A_1766 = arith.constant -1 : i32
      %jit3A_1767 = arith.constant 100999 : i32
      %max3A_1768 = vector.broadcast %jit3A_1766 : i32 to vector<16xi32>
      %max3A_1769 = arith.maxsi %max3A_1768, %add3A_1765 : vector<16xi32>
      %min3A_1770 = vector.broadcast %jit3A_1767 : i32 to vector<16xi32>
      %min3A_1771 = arith.minsi %min3A_1770, %max3A_1769 : vector<16xi32>
      %add3A_1772 = arith.constant 1 : i32
      %add3A_1773 = vector.broadcast %add3A_1772 : i32 to vector<16xi32>
      %add3A_1774 = arith.addi %min3A_1771, %add3A_1773 : vector<16xi32>
      %swap3A_1775 = arith.index_cast %add3A_1750 : i32 to index
      %swap3A_1776 = tpu.vector_load %arg6[%swap3A_1775] {strides = array<i32>} : memref<6400xi32, #tpu.memory_space<vmem>>, vector<16xi32>,
      %swap3A_1777 = vector.shape_cast %swap3A_1776 : vector<16xi32> to vector<16xi32>
      %swap3A_1778 = vector.shape_cast %add3A_1774 : vector<16xi32> to vector<16xi32>
      tpu.vector_store %arg6[%swap3A_1775], %swap3A_1778 {strides = array<i32>} : memref<6400xi32, #tpu.memory_space<vmem>>, vector<16xi32>,
      %dma_wait3A_1779 = arith.constant 0 : i32
      %dma_wait3A_1780 = tpu.memref_slice %arg5[%add3A_1516, %dma_wait3A_1779] : memref<204800x128xf32, #tpu.memory_space<hbm>> -> memref<128x128xf32, #tpu.memory_space<hbm>>
      %dma_wait3A_1781 = arith.constant 0 : i32
      %dma_wait3A_1782 = tpu.memref_slice %arg5[%add3A_1516, %dma_wait3A_1781] : memref<204800x128xf32, #tpu.memory_space<hbm>> -> memref<128x128xf32, #tpu.memory_space<hbm>>
      tpu.wait_dma2 semaphore(%arg19 : memref<!tpu.dma_semaphore, #tpu.memory_space<semaphore_mem>>) src(%arg9 : memref<128x128xf32, #tpu.memory_space<vmem>>) dst(%dma_wait3A_1782 : memref<128x128xf32, #tpu.memory_space<hbm>>)
      %add3A_1783 = arith.constant 5 : i32
      %add3A_1784 = arith.addi %add3A_1507, %add3A_1783 : i32
      %mul3A_1785 = arith.constant 128 : i32
      %mul3A_1786 = arith.muli %add3A_1784, %mul3A_1785 : i32
      %dma_start3A_1787 = tpu.memref_slice %arg6[%mul3A_1786] : memref<6400xi32, #tpu.memory_space<vmem>> -> memref<128xi32, #tpu.memory_space<vmem>>
      %dma_start3A_1788 = arith.constant 0 : i32
      %dma_start3A_1789 = arith.constant 0 : i32
      %dma_start3A_1790 = tpu.memref_slice %arg4[%dma_start3A_1788, %dma_start3A_1789] : memref<101001x128xf32, #tpu.memory_space<hbm>> -> memref<101001x128xf32, #tpu.memory_space<hbm>>
      tpu.enqueue_indirect_dma source(%dma_start3A_1790 : memref<101001x128xf32, #tpu.memory_space<hbm>>) target(%arg9 : memref<128x128xf32, #tpu.memory_space<vmem>>) offsets(%dma_start3A_1787 : memref<128xi32, #tpu.memory_space<vmem>>) semaphore(%arg14 : memref<!tpu.dma_semaphore, #tpu.memory_space<semaphore_mem>>)
      %add3A_1791 = arith.constant 2 : i32
      %add3A_1792 = arith.addi %mul3A_1220, %add3A_1791 : i32
      %mul3A_1793 = arith.constant 128 : i32
      %mul3A_1794 = arith.muli %add3A_1792, %mul3A_1793 : i32
      %dma_wait3A_1795 = tpu.memref_slice %arg6[%mul3A_1794] : memref<6400xi32, #tpu.memory_space<vmem>> -> memref<128xi32, #tpu.memory_space<vmem>>
      %dma_wait3A_1796 = arith.constant 0 : i32
      %dma_wait3A_1797 = arith.constant 0 : i32
      %dma_wait3A_1798 = tpu.memref_slice %arg4[%dma_wait3A_1796, %dma_wait3A_1797] : memref<101001x128xf32, #tpu.memory_space<hbm>> -> memref<101001x128xf32, #tpu.memory_space<hbm>>
      tpu.wait_indirect_dma semaphore(%arg15 : memref<!tpu.dma_semaphore, #tpu.memory_space<semaphore_mem>>) src(%dma_wait3A_1798 : memref<101001x128xf32, #tpu.memory_space<hbm>>) dst(%arg10 : memref<128x128xf32, #tpu.memory_space<vmem>>)
      %mul3A_1799 = arith.constant 128 : i32
      %mul3A_1800 = arith.muli %add3A_1792, %mul3A_1799 : i32
      %add3A_1801 = arith.addi %mul3A_2, %mul3A_1800 : i32
      %dma_start3A_1802 = arith.constant 0 : i32
      %dma_start3A_1803 = tpu.memref_slice %arg5[%add3A_1801, %dma_start3A_1802] : memref<204800x128xf32, #tpu.memory_space<hbm>> -> memref<128x128xf32, #tpu.memory_space<hbm>>
      %dma_start3A_1804 = arith.constant 0 : i32
      %dma_start3A_1805 = tpu.memref_slice %arg5[%add3A_1801, %dma_start3A_1804] : memref<204800x128xf32, #tpu.memory_space<hbm>> -> memref<128x128xf32, #tpu.memory_space<hbm>>
      tpu.enqueue_dma source(%arg10 : memref<128x128xf32, #tpu.memory_space<vmem>>) target(%dma_start3A_1805 : memref<128x128xf32, #tpu.memory_space<hbm>>) target_semaphore(%arg20 : memref<!tpu.dma_semaphore, #tpu.memory_space<semaphore_mem>>)
      %add3A_1806 = arith.constant 5 : i32
      %add3A_1807 = arith.addi %add3A_1792, %add3A_1806 : i32
      %mul3A_1808 = arith.constant 128 : i32
      %mul3A_1809 = arith.muli %add3A_1807, %mul3A_1808 : i32
      %add3A_1810 = arith.constant 0 : i32
      %add3A_1811 = arith.addi %mul3A_1809, %add3A_1810 : i32
      %get3A_1812 = arith.index_cast %add3A_1811 : i32 to index
      %get3A_1813 = tpu.vector_load %arg6[%get3A_1812] {strides = array<i32>} : memref<6400xi32, #tpu.memory_space<vmem>>, vector<16xi32>,
      %get3A_1814 = vector.shape_cast %get3A_1813 : vector<16xi32> to vector<16xi32>
      %get3A_1815 = arith.index_cast %add3A_1811 : i32 to index
      %get3A_1816 = tpu.vector_load %arg7[%get3A_1815] {strides = array<i32>} : memref<6400xi32, #tpu.memory_space<vmem>>, vector<16xi32>,
      %get3A_1817 = vector.shape_cast %get3A_1816 : vector<16xi32> to vector<16xi32>
      %eq3A_1818 = arith.constant 2 : i32
      %eq3A_1819 = vector.broadcast %eq3A_1818 : i32 to vector<16xi32>
      %eq3A_1820 = arith.cmpi eq, %get3A_1817, %eq3A_1819 : vector<16xi32>
      %jit3A_1821 = arith.constant 100000 : i32
      %jit3A_1822 = arith.constant 0 : i32
      %broadcast_in_dim3A_1823 = vector.broadcast %jit3A_1821 : i32 to vector<16xi32>
      %broadcast_in_dim3A_1824 = vector.broadcast %jit3A_1822 : i32 to vector<16xi32>
      %select_n3A_1825 = arith.select %eq3A_1820, %broadcast_in_dim3A_1823, %broadcast_in_dim3A_1824 : vector<16xi1>, vector<16xi32>
      %add3A_1826 = arith.addi %get3A_1814, %select_n3A_1825 : vector<16xi32>
      %jit3A_1827 = arith.constant -1 : i32
      %jit3A_1828 = arith.constant 100999 : i32
      %max3A_1829 = vector.broadcast %jit3A_1827 : i32 to vector<16xi32>
      %max3A_1830 = arith.maxsi %max3A_1829, %add3A_1826 : vector<16xi32>
      %min3A_1831 = vector.broadcast %jit3A_1828 : i32 to vector<16xi32>
      %min3A_1832 = arith.minsi %min3A_1831, %max3A_1830 : vector<16xi32>
      %add3A_1833 = arith.constant 1 : i32
      %add3A_1834 = vector.broadcast %add3A_1833 : i32 to vector<16xi32>
      %add3A_1835 = arith.addi %min3A_1832, %add3A_1834 : vector<16xi32>
      %swap3A_1836 = arith.index_cast %add3A_1811 : i32 to index
      %swap3A_1837 = tpu.vector_load %arg6[%swap3A_1836] {strides = array<i32>} : memref<6400xi32, #tpu.memory_space<vmem>>, vector<16xi32>,
      %swap3A_1838 = vector.shape_cast %swap3A_1837 : vector<16xi32> to vector<16xi32>
      %swap3A_1839 = vector.shape_cast %add3A_1835 : vector<16xi32> to vector<16xi32>
      tpu.vector_store %arg6[%swap3A_1836], %swap3A_1839 {strides = array<i32>} : memref<6400xi32, #tpu.memory_space<vmem>>, vector<16xi32>,
      %mul3A_1840 = arith.constant 128 : i32
      %mul3A_1841 = arith.muli %add3A_1807, %mul3A_1840 : i32
      %add3A_1842 = arith.constant 16 : i32
      %add3A_1843 = arith.addi %mul3A_1841, %add3A_1842 : i32
      %get3A_1844 = arith.index_cast %add3A_1843 : i32 to index
      %get3A_1845 = tpu.vector_load %arg6[%get3A_1844] {strides = array<i32>} : memref<6400xi32, #tpu.memory_space<vmem>>, vector<16xi32>,
      %get3A_1846 = vector.shape_cast %get3A_1845 : vector<16xi32> to vector<16xi32>
      %get3A_1847 = arith.index_cast %add3A_1843 : i32 to index
      %get3A_1848 = tpu.vector_load %arg7[%get3A_1847] {strides = array<i32>} : memref<6400xi32, #tpu.memory_space<vmem>>, vector<16xi32>,
      %get3A_1849 = vector.shape_cast %get3A_1848 : vector<16xi32> to vector<16xi32>
      %eq3A_1850 = arith.constant 2 : i32
      %eq3A_1851 = vector.broadcast %eq3A_1850 : i32 to vector<16xi32>
      %eq3A_1852 = arith.cmpi eq, %get3A_1849, %eq3A_1851 : vector<16xi32>
      %jit3A_1853 = arith.constant 100000 : i32
      %jit3A_1854 = arith.constant 0 : i32
      %broadcast_in_dim3A_1855 = vector.broadcast %jit3A_1853 : i32 to vector<16xi32>
      %broadcast_in_dim3A_1856 = vector.broadcast %jit3A_1854 : i32 to vector<16xi32>
      %select_n3A_1857 = arith.select %eq3A_1852, %broadcast_in_dim3A_1855, %broadcast_in_dim3A_1856 : vector<16xi1>, vector<16xi32>
      %add3A_1858 = arith.addi %get3A_1846, %select_n3A_1857 : vector<16xi32>
      %jit3A_1859 = arith.constant -1 : i32
      %jit3A_1860 = arith.constant 100999 : i32
      %max3A_1861 = vector.broadcast %jit3A_1859 : i32 to vector<16xi32>
      %max3A_1862 = arith.maxsi %max3A_1861, %add3A_1858 : vector<16xi32>
      %min3A_1863 = vector.broadcast %jit3A_1860 : i32 to vector<16xi32>
      %min3A_1864 = arith.minsi %min3A_1863, %max3A_1862 : vector<16xi32>
      %add3A_1865 = arith.constant 1 : i32
      %add3A_1866 = vector.broadcast %add3A_1865 : i32 to vector<16xi32>
      %add3A_1867 = arith.addi %min3A_1864, %add3A_1866 : vector<16xi32>
      %swap3A_1868 = arith.index_cast %add3A_1843 : i32 to index
      %swap3A_1869 = tpu.vector_load %arg6[%swap3A_1868] {strides = array<i32>} : memref<6400xi32, #tpu.memory_space<vmem>>, vector<16xi32>,
      %swap3A_1870 = vector.shape_cast %swap3A_1869 : vector<16xi32> to vector<16xi32>
      %swap3A_1871 = vector.shape_cast %add3A_1867 : vector<16xi32> to vector<16xi32>
      tpu.vector_store %arg6[%swap3A_1868], %swap3A_1871 {strides = array<i32>} : memref<6400xi32, #tpu.memory_space<vmem>>, vector<16xi32>,
      %mul3A_1872 = arith.constant 128 : i32
      %mul3A_1873 = arith.muli %add3A_1807, %mul3A_1872 : i32
      %add3A_1874 = arith.constant 32 : i32
      %add3A_1875 = arith.addi %mul3A_1873, %add3A_1874 : i32
      %get3A_1876 = arith.index_cast %add3A_1875 : i32 to index
      %get3A_1877 = tpu.vector_load %arg6[%get3A_1876] {strides = array<i32>} : memref<6400xi32, #tpu.memory_space<vmem>>, vector<16xi32>,
      %get3A_1878 = vector.shape_cast %get3A_1877 : vector<16xi32> to vector<16xi32>
      %get3A_1879 = arith.index_cast %add3A_1875 : i32 to index
      %get3A_1880 = tpu.vector_load %arg7[%get3A_1879] {strides = array<i32>} : memref<6400xi32, #tpu.memory_space<vmem>>, vector<16xi32>,
      %get3A_1881 = vector.shape_cast %get3A_1880 : vector<16xi32> to vector<16xi32>
      %eq3A_1882 = arith.constant 2 : i32
      %eq3A_1883 = vector.broadcast %eq3A_1882 : i32 to vector<16xi32>
      %eq3A_1884 = arith.cmpi eq, %get3A_1881, %eq3A_1883 : vector<16xi32>
      %jit3A_1885 = arith.constant 100000 : i32
      %jit3A_1886 = arith.constant 0 : i32
      %broadcast_in_dim3A_1887 = vector.broadcast %jit3A_1885 : i32 to vector<16xi32>
      %broadcast_in_dim3A_1888 = vector.broadcast %jit3A_1886 : i32 to vector<16xi32>
      %select_n3A_1889 = arith.select %eq3A_1884, %broadcast_in_dim3A_1887, %broadcast_in_dim3A_1888 : vector<16xi1>, vector<16xi32>
      %add3A_1890 = arith.addi %get3A_1878, %select_n3A_1889 : vector<16xi32>
      %jit3A_1891 = arith.constant -1 : i32
      %jit3A_1892 = arith.constant 100999 : i32
      %max3A_1893 = vector.broadcast %jit3A_1891 : i32 to vector<16xi32>
      %max3A_1894 = arith.maxsi %max3A_1893, %add3A_1890 : vector<16xi32>
      %min3A_1895 = vector.broadcast %jit3A_1892 : i32 to vector<16xi32>
      %min3A_1896 = arith.minsi %min3A_1895, %max3A_1894 : vector<16xi32>
      %add3A_1897 = arith.constant 1 : i32
      %add3A_1898 = vector.broadcast %add3A_1897 : i32 to vector<16xi32>
      %add3A_1899 = arith.addi %min3A_1896, %add3A_1898 : vector<16xi32>
      %swap3A_1900 = arith.index_cast %add3A_1875 : i32 to index
      %swap3A_1901 = tpu.vector_load %arg6[%swap3A_1900] {strides = array<i32>} : memref<6400xi32, #tpu.memory_space<vmem>>, vector<16xi32>,
      %swap3A_1902 = vector.shape_cast %swap3A_1901 : vector<16xi32> to vector<16xi32>
      %swap3A_1903 = vector.shape_cast %add3A_1899 : vector<16xi32> to vector<16xi32>
      tpu.vector_store %arg6[%swap3A_1900], %swap3A_1903 {strides = array<i32>} : memref<6400xi32, #tpu.memory_space<vmem>>, vector<16xi32>,
      %mul3A_1904 = arith.constant 128 : i32
      %mul3A_1905 = arith.muli %add3A_1807, %mul3A_1904 : i32
      %add3A_1906 = arith.constant 48 : i32
      %add3A_1907 = arith.addi %mul3A_1905, %add3A_1906 : i32
      %get3A_1908 = arith.index_cast %add3A_1907 : i32 to index
      %get3A_1909 = tpu.vector_load %arg6[%get3A_1908] {strides = array<i32>} : memref<6400xi32, #tpu.memory_space<vmem>>, vector<16xi32>,
      %get3A_1910 = vector.shape_cast %get3A_1909 : vector<16xi32> to vector<16xi32>
      %get3A_1911 = arith.index_cast %add3A_1907 : i32 to index
      %get3A_1912 = tpu.vector_load %arg7[%get3A_1911] {strides = array<i32>} : memref<6400xi32, #tpu.memory_space<vmem>>, vector<16xi32>,
      %get3A_1913 = vector.shape_cast %get3A_1912 : vector<16xi32> to vector<16xi32>
      %eq3A_1914 = arith.constant 2 : i32
      %eq3A_1915 = vector.broadcast %eq3A_1914 : i32 to vector<16xi32>
      %eq3A_1916 = arith.cmpi eq, %get3A_1913, %eq3A_1915 : vector<16xi32>
      %jit3A_1917 = arith.constant 100000 : i32
      %jit3A_1918 = arith.constant 0 : i32
      %broadcast_in_dim3A_1919 = vector.broadcast %jit3A_1917 : i32 to vector<16xi32>
      %broadcast_in_dim3A_1920 = vector.broadcast %jit3A_1918 : i32 to vector<16xi32>
      %select_n3A_1921 = arith.select %eq3A_1916, %broadcast_in_dim3A_1919, %broadcast_in_dim3A_1920 : vector<16xi1>, vector<16xi32>
      %add3A_1922 = arith.addi %get3A_1910, %select_n3A_1921 : vector<16xi32>
      %jit3A_1923 = arith.constant -1 : i32
      %jit3A_1924 = arith.constant 100999 : i32
      %max3A_1925 = vector.broadcast %jit3A_1923 : i32 to vector<16xi32>
      %max3A_1926 = arith.maxsi %max3A_1925, %add3A_1922 : vector<16xi32>
      %min3A_1927 = vector.broadcast %jit3A_1924 : i32 to vector<16xi32>
      %min3A_1928 = arith.minsi %min3A_1927, %max3A_1926 : vector<16xi32>
      %add3A_1929 = arith.constant 1 : i32
      %add3A_1930 = vector.broadcast %add3A_1929 : i32 to vector<16xi32>
      %add3A_1931 = arith.addi %min3A_1928, %add3A_1930 : vector<16xi32>
      %swap3A_1932 = arith.index_cast %add3A_1907 : i32 to index
      %swap3A_1933 = tpu.vector_load %arg6[%swap3A_1932] {strides = array<i32>} : memref<6400xi32, #tpu.memory_space<vmem>>, vector<16xi32>,
      %swap3A_1934 = vector.shape_cast %swap3A_1933 : vector<16xi32> to vector<16xi32>
      %swap3A_1935 = vector.shape_cast %add3A_1931 : vector<16xi32> to vector<16xi32>
      tpu.vector_store %arg6[%swap3A_1932], %swap3A_1935 {strides = array<i32>} : memref<6400xi32, #tpu.memory_space<vmem>>, vector<16xi32>,
      %mul3A_1936 = arith.constant 128 : i32
      %mul3A_1937 = arith.muli %add3A_1807, %mul3A_1936 : i32
      %add3A_1938 = arith.constant 64 : i32
      %add3A_1939 = arith.addi %mul3A_1937, %add3A_1938 : i32
      %get3A_1940 = arith.index_cast %add3A_1939 : i32 to index
      %get3A_1941 = tpu.vector_load %arg6[%get3A_1940] {strides = array<i32>} : memref<6400xi32, #tpu.memory_space<vmem>>, vector<16xi32>,
      %get3A_1942 = vector.shape_cast %get3A_1941 : vector<16xi32> to vector<16xi32>
      %get3A_1943 = arith.index_cast %add3A_1939 : i32 to index
      %get3A_1944 = tpu.vector_load %arg7[%get3A_1943] {strides = array<i32>} : memref<6400xi32, #tpu.memory_space<vmem>>, vector<16xi32>,
      %get3A_1945 = vector.shape_cast %get3A_1944 : vector<16xi32> to vector<16xi32>
      %eq3A_1946 = arith.constant 2 : i32
      %eq3A_1947 = vector.broadcast %eq3A_1946 : i32 to vector<16xi32>
      %eq3A_1948 = arith.cmpi eq, %get3A_1945, %eq3A_1947 : vector<16xi32>
      %jit3A_1949 = arith.constant 100000 : i32
      %jit3A_1950 = arith.constant 0 : i32
      %broadcast_in_dim3A_1951 = vector.broadcast %jit3A_1949 : i32 to vector<16xi32>
      %broadcast_in_dim3A_1952 = vector.broadcast %jit3A_1950 : i32 to vector<16xi32>
      %select_n3A_1953 = arith.select %eq3A_1948, %broadcast_in_dim3A_1951, %broadcast_in_dim3A_1952 : vector<16xi1>, vector<16xi32>
      %add3A_1954 = arith.addi %get3A_1942, %select_n3A_1953 : vector<16xi32>
      %jit3A_1955 = arith.constant -1 : i32
      %jit3A_1956 = arith.constant 100999 : i32
      %max3A_1957 = vector.broadcast %jit3A_1955 : i32 to vector<16xi32>
      %max3A_1958 = arith.maxsi %max3A_1957, %add3A_1954 : vector<16xi32>
      %min3A_1959 = vector.broadcast %jit3A_1956 : i32 to vector<16xi32>
      %min3A_1960 = arith.minsi %min3A_1959, %max3A_1958 : vector<16xi32>
      %add3A_1961 = arith.constant 1 : i32
      %add3A_1962 = vector.broadcast %add3A_1961 : i32 to vector<16xi32>
      %add3A_1963 = arith.addi %min3A_1960, %add3A_1962 : vector<16xi32>
      %swap3A_1964 = arith.index_cast %add3A_1939 : i32 to index
      %swap3A_1965 = tpu.vector_load %arg6[%swap3A_1964] {strides = array<i32>} : memref<6400xi32, #tpu.memory_space<vmem>>, vector<16xi32>,
      %swap3A_1966 = vector.shape_cast %swap3A_1965 : vector<16xi32> to vector<16xi32>
      %swap3A_1967 = vector.shape_cast %add3A_1963 : vector<16xi32> to vector<16xi32>
      tpu.vector_store %arg6[%swap3A_1964], %swap3A_1967 {strides = array<i32>} : memref<6400xi32, #tpu.memory_space<vmem>>, vector<16xi32>,
      %mul3A_1968 = arith.constant 128 : i32
      %mul3A_1969 = arith.muli %add3A_1807, %mul3A_1968 : i32
      %add3A_1970 = arith.constant 80 : i32
      %add3A_1971 = arith.addi %mul3A_1969, %add3A_1970 : i32
      %get3A_1972 = arith.index_cast %add3A_1971 : i32 to index
      %get3A_1973 = tpu.vector_load %arg6[%get3A_1972] {strides = array<i32>} : memref<6400xi32, #tpu.memory_space<vmem>>, vector<16xi32>,
      %get3A_1974 = vector.shape_cast %get3A_1973 : vector<16xi32> to vector<16xi32>
      %get3A_1975 = arith.index_cast %add3A_1971 : i32 to index
      %get3A_1976 = tpu.vector_load %arg7[%get3A_1975] {strides = array<i32>} : memref<6400xi32, #tpu.memory_space<vmem>>, vector<16xi32>,
      %get3A_1977 = vector.shape_cast %get3A_1976 : vector<16xi32> to vector<16xi32>
      %eq3A_1978 = arith.constant 2 : i32
      %eq3A_1979 = vector.broadcast %eq3A_1978 : i32 to vector<16xi32>
      %eq3A_1980 = arith.cmpi eq, %get3A_1977, %eq3A_1979 : vector<16xi32>
      %jit3A_1981 = arith.constant 100000 : i32
      %jit3A_1982 = arith.constant 0 : i32
      %broadcast_in_dim3A_1983 = vector.broadcast %jit3A_1981 : i32 to vector<16xi32>
      %broadcast_in_dim3A_1984 = vector.broadcast %jit3A_1982 : i32 to vector<16xi32>
      %select_n3A_1985 = arith.select %eq3A_1980, %broadcast_in_dim3A_1983, %broadcast_in_dim3A_1984 : vector<16xi1>, vector<16xi32>
      %add3A_1986 = arith.addi %get3A_1974, %select_n3A_1985 : vector<16xi32>
      %jit3A_1987 = arith.constant -1 : i32
      %jit3A_1988 = arith.constant 100999 : i32
      %max3A_1989 = vector.broadcast %jit3A_1987 : i32 to vector<16xi32>
      %max3A_1990 = arith.maxsi %max3A_1989, %add3A_1986 : vector<16xi32>
      %min3A_1991 = vector.broadcast %jit3A_1988 : i32 to vector<16xi32>
      %min3A_1992 = arith.minsi %min3A_1991, %max3A_1990 : vector<16xi32>
      %add3A_1993 = arith.constant 1 : i32
      %add3A_1994 = vector.broadcast %add3A_1993 : i32 to vector<16xi32>
      %add3A_1995 = arith.addi %min3A_1992, %add3A_1994 : vector<16xi32>
      %swap3A_1996 = arith.index_cast %add3A_1971 : i32 to index
      %swap3A_1997 = tpu.vector_load %arg6[%swap3A_1996] {strides = array<i32>} : memref<6400xi32, #tpu.memory_space<vmem>>, vector<16xi32>,
      %swap3A_1998 = vector.shape_cast %swap3A_1997 : vector<16xi32> to vector<16xi32>
      %swap3A_1999 = vector.shape_cast %add3A_1995 : vector<16xi32> to vector<16xi32>
      tpu.vector_store %arg6[%swap3A_1996], %swap3A_1999 {strides = array<i32>} : memref<6400xi32, #tpu.memory_space<vmem>>, vector<16xi32>,
      %mul3A_2000 = arith.constant 128 : i32
      %mul3A_2001 = arith.muli %add3A_1807, %mul3A_2000 : i32
      %add3A_2002 = arith.constant 96 : i32
      %add3A_2003 = arith.addi %mul3A_2001, %add3A_2002 : i32
      %get3A_2004 = arith.index_cast %add3A_2003 : i32 to index
      %get3A_2005 = tpu.vector_load %arg6[%get3A_2004] {strides = array<i32>} : memref<6400xi32, #tpu.memory_space<vmem>>, vector<16xi32>,
      %get3A_2006 = vector.shape_cast %get3A_2005 : vector<16xi32> to vector<16xi32>
      %get3A_2007 = arith.index_cast %add3A_2003 : i32 to index
      %get3A_2008 = tpu.vector_load %arg7[%get3A_2007] {strides = array<i32>} : memref<6400xi32, #tpu.memory_space<vmem>>, vector<16xi32>,
      %get3A_2009 = vector.shape_cast %get3A_2008 : vector<16xi32> to vector<16xi32>
      %eq3A_2010 = arith.constant 2 : i32
      %eq3A_2011 = vector.broadcast %eq3A_2010 : i32 to vector<16xi32>
      %eq3A_2012 = arith.cmpi eq, %get3A_2009, %eq3A_2011 : vector<16xi32>
      %jit3A_2013 = arith.constant 100000 : i32
      %jit3A_2014 = arith.constant 0 : i32
      %broadcast_in_dim3A_2015 = vector.broadcast %jit3A_2013 : i32 to vector<16xi32>
      %broadcast_in_dim3A_2016 = vector.broadcast %jit3A_2014 : i32 to vector<16xi32>
      %select_n3A_2017 = arith.select %eq3A_2012, %broadcast_in_dim3A_2015, %broadcast_in_dim3A_2016 : vector<16xi1>, vector<16xi32>
      %add3A_2018 = arith.addi %get3A_2006, %select_n3A_2017 : vector<16xi32>
      %jit3A_2019 = arith.constant -1 : i32
      %jit3A_2020 = arith.constant 100999 : i32
      %max3A_2021 = vector.broadcast %jit3A_2019 : i32 to vector<16xi32>
      %max3A_2022 = arith.maxsi %max3A_2021, %add3A_2018 : vector<16xi32>
      %min3A_2023 = vector.broadcast %jit3A_2020 : i32 to vector<16xi32>
      %min3A_2024 = arith.minsi %min3A_2023, %max3A_2022 : vector<16xi32>
      %add3A_2025 = arith.constant 1 : i32
      %add3A_2026 = vector.broadcast %add3A_2025 : i32 to vector<16xi32>
      %add3A_2027 = arith.addi %min3A_2024, %add3A_2026 : vector<16xi32>
      %swap3A_2028 = arith.index_cast %add3A_2003 : i32 to index
      %swap3A_2029 = tpu.vector_load %arg6[%swap3A_2028] {strides = array<i32>} : memref<6400xi32, #tpu.memory_space<vmem>>, vector<16xi32>,
      %swap3A_2030 = vector.shape_cast %swap3A_2029 : vector<16xi32> to vector<16xi32>
      %swap3A_2031 = vector.shape_cast %add3A_2027 : vector<16xi32> to vector<16xi32>
      tpu.vector_store %arg6[%swap3A_2028], %swap3A_2031 {strides = array<i32>} : memref<6400xi32, #tpu.memory_space<vmem>>, vector<16xi32>,
      %mul3A_2032 = arith.constant 128 : i32
      %mul3A_2033 = arith.muli %add3A_1807, %mul3A_2032 : i32
      %add3A_2034 = arith.constant 112 : i32
      %add3A_2035 = arith.addi %mul3A_2033, %add3A_2034 : i32
      %get3A_2036 = arith.index_cast %add3A_2035 : i32 to index
      %get3A_2037 = tpu.vector_load %arg6[%get3A_2036] {strides = array<i32>} : memref<6400xi32, #tpu.memory_space<vmem>>, vector<16xi32>,
      %get3A_2038 = vector.shape_cast %get3A_2037 : vector<16xi32> to vector<16xi32>
      %get3A_2039 = arith.index_cast %add3A_2035 : i32 to index
      %get3A_2040 = tpu.vector_load %arg7[%get3A_2039] {strides = array<i32>} : memref<6400xi32, #tpu.memory_space<vmem>>, vector<16xi32>,
      %get3A_2041 = vector.shape_cast %get3A_2040 : vector<16xi32> to vector<16xi32>
      %eq3A_2042 = arith.constant 2 : i32
      %eq3A_2043 = vector.broadcast %eq3A_2042 : i32 to vector<16xi32>
      %eq3A_2044 = arith.cmpi eq, %get3A_2041, %eq3A_2043 : vector<16xi32>
      %jit3A_2045 = arith.constant 100000 : i32
      %jit3A_2046 = arith.constant 0 : i32
      %broadcast_in_dim3A_2047 = vector.broadcast %jit3A_2045 : i32 to vector<16xi32>
      %broadcast_in_dim3A_2048 = vector.broadcast %jit3A_2046 : i32 to vector<16xi32>
      %select_n3A_2049 = arith.select %eq3A_2044, %broadcast_in_dim3A_2047, %broadcast_in_dim3A_2048 : vector<16xi1>, vector<16xi32>
      %add3A_2050 = arith.addi %get3A_2038, %select_n3A_2049 : vector<16xi32>
      %jit3A_2051 = arith.constant -1 : i32
      %jit3A_2052 = arith.constant 100999 : i32
      %max3A_2053 = vector.broadcast %jit3A_2051 : i32 to vector<16xi32>
      %max3A_2054 = arith.maxsi %max3A_2053, %add3A_2050 : vector<16xi32>
      %min3A_2055 = vector.broadcast %jit3A_2052 : i32 to vector<16xi32>
      %min3A_2056 = arith.minsi %min3A_2055, %max3A_2054 : vector<16xi32>
      %add3A_2057 = arith.constant 1 : i32
      %add3A_2058 = vector.broadcast %add3A_2057 : i32 to vector<16xi32>
      %add3A_2059 = arith.addi %min3A_2056, %add3A_2058 : vector<16xi32>
      %swap3A_2060 = arith.index_cast %add3A_2035 : i32 to index
      %swap3A_2061 = tpu.vector_load %arg6[%swap3A_2060] {strides = array<i32>} : memref<6400xi32, #tpu.memory_space<vmem>>, vector<16xi32>,
      %swap3A_2062 = vector.shape_cast %swap3A_2061 : vector<16xi32> to vector<16xi32>
      %swap3A_2063 = vector.shape_cast %add3A_2059 : vector<16xi32> to vector<16xi32>
      tpu.vector_store %arg6[%swap3A_2060], %swap3A_2063 {strides = array<i32>} : memref<6400xi32, #tpu.memory_space<vmem>>, vector<16xi32>,
      %dma_wait3A_2064 = arith.constant 0 : i32
      %dma_wait3A_2065 = tpu.memref_slice %arg5[%add3A_1801, %dma_wait3A_2064] : memref<204800x128xf32, #tpu.memory_space<hbm>> -> memref<128x128xf32, #tpu.memory_space<hbm>>
      %dma_wait3A_2066 = arith.constant 0 : i32
      %dma_wait3A_2067 = tpu.memref_slice %arg5[%add3A_1801, %dma_wait3A_2066] : memref<204800x128xf32, #tpu.memory_space<hbm>> -> memref<128x128xf32, #tpu.memory_space<hbm>>
      tpu.wait_dma2 semaphore(%arg20 : memref<!tpu.dma_semaphore, #tpu.memory_space<semaphore_mem>>) src(%arg10 : memref<128x128xf32, #tpu.memory_space<vmem>>) dst(%dma_wait3A_2067 : memref<128x128xf32, #tpu.memory_space<hbm>>)
      %add3A_2068 = arith.constant 5 : i32
      %add3A_2069 = arith.addi %add3A_1792, %add3A_2068 : i32
      %mul3A_2070 = arith.constant 128 : i32
      %mul3A_2071 = arith.muli %add3A_2069, %mul3A_2070 : i32
      %dma_start3A_2072 = tpu.memref_slice %arg6[%mul3A_2071] : memref<6400xi32, #tpu.memory_space<vmem>> -> memref<128xi32, #tpu.memory_space<vmem>>
      %dma_start3A_2073 = arith.constant 0 : i32
      %dma_start3A_2074 = arith.constant 0 : i32
      %dma_start3A_2075 = tpu.memref_slice %arg4[%dma_start3A_2073, %dma_start3A_2074] : memref<101001x128xf32, #tpu.memory_space<hbm>> -> memref<101001x128xf32, #tpu.memory_space<hbm>>
      tpu.enqueue_indirect_dma source(%dma_start3A_2075 : memref<101001x128xf32, #tpu.memory_space<hbm>>) target(%arg10 : memref<128x128xf32, #tpu.memory_space<vmem>>) offsets(%dma_start3A_2072 : memref<128xi32, #tpu.memory_space<vmem>>) semaphore(%arg15 : memref<!tpu.dma_semaphore, #tpu.memory_space<semaphore_mem>>)
      %add3A_2076 = arith.constant 3 : i32
      %add3A_2077 = arith.addi %mul3A_1220, %add3A_2076 : i32
      %mul3A_2078 = arith.constant 128 : i32
      %mul3A_2079 = arith.muli %add3A_2077, %mul3A_2078 : i32
      %dma_wait3A_2080 = tpu.memref_slice %arg6[%mul3A_2079] : memref<6400xi32, #tpu.memory_space<vmem>> -> memref<128xi32, #tpu.memory_space<vmem>>
      %dma_wait3A_2081 = arith.constant 0 : i32
      %dma_wait3A_2082 = arith.constant 0 : i32
      %dma_wait3A_2083 = tpu.memref_slice %arg4[%dma_wait3A_2081, %dma_wait3A_2082] : memref<101001x128xf32, #tpu.memory_space<hbm>> -> memref<101001x128xf32, #tpu.memory_space<hbm>>
      tpu.wait_indirect_dma semaphore(%arg16 : memref<!tpu.dma_semaphore, #tpu.memory_space<semaphore_mem>>) src(%dma_wait3A_2083 : memref<101001x128xf32, #tpu.memory_space<hbm>>) dst(%arg11 : memref<128x128xf32, #tpu.memory_space<vmem>>)
      %mul3A_2084 = arith.constant 128 : i32
      %mul3A_2085 = arith.muli %add3A_2077, %mul3A_2084 : i32
      %add3A_2086 = arith.addi %mul3A_2, %mul3A_2085 : i32
      %dma_start3A_2087 = arith.constant 0 : i32
      %dma_start3A_2088 = tpu.memref_slice %arg5[%add3A_2086, %dma_start3A_2087] : memref<204800x128xf32, #tpu.memory_space<hbm>> -> memref<128x128xf32, #tpu.memory_space<hbm>>
      %dma_start3A_2089 = arith.constant 0 : i32
      %dma_start3A_2090 = tpu.memref_slice %arg5[%add3A_2086, %dma_start3A_2089] : memref<204800x128xf32, #tpu.memory_space<hbm>> -> memref<128x128xf32, #tpu.memory_space<hbm>>
      tpu.enqueue_dma source(%arg11 : memref<128x128xf32, #tpu.memory_space<vmem>>) target(%dma_start3A_2090 : memref<128x128xf32, #tpu.memory_space<hbm>>) target_semaphore(%arg21 : memref<!tpu.dma_semaphore, #tpu.memory_space<semaphore_mem>>)
      %add3A_2091 = arith.constant 5 : i32
      %add3A_2092 = arith.addi %add3A_2077, %add3A_2091 : i32
      %mul3A_2093 = arith.constant 128 : i32
      %mul3A_2094 = arith.muli %add3A_2092, %mul3A_2093 : i32
      %add3A_2095 = arith.constant 0 : i32
      %add3A_2096 = arith.addi %mul3A_2094, %add3A_2095 : i32
      %get3A_2097 = arith.index_cast %add3A_2096 : i32 to index
      %get3A_2098 = tpu.vector_load %arg6[%get3A_2097] {strides = array<i32>} : memref<6400xi32, #tpu.memory_space<vmem>>, vector<16xi32>,
      %get3A_2099 = vector.shape_cast %get3A_2098 : vector<16xi32> to vector<16xi32>
      %get3A_2100 = arith.index_cast %add3A_2096 : i32 to index
      %get3A_2101 = tpu.vector_load %arg7[%get3A_2100] {strides = array<i32>} : memref<6400xi32, #tpu.memory_space<vmem>>, vector<16xi32>,
      %get3A_2102 = vector.shape_cast %get3A_2101 : vector<16xi32> to vector<16xi32>
      %eq3A_2103 = arith.constant 2 : i32
      %eq3A_2104 = vector.broadcast %eq3A_2103 : i32 to vector<16xi32>
      %eq3A_2105 = arith.cmpi eq, %get3A_2102, %eq3A_2104 : vector<16xi32>
      %jit3A_2106 = arith.constant 100000 : i32
      %jit3A_2107 = arith.constant 0 : i32
      %broadcast_in_dim3A_2108 = vector.broadcast %jit3A_2106 : i32 to vector<16xi32>
      %broadcast_in_dim3A_2109 = vector.broadcast %jit3A_2107 : i32 to vector<16xi32>
      %select_n3A_2110 = arith.select %eq3A_2105, %broadcast_in_dim3A_2108, %broadcast_in_dim3A_2109 : vector<16xi1>, vector<16xi32>
      %add3A_2111 = arith.addi %get3A_2099, %select_n3A_2110 : vector<16xi32>
      %jit3A_2112 = arith.constant -1 : i32
      %jit3A_2113 = arith.constant 100999 : i32
      %max3A_2114 = vector.broadcast %jit3A_2112 : i32 to vector<16xi32>
      %max3A_2115 = arith.maxsi %max3A_2114, %add3A_2111 : vector<16xi32>
      %min3A_2116 = vector.broadcast %jit3A_2113 : i32 to vector<16xi32>
      %min3A_2117 = arith.minsi %min3A_2116, %max3A_2115 : vector<16xi32>
      %add3A_2118 = arith.constant 1 : i32
      %add3A_2119 = vector.broadcast %add3A_2118 : i32 to vector<16xi32>
      %add3A_2120 = arith.addi %min3A_2117, %add3A_2119 : vector<16xi32>
      %swap3A_2121 = arith.index_cast %add3A_2096 : i32 to index
      %swap3A_2122 = tpu.vector_load %arg6[%swap3A_2121] {strides = array<i32>} : memref<6400xi32, #tpu.memory_space<vmem>>, vector<16xi32>,
      %swap3A_2123 = vector.shape_cast %swap3A_2122 : vector<16xi32> to vector<16xi32>
      %swap3A_2124 = vector.shape_cast %add3A_2120 : vector<16xi32> to vector<16xi32>
      tpu.vector_store %arg6[%swap3A_2121], %swap3A_2124 {strides = array<i32>} : memref<6400xi32, #tpu.memory_space<vmem>>, vector<16xi32>,
      %mul3A_2125 = arith.constant 128 : i32
      %mul3A_2126 = arith.muli %add3A_2092, %mul3A_2125 : i32
      %add3A_2127 = arith.constant 16 : i32
      %add3A_2128 = arith.addi %mul3A_2126, %add3A_2127 : i32
      %get3A_2129 = arith.index_cast %add3A_2128 : i32 to index
      %get3A_2130 = tpu.vector_load %arg6[%get3A_2129] {strides = array<i32>} : memref<6400xi32, #tpu.memory_space<vmem>>, vector<16xi32>,
      %get3A_2131 = vector.shape_cast %get3A_2130 : vector<16xi32> to vector<16xi32>
      %get3A_2132 = arith.index_cast %add3A_2128 : i32 to index
      %get3A_2133 = tpu.vector_load %arg7[%get3A_2132] {strides = array<i32>} : memref<6400xi32, #tpu.memory_space<vmem>>, vector<16xi32>,
      %get3A_2134 = vector.shape_cast %get3A_2133 : vector<16xi32> to vector<16xi32>
      %eq3A_2135 = arith.constant 2 : i32
      %eq3A_2136 = vector.broadcast %eq3A_2135 : i32 to vector<16xi32>
      %eq3A_2137 = arith.cmpi eq, %get3A_2134, %eq3A_2136 : vector<16xi32>
      %jit3A_2138 = arith.constant 100000 : i32
      %jit3A_2139 = arith.constant 0 : i32
      %broadcast_in_dim3A_2140 = vector.broadcast %jit3A_2138 : i32 to vector<16xi32>
      %broadcast_in_dim3A_2141 = vector.broadcast %jit3A_2139 : i32 to vector<16xi32>
      %select_n3A_2142 = arith.select %eq3A_2137, %broadcast_in_dim3A_2140, %broadcast_in_dim3A_2141 : vector<16xi1>, vector<16xi32>
      %add3A_2143 = arith.addi %get3A_2131, %select_n3A_2142 : vector<16xi32>
      %jit3A_2144 = arith.constant -1 : i32
      %jit3A_2145 = arith.constant 100999 : i32
      %max3A_2146 = vector.broadcast %jit3A_2144 : i32 to vector<16xi32>
      %max3A_2147 = arith.maxsi %max3A_2146, %add3A_2143 : vector<16xi32>
      %min3A_2148 = vector.broadcast %jit3A_2145 : i32 to vector<16xi32>
      %min3A_2149 = arith.minsi %min3A_2148, %max3A_2147 : vector<16xi32>
      %add3A_2150 = arith.constant 1 : i32
      %add3A_2151 = vector.broadcast %add3A_2150 : i32 to vector<16xi32>
      %add3A_2152 = arith.addi %min3A_2149, %add3A_2151 : vector<16xi32>
      %swap3A_2153 = arith.index_cast %add3A_2128 : i32 to index
      %swap3A_2154 = tpu.vector_load %arg6[%swap3A_2153] {strides = array<i32>} : memref<6400xi32, #tpu.memory_space<vmem>>, vector<16xi32>,
      %swap3A_2155 = vector.shape_cast %swap3A_2154 : vector<16xi32> to vector<16xi32>
      %swap3A_2156 = vector.shape_cast %add3A_2152 : vector<16xi32> to vector<16xi32>
      tpu.vector_store %arg6[%swap3A_2153], %swap3A_2156 {strides = array<i32>} : memref<6400xi32, #tpu.memory_space<vmem>>, vector<16xi32>,
      %mul3A_2157 = arith.constant 128 : i32
      %mul3A_2158 = arith.muli %add3A_2092, %mul3A_2157 : i32
      %add3A_2159 = arith.constant 32 : i32
      %add3A_2160 = arith.addi %mul3A_2158, %add3A_2159 : i32
      %get3A_2161 = arith.index_cast %add3A_2160 : i32 to index
      %get3A_2162 = tpu.vector_load %arg6[%get3A_2161] {strides = array<i32>} : memref<6400xi32, #tpu.memory_space<vmem>>, vector<16xi32>,
      %get3A_2163 = vector.shape_cast %get3A_2162 : vector<16xi32> to vector<16xi32>
      %get3A_2164 = arith.index_cast %add3A_2160 : i32 to index
      %get3A_2165 = tpu.vector_load %arg7[%get3A_2164] {strides = array<i32>} : memref<6400xi32, #tpu.memory_space<vmem>>, vector<16xi32>,
      %get3A_2166 = vector.shape_cast %get3A_2165 : vector<16xi32> to vector<16xi32>
      %eq3A_2167 = arith.constant 2 : i32
      %eq3A_2168 = vector.broadcast %eq3A_2167 : i32 to vector<16xi32>
      %eq3A_2169 = arith.cmpi eq, %get3A_2166, %eq3A_2168 : vector<16xi32>
      %jit3A_2170 = arith.constant 100000 : i32
      %jit3A_2171 = arith.constant 0 : i32
      %broadcast_in_dim3A_2172 = vector.broadcast %jit3A_2170 : i32 to vector<16xi32>
      %broadcast_in_dim3A_2173 = vector.broadcast %jit3A_2171 : i32 to vector<16xi32>
      %select_n3A_2174 = arith.select %eq3A_2169, %broadcast_in_dim3A_2172, %broadcast_in_dim3A_2173 : vector<16xi1>, vector<16xi32>
      %add3A_2175 = arith.addi %get3A_2163, %select_n3A_2174 : vector<16xi32>
      %jit3A_2176 = arith.constant -1 : i32
      %jit3A_2177 = arith.constant 100999 : i32
      %max3A_2178 = vector.broadcast %jit3A_2176 : i32 to vector<16xi32>
      %max3A_2179 = arith.maxsi %max3A_2178, %add3A_2175 : vector<16xi32>
      %min3A_2180 = vector.broadcast %jit3A_2177 : i32 to vector<16xi32>
      %min3A_2181 = arith.minsi %min3A_2180, %max3A_2179 : vector<16xi32>
      %add3A_2182 = arith.constant 1 : i32
      %add3A_2183 = vector.broadcast %add3A_2182 : i32 to vector<16xi32>
      %add3A_2184 = arith.addi %min3A_2181, %add3A_2183 : vector<16xi32>
      %swap3A_2185 = arith.index_cast %add3A_2160 : i32 to index
      %swap3A_2186 = tpu.vector_load %arg6[%swap3A_2185] {strides = array<i32>} : memref<6400xi32, #tpu.memory_space<vmem>>, vector<16xi32>,
      %swap3A_2187 = vector.shape_cast %swap3A_2186 : vector<16xi32> to vector<16xi32>
      %swap3A_2188 = vector.shape_cast %add3A_2184 : vector<16xi32> to vector<16xi32>
      tpu.vector_store %arg6[%swap3A_2185], %swap3A_2188 {strides = array<i32>} : memref<6400xi32, #tpu.memory_space<vmem>>, vector<16xi32>,
      %mul3A_2189 = arith.constant 128 : i32
      %mul3A_2190 = arith.muli %add3A_2092, %mul3A_2189 : i32
      %add3A_2191 = arith.constant 48 : i32
      %add3A_2192 = arith.addi %mul3A_2190, %add3A_2191 : i32
      %get3A_2193 = arith.index_cast %add3A_2192 : i32 to index
      %get3A_2194 = tpu.vector_load %arg6[%get3A_2193] {strides = array<i32>} : memref<6400xi32, #tpu.memory_space<vmem>>, vector<16xi32>,
      %get3A_2195 = vector.shape_cast %get3A_2194 : vector<16xi32> to vector<16xi32>
      %get3A_2196 = arith.index_cast %add3A_2192 : i32 to index
      %get3A_2197 = tpu.vector_load %arg7[%get3A_2196] {strides = array<i32>} : memref<6400xi32, #tpu.memory_space<vmem>>, vector<16xi32>,
      %get3A_2198 = vector.shape_cast %get3A_2197 : vector<16xi32> to vector<16xi32>
      %eq3A_2199 = arith.constant 2 : i32
      %eq3A_2200 = vector.broadcast %eq3A_2199 : i32 to vector<16xi32>
      %eq3A_2201 = arith.cmpi eq, %get3A_2198, %eq3A_2200 : vector<16xi32>
      %jit3A_2202 = arith.constant 100000 : i32
      %jit3A_2203 = arith.constant 0 : i32
      %broadcast_in_dim3A_2204 = vector.broadcast %jit3A_2202 : i32 to vector<16xi32>
      %broadcast_in_dim3A_2205 = vector.broadcast %jit3A_2203 : i32 to vector<16xi32>
      %select_n3A_2206 = arith.select %eq3A_2201, %broadcast_in_dim3A_2204, %broadcast_in_dim3A_2205 : vector<16xi1>, vector<16xi32>
      %add3A_2207 = arith.addi %get3A_2195, %select_n3A_2206 : vector<16xi32>
      %jit3A_2208 = arith.constant -1 : i32
      %jit3A_2209 = arith.constant 100999 : i32
      %max3A_2210 = vector.broadcast %jit3A_2208 : i32 to vector<16xi32>
      %max3A_2211 = arith.maxsi %max3A_2210, %add3A_2207 : vector<16xi32>
      %min3A_2212 = vector.broadcast %jit3A_2209 : i32 to vector<16xi32>
      %min3A_2213 = arith.minsi %min3A_2212, %max3A_2211 : vector<16xi32>
      %add3A_2214 = arith.constant 1 : i32
      %add3A_2215 = vector.broadcast %add3A_2214 : i32 to vector<16xi32>
      %add3A_2216 = arith.addi %min3A_2213, %add3A_2215 : vector<16xi32>
      %swap3A_2217 = arith.index_cast %add3A_2192 : i32 to index
      %swap3A_2218 = tpu.vector_load %arg6[%swap3A_2217] {strides = array<i32>} : memref<6400xi32, #tpu.memory_space<vmem>>, vector<16xi32>,
      %swap3A_2219 = vector.shape_cast %swap3A_2218 : vector<16xi32> to vector<16xi32>
      %swap3A_2220 = vector.shape_cast %add3A_2216 : vector<16xi32> to vector<16xi32>
      tpu.vector_store %arg6[%swap3A_2217], %swap3A_2220 {strides = array<i32>} : memref<6400xi32, #tpu.memory_space<vmem>>, vector<16xi32>,
      %mul3A_2221 = arith.constant 128 : i32
      %mul3A_2222 = arith.muli %add3A_2092, %mul3A_2221 : i32
      %add3A_2223 = arith.constant 64 : i32
      %add3A_2224 = arith.addi %mul3A_2222, %add3A_2223 : i32
      %get3A_2225 = arith.index_cast %add3A_2224 : i32 to index
      %get3A_2226 = tpu.vector_load %arg6[%get3A_2225] {strides = array<i32>} : memref<6400xi32, #tpu.memory_space<vmem>>, vector<16xi32>,
      %get3A_2227 = vector.shape_cast %get3A_2226 : vector<16xi32> to vector<16xi32>
      %get3A_2228 = arith.index_cast %add3A_2224 : i32 to index
      %get3A_2229 = tpu.vector_load %arg7[%get3A_2228] {strides = array<i32>} : memref<6400xi32, #tpu.memory_space<vmem>>, vector<16xi32>,
      %get3A_2230 = vector.shape_cast %get3A_2229 : vector<16xi32> to vector<16xi32>
      %eq3A_2231 = arith.constant 2 : i32
      %eq3A_2232 = vector.broadcast %eq3A_2231 : i32 to vector<16xi32>
      %eq3A_2233 = arith.cmpi eq, %get3A_2230, %eq3A_2232 : vector<16xi32>
      %jit3A_2234 = arith.constant 100000 : i32
      %jit3A_2235 = arith.constant 0 : i32
      %broadcast_in_dim3A_2236 = vector.broadcast %jit3A_2234 : i32 to vector<16xi32>
      %broadcast_in_dim3A_2237 = vector.broadcast %jit3A_2235 : i32 to vector<16xi32>
      %select_n3A_2238 = arith.select %eq3A_2233, %broadcast_in_dim3A_2236, %broadcast_in_dim3A_2237 : vector<16xi1>, vector<16xi32>
      %add3A_2239 = arith.addi %get3A_2227, %select_n3A_2238 : vector<16xi32>
      %jit3A_2240 = arith.constant -1 : i32
      %jit3A_2241 = arith.constant 100999 : i32
      %max3A_2242 = vector.broadcast %jit3A_2240 : i32 to vector<16xi32>
      %max3A_2243 = arith.maxsi %max3A_2242, %add3A_2239 : vector<16xi32>
      %min3A_2244 = vector.broadcast %jit3A_2241 : i32 to vector<16xi32>
      %min3A_2245 = arith.minsi %min3A_2244, %max3A_2243 : vector<16xi32>
      %add3A_2246 = arith.constant 1 : i32
      %add3A_2247 = vector.broadcast %add3A_2246 : i32 to vector<16xi32>
      %add3A_2248 = arith.addi %min3A_2245, %add3A_2247 : vector<16xi32>
      %swap3A_2249 = arith.index_cast %add3A_2224 : i32 to index
      %swap3A_2250 = tpu.vector_load %arg6[%swap3A_2249] {strides = array<i32>} : memref<6400xi32, #tpu.memory_space<vmem>>, vector<16xi32>,
      %swap3A_2251 = vector.shape_cast %swap3A_2250 : vector<16xi32> to vector<16xi32>
      %swap3A_2252 = vector.shape_cast %add3A_2248 : vector<16xi32> to vector<16xi32>
      tpu.vector_store %arg6[%swap3A_2249], %swap3A_2252 {strides = array<i32>} : memref<6400xi32, #tpu.memory_space<vmem>>, vector<16xi32>,
      %mul3A_2253 = arith.constant 128 : i32
      %mul3A_2254 = arith.muli %add3A_2092, %mul3A_2253 : i32
      %add3A_2255 = arith.constant 80 : i32
      %add3A_2256 = arith.addi %mul3A_2254, %add3A_2255 : i32
      %get3A_2257 = arith.index_cast %add3A_2256 : i32 to index
      %get3A_2258 = tpu.vector_load %arg6[%get3A_2257] {strides = array<i32>} : memref<6400xi32, #tpu.memory_space<vmem>>, vector<16xi32>,
      %get3A_2259 = vector.shape_cast %get3A_2258 : vector<16xi32> to vector<16xi32>
      %get3A_2260 = arith.index_cast %add3A_2256 : i32 to index
      %get3A_2261 = tpu.vector_load %arg7[%get3A_2260] {strides = array<i32>} : memref<6400xi32, #tpu.memory_space<vmem>>, vector<16xi32>,
      %get3A_2262 = vector.shape_cast %get3A_2261 : vector<16xi32> to vector<16xi32>
      %eq3A_2263 = arith.constant 2 : i32
      %eq3A_2264 = vector.broadcast %eq3A_2263 : i32 to vector<16xi32>
      %eq3A_2265 = arith.cmpi eq, %get3A_2262, %eq3A_2264 : vector<16xi32>
      %jit3A_2266 = arith.constant 100000 : i32
      %jit3A_2267 = arith.constant 0 : i32
      %broadcast_in_dim3A_2268 = vector.broadcast %jit3A_2266 : i32 to vector<16xi32>
      %broadcast_in_dim3A_2269 = vector.broadcast %jit3A_2267 : i32 to vector<16xi32>
      %select_n3A_2270 = arith.select %eq3A_2265, %broadcast_in_dim3A_2268, %broadcast_in_dim3A_2269 : vector<16xi1>, vector<16xi32>
      %add3A_2271 = arith.addi %get3A_2259, %select_n3A_2270 : vector<16xi32>
      %jit3A_2272 = arith.constant -1 : i32
      %jit3A_2273 = arith.constant 100999 : i32
      %max3A_2274 = vector.broadcast %jit3A_2272 : i32 to vector<16xi32>
      %max3A_2275 = arith.maxsi %max3A_2274, %add3A_2271 : vector<16xi32>
      %min3A_2276 = vector.broadcast %jit3A_2273 : i32 to vector<16xi32>
      %min3A_2277 = arith.minsi %min3A_2276, %max3A_2275 : vector<16xi32>
      %add3A_2278 = arith.constant 1 : i32
      %add3A_2279 = vector.broadcast %add3A_2278 : i32 to vector<16xi32>
      %add3A_2280 = arith.addi %min3A_2277, %add3A_2279 : vector<16xi32>
      %swap3A_2281 = arith.index_cast %add3A_2256 : i32 to index
      %swap3A_2282 = tpu.vector_load %arg6[%swap3A_2281] {strides = array<i32>} : memref<6400xi32, #tpu.memory_space<vmem>>, vector<16xi32>,
      %swap3A_2283 = vector.shape_cast %swap3A_2282 : vector<16xi32> to vector<16xi32>
      %swap3A_2284 = vector.shape_cast %add3A_2280 : vector<16xi32> to vector<16xi32>
      tpu.vector_store %arg6[%swap3A_2281], %swap3A_2284 {strides = array<i32>} : memref<6400xi32, #tpu.memory_space<vmem>>, vector<16xi32>,
      %mul3A_2285 = arith.constant 128 : i32
      %mul3A_2286 = arith.muli %add3A_2092, %mul3A_2285 : i32
      %add3A_2287 = arith.constant 96 : i32
      %add3A_2288 = arith.addi %mul3A_2286, %add3A_2287 : i32
      %get3A_2289 = arith.index_cast %add3A_2288 : i32 to index
      %get3A_2290 = tpu.vector_load %arg6[%get3A_2289] {strides = array<i32>} : memref<6400xi32, #tpu.memory_space<vmem>>, vector<16xi32>,
      %get3A_2291 = vector.shape_cast %get3A_2290 : vector<16xi32> to vector<16xi32>
      %get3A_2292 = arith.index_cast %add3A_2288 : i32 to index
      %get3A_2293 = tpu.vector_load %arg7[%get3A_2292] {strides = array<i32>} : memref<6400xi32, #tpu.memory_space<vmem>>, vector<16xi32>,
      %get3A_2294 = vector.shape_cast %get3A_2293 : vector<16xi32> to vector<16xi32>
      %eq3A_2295 = arith.constant 2 : i32
      %eq3A_2296 = vector.broadcast %eq3A_2295 : i32 to vector<16xi32>
      %eq3A_2297 = arith.cmpi eq, %get3A_2294, %eq3A_2296 : vector<16xi32>
      %jit3A_2298 = arith.constant 100000 : i32
      %jit3A_2299 = arith.constant 0 : i32
      %broadcast_in_dim3A_2300 = vector.broadcast %jit3A_2298 : i32 to vector<16xi32>
      %broadcast_in_dim3A_2301 = vector.broadcast %jit3A_2299 : i32 to vector<16xi32>
      %select_n3A_2302 = arith.select %eq3A_2297, %broadcast_in_dim3A_2300, %broadcast_in_dim3A_2301 : vector<16xi1>, vector<16xi32>
      %add3A_2303 = arith.addi %get3A_2291, %select_n3A_2302 : vector<16xi32>
      %jit3A_2304 = arith.constant -1 : i32
      %jit3A_2305 = arith.constant 100999 : i32
      %max3A_2306 = vector.broadcast %jit3A_2304 : i32 to vector<16xi32>
      %max3A_2307 = arith.maxsi %max3A_2306, %add3A_2303 : vector<16xi32>
      %min3A_2308 = vector.broadcast %jit3A_2305 : i32 to vector<16xi32>
      %min3A_2309 = arith.minsi %min3A_2308, %max3A_2307 : vector<16xi32>
      %add3A_2310 = arith.constant 1 : i32
      %add3A_2311 = vector.broadcast %add3A_2310 : i32 to vector<16xi32>
      %add3A_2312 = arith.addi %min3A_2309, %add3A_2311 : vector<16xi32>
      %swap3A_2313 = arith.index_cast %add3A_2288 : i32 to index
      %swap3A_2314 = tpu.vector_load %arg6[%swap3A_2313] {strides = array<i32>} : memref<6400xi32, #tpu.memory_space<vmem>>, vector<16xi32>,
      %swap3A_2315 = vector.shape_cast %swap3A_2314 : vector<16xi32> to vector<16xi32>
      %swap3A_2316 = vector.shape_cast %add3A_2312 : vector<16xi32> to vector<16xi32>
      tpu.vector_store %arg6[%swap3A_2313], %swap3A_2316 {strides = array<i32>} : memref<6400xi32, #tpu.memory_space<vmem>>, vector<16xi32>,
      %mul3A_2317 = arith.constant 128 : i32
      %mul3A_2318 = arith.muli %add3A_2092, %mul3A_2317 : i32
      %add3A_2319 = arith.constant 112 : i32
      %add3A_2320 = arith.addi %mul3A_2318, %add3A_2319 : i32
      %get3A_2321 = arith.index_cast %add3A_2320 : i32 to index
      %get3A_2322 = tpu.vector_load %arg6[%get3A_2321] {strides = array<i32>} : memref<6400xi32, #tpu.memory_space<vmem>>, vector<16xi32>,
      %get3A_2323 = vector.shape_cast %get3A_2322 : vector<16xi32> to vector<16xi32>
      %get3A_2324 = arith.index_cast %add3A_2320 : i32 to index
      %get3A_2325 = tpu.vector_load %arg7[%get3A_2324] {strides = array<i32>} : memref<6400xi32, #tpu.memory_space<vmem>>, vector<16xi32>,
      %get3A_2326 = vector.shape_cast %get3A_2325 : vector<16xi32> to vector<16xi32>
      %eq3A_2327 = arith.constant 2 : i32
      %eq3A_2328 = vector.broadcast %eq3A_2327 : i32 to vector<16xi32>
      %eq3A_2329 = arith.cmpi eq, %get3A_2326, %eq3A_2328 : vector<16xi32>
      %jit3A_2330 = arith.constant 100000 : i32
      %jit3A_2331 = arith.constant 0 : i32
      %broadcast_in_dim3A_2332 = vector.broadcast %jit3A_2330 : i32 to vector<16xi32>
      %broadcast_in_dim3A_2333 = vector.broadcast %jit3A_2331 : i32 to vector<16xi32>
      %select_n3A_2334 = arith.select %eq3A_2329, %broadcast_in_dim3A_2332, %broadcast_in_dim3A_2333 : vector<16xi1>, vector<16xi32>
      %add3A_2335 = arith.addi %get3A_2323, %select_n3A_2334 : vector<16xi32>
      %jit3A_2336 = arith.constant -1 : i32
      %jit3A_2337 = arith.constant 100999 : i32
      %max3A_2338 = vector.broadcast %jit3A_2336 : i32 to vector<16xi32>
      %max3A_2339 = arith.maxsi %max3A_2338, %add3A_2335 : vector<16xi32>
      %min3A_2340 = vector.broadcast %jit3A_2337 : i32 to vector<16xi32>
      %min3A_2341 = arith.minsi %min3A_2340, %max3A_2339 : vector<16xi32>
      %add3A_2342 = arith.constant 1 : i32
      %add3A_2343 = vector.broadcast %add3A_2342 : i32 to vector<16xi32>
      %add3A_2344 = arith.addi %min3A_2341, %add3A_2343 : vector<16xi32>
      %swap3A_2345 = arith.index_cast %add3A_2320 : i32 to index
      %swap3A_2346 = tpu.vector_load %arg6[%swap3A_2345] {strides = array<i32>} : memref<6400xi32, #tpu.memory_space<vmem>>, vector<16xi32>,
      %swap3A_2347 = vector.shape_cast %swap3A_2346 : vector<16xi32> to vector<16xi32>
      %swap3A_2348 = vector.shape_cast %add3A_2344 : vector<16xi32> to vector<16xi32>
      tpu.vector_store %arg6[%swap3A_2345], %swap3A_2348 {strides = array<i32>} : memref<6400xi32, #tpu.memory_space<vmem>>, vector<16xi32>,
      %dma_wait3A_2349 = arith.constant 0 : i32
      %dma_wait3A_2350 = tpu.memref_slice %arg5[%add3A_2086, %dma_wait3A_2349] : memref<204800x128xf32, #tpu.memory_space<hbm>> -> memref<128x128xf32, #tpu.memory_space<hbm>>
      %dma_wait3A_2351 = arith.constant 0 : i32
      %dma_wait3A_2352 = tpu.memref_slice %arg5[%add3A_2086, %dma_wait3A_2351] : memref<204800x128xf32, #tpu.memory_space<hbm>> -> memref<128x128xf32, #tpu.memory_space<hbm>>
      tpu.wait_dma2 semaphore(%arg21 : memref<!tpu.dma_semaphore, #tpu.memory_space<semaphore_mem>>) src(%arg11 : memref<128x128xf32, #tpu.memory_space<vmem>>) dst(%dma_wait3A_2352 : memref<128x128xf32, #tpu.memory_space<hbm>>)
      %add3A_2353 = arith.constant 5 : i32
      %add3A_2354 = arith.addi %add3A_2077, %add3A_2353 : i32
      %mul3A_2355 = arith.constant 128 : i32
      %mul3A_2356 = arith.muli %add3A_2354, %mul3A_2355 : i32
      %dma_start3A_2357 = tpu.memref_slice %arg6[%mul3A_2356] : memref<6400xi32, #tpu.memory_space<vmem>> -> memref<128xi32, #tpu.memory_space<vmem>>
      %dma_start3A_2358 = arith.constant 0 : i32
      %dma_start3A_2359 = arith.constant 0 : i32
      %dma_start3A_2360 = tpu.memref_slice %arg4[%dma_start3A_2358, %dma_start3A_2359] : memref<101001x128xf32, #tpu.memory_space<hbm>> -> memref<101001x128xf32, #tpu.memory_space<hbm>>
      tpu.enqueue_indirect_dma source(%dma_start3A_2360 : memref<101001x128xf32, #tpu.memory_space<hbm>>) target(%arg11 : memref<128x128xf32, #tpu.memory_space<vmem>>) offsets(%dma_start3A_2357 : memref<128xi32, #tpu.memory_space<vmem>>) semaphore(%arg16 : memref<!tpu.dma_semaphore, #tpu.memory_space<semaphore_mem>>)
      %add3A_2361 = arith.constant 4 : i32
      %add3A_2362 = arith.addi %mul3A_1220, %add3A_2361 : i32
      %mul3A_2363 = arith.constant 128 : i32
      %mul3A_2364 = arith.muli %add3A_2362, %mul3A_2363 : i32
      %dma_wait3A_2365 = tpu.memref_slice %arg6[%mul3A_2364] : memref<6400xi32, #tpu.memory_space<vmem>> -> memref<128xi32, #tpu.memory_space<vmem>>
      %dma_wait3A_2366 = arith.constant 0 : i32
      %dma_wait3A_2367 = arith.constant 0 : i32
      %dma_wait3A_2368 = tpu.memref_slice %arg4[%dma_wait3A_2366, %dma_wait3A_2367] : memref<101001x128xf32, #tpu.memory_space<hbm>> -> memref<101001x128xf32, #tpu.memory_space<hbm>>
      tpu.wait_indirect_dma semaphore(%arg17 : memref<!tpu.dma_semaphore, #tpu.memory_space<semaphore_mem>>) src(%dma_wait3A_2368 : memref<101001x128xf32, #tpu.memory_space<hbm>>) dst(%arg12 : memref<128x128xf32, #tpu.memory_space<vmem>>)
      %mul3A_2369 = arith.constant 128 : i32
      %mul3A_2370 = arith.muli %add3A_2362, %mul3A_2369 : i32
      %add3A_2371 = arith.addi %mul3A_2, %mul3A_2370 : i32
      %dma_start3A_2372 = arith.constant 0 : i32
      %dma_start3A_2373 = tpu.memref_slice %arg5[%add3A_2371, %dma_start3A_2372] : memref<204800x128xf32, #tpu.memory_space<hbm>> -> memref<128x128xf32, #tpu.memory_space<hbm>>
      %dma_start3A_2374 = arith.constant 0 : i32
      %dma_start3A_2375 = tpu.memref_slice %arg5[%add3A_2371, %dma_start3A_2374] : memref<204800x128xf32, #tpu.memory_space<hbm>> -> memref<128x128xf32, #tpu.memory_space<hbm>>
      tpu.enqueue_dma source(%arg12 : memref<128x128xf32, #tpu.memory_space<vmem>>) target(%dma_start3A_2375 : memref<128x128xf32, #tpu.memory_space<hbm>>) target_semaphore(%arg22 : memref<!tpu.dma_semaphore, #tpu.memory_space<semaphore_mem>>)
      %add3A_2376 = arith.constant 5 : i32
      %add3A_2377 = arith.addi %add3A_2362, %add3A_2376 : i32
      %mul3A_2378 = arith.constant 128 : i32
      %mul3A_2379 = arith.muli %add3A_2377, %mul3A_2378 : i32
      %add3A_2380 = arith.constant 0 : i32
      %add3A_2381 = arith.addi %mul3A_2379, %add3A_2380 : i32
      %get3A_2382 = arith.index_cast %add3A_2381 : i32 to index
      %get3A_2383 = tpu.vector_load %arg6[%get3A_2382] {strides = array<i32>} : memref<6400xi32, #tpu.memory_space<vmem>>, vector<16xi32>,
      %get3A_2384 = vector.shape_cast %get3A_2383 : vector<16xi32> to vector<16xi32>
      %get3A_2385 = arith.index_cast %add3A_2381 : i32 to index
      %get3A_2386 = tpu.vector_load %arg7[%get3A_2385] {strides = array<i32>} : memref<6400xi32, #tpu.memory_space<vmem>>, vector<16xi32>,
      %get3A_2387 = vector.shape_cast %get3A_2386 : vector<16xi32> to vector<16xi32>
      %eq3A_2388 = arith.constant 2 : i32
      %eq3A_2389 = vector.broadcast %eq3A_2388 : i32 to vector<16xi32>
      %eq3A_2390 = arith.cmpi eq, %get3A_2387, %eq3A_2389 : vector<16xi32>
      %jit3A_2391 = arith.constant 100000 : i32
      %jit3A_2392 = arith.constant 0 : i32
      %broadcast_in_dim3A_2393 = vector.broadcast %jit3A_2391 : i32 to vector<16xi32>
      %broadcast_in_dim3A_2394 = vector.broadcast %jit3A_2392 : i32 to vector<16xi32>
      %select_n3A_2395 = arith.select %eq3A_2390, %broadcast_in_dim3A_2393, %broadcast_in_dim3A_2394 : vector<16xi1>, vector<16xi32>
      %add3A_2396 = arith.addi %get3A_2384, %select_n3A_2395 : vector<16xi32>
      %jit3A_2397 = arith.constant -1 : i32
      %jit3A_2398 = arith.constant 100999 : i32
      %max3A_2399 = vector.broadcast %jit3A_2397 : i32 to vector<16xi32>
      %max3A_2400 = arith.maxsi %max3A_2399, %add3A_2396 : vector<16xi32>
      %min3A_2401 = vector.broadcast %jit3A_2398 : i32 to vector<16xi32>
      %min3A_2402 = arith.minsi %min3A_2401, %max3A_2400 : vector<16xi32>
      %add3A_2403 = arith.constant 1 : i32
      %add3A_2404 = vector.broadcast %add3A_2403 : i32 to vector<16xi32>
      %add3A_2405 = arith.addi %min3A_2402, %add3A_2404 : vector<16xi32>
      %swap3A_2406 = arith.index_cast %add3A_2381 : i32 to index
      %swap3A_2407 = tpu.vector_load %arg6[%swap3A_2406] {strides = array<i32>} : memref<6400xi32, #tpu.memory_space<vmem>>, vector<16xi32>,
      %swap3A_2408 = vector.shape_cast %swap3A_2407 : vector<16xi32> to vector<16xi32>
      %swap3A_2409 = vector.shape_cast %add3A_2405 : vector<16xi32> to vector<16xi32>
      tpu.vector_store %arg6[%swap3A_2406], %swap3A_2409 {strides = array<i32>} : memref<6400xi32, #tpu.memory_space<vmem>>, vector<16xi32>,
      %mul3A_2410 = arith.constant 128 : i32
      %mul3A_2411 = arith.muli %add3A_2377, %mul3A_2410 : i32
      %add3A_2412 = arith.constant 16 : i32
      %add3A_2413 = arith.addi %mul3A_2411, %add3A_2412 : i32
      %get3A_2414 = arith.index_cast %add3A_2413 : i32 to index
      %get3A_2415 = tpu.vector_load %arg6[%get3A_2414] {strides = array<i32>} : memref<6400xi32, #tpu.memory_space<vmem>>, vector<16xi32>,
      %get3A_2416 = vector.shape_cast %get3A_2415 : vector<16xi32> to vector<16xi32>
      %get3A_2417 = arith.index_cast %add3A_2413 : i32 to index
      %get3A_2418 = tpu.vector_load %arg7[%get3A_2417] {strides = array<i32>} : memref<6400xi32, #tpu.memory_space<vmem>>, vector<16xi32>,
      %get3A_2419 = vector.shape_cast %get3A_2418 : vector<16xi32> to vector<16xi32>
      %eq3A_2420 = arith.constant 2 : i32
      %eq3A_2421 = vector.broadcast %eq3A_2420 : i32 to vector<16xi32>
      %eq3A_2422 = arith.cmpi eq, %get3A_2419, %eq3A_2421 : vector<16xi32>
      %jit3A_2423 = arith.constant 100000 : i32
      %jit3A_2424 = arith.constant 0 : i32
      %broadcast_in_dim3A_2425 = vector.broadcast %jit3A_2423 : i32 to vector<16xi32>
      %broadcast_in_dim3A_2426 = vector.broadcast %jit3A_2424 : i32 to vector<16xi32>
      %select_n3A_2427 = arith.select %eq3A_2422, %broadcast_in_dim3A_2425, %broadcast_in_dim3A_2426 : vector<16xi1>, vector<16xi32>
      %add3A_2428 = arith.addi %get3A_2416, %select_n3A_2427 : vector<16xi32>
      %jit3A_2429 = arith.constant -1 : i32
      %jit3A_2430 = arith.constant 100999 : i32
      %max3A_2431 = vector.broadcast %jit3A_2429 : i32 to vector<16xi32>
      %max3A_2432 = arith.maxsi %max3A_2431, %add3A_2428 : vector<16xi32>
      %min3A_2433 = vector.broadcast %jit3A_2430 : i32 to vector<16xi32>
      %min3A_2434 = arith.minsi %min3A_2433, %max3A_2432 : vector<16xi32>
      %add3A_2435 = arith.constant 1 : i32
      %add3A_2436 = vector.broadcast %add3A_2435 : i32 to vector<16xi32>
      %add3A_2437 = arith.addi %min3A_2434, %add3A_2436 : vector<16xi32>
      %swap3A_2438 = arith.index_cast %add3A_2413 : i32 to index
      %swap3A_2439 = tpu.vector_load %arg6[%swap3A_2438] {strides = array<i32>} : memref<6400xi32, #tpu.memory_space<vmem>>, vector<16xi32>,
      %swap3A_2440 = vector.shape_cast %swap3A_2439 : vector<16xi32> to vector<16xi32>
      %swap3A_2441 = vector.shape_cast %add3A_2437 : vector<16xi32> to vector<16xi32>
      tpu.vector_store %arg6[%swap3A_2438], %swap3A_2441 {strides = array<i32>} : memref<6400xi32, #tpu.memory_space<vmem>>, vector<16xi32>,
      %mul3A_2442 = arith.constant 128 : i32
      %mul3A_2443 = arith.muli %add3A_2377, %mul3A_2442 : i32
      %add3A_2444 = arith.constant 32 : i32
      %add3A_2445 = arith.addi %mul3A_2443, %add3A_2444 : i32
      %get3A_2446 = arith.index_cast %add3A_2445 : i32 to index
      %get3A_2447 = tpu.vector_load %arg6[%get3A_2446] {strides = array<i32>} : memref<6400xi32, #tpu.memory_space<vmem>>, vector<16xi32>,
      %get3A_2448 = vector.shape_cast %get3A_2447 : vector<16xi32> to vector<16xi32>
      %get3A_2449 = arith.index_cast %add3A_2445 : i32 to index
      %get3A_2450 = tpu.vector_load %arg7[%get3A_2449] {strides = array<i32>} : memref<6400xi32, #tpu.memory_space<vmem>>, vector<16xi32>,
      %get3A_2451 = vector.shape_cast %get3A_2450 : vector<16xi32> to vector<16xi32>
      %eq3A_2452 = arith.constant 2 : i32
      %eq3A_2453 = vector.broadcast %eq3A_2452 : i32 to vector<16xi32>
      %eq3A_2454 = arith.cmpi eq, %get3A_2451, %eq3A_2453 : vector<16xi32>
      %jit3A_2455 = arith.constant 100000 : i32
      %jit3A_2456 = arith.constant 0 : i32
      %broadcast_in_dim3A_2457 = vector.broadcast %jit3A_2455 : i32 to vector<16xi32>
      %broadcast_in_dim3A_2458 = vector.broadcast %jit3A_2456 : i32 to vector<16xi32>
      %select_n3A_2459 = arith.select %eq3A_2454, %broadcast_in_dim3A_2457, %broadcast_in_dim3A_2458 : vector<16xi1>, vector<16xi32>
      %add3A_2460 = arith.addi %get3A_2448, %select_n3A_2459 : vector<16xi32>
      %jit3A_2461 = arith.constant -1 : i32
      %jit3A_2462 = arith.constant 100999 : i32
      %max3A_2463 = vector.broadcast %jit3A_2461 : i32 to vector<16xi32>
      %max3A_2464 = arith.maxsi %max3A_2463, %add3A_2460 : vector<16xi32>
      %min3A_2465 = vector.broadcast %jit3A_2462 : i32 to vector<16xi32>
      %min3A_2466 = arith.minsi %min3A_2465, %max3A_2464 : vector<16xi32>
      %add3A_2467 = arith.constant 1 : i32
      %add3A_2468 = vector.broadcast %add3A_2467 : i32 to vector<16xi32>
      %add3A_2469 = arith.addi %min3A_2466, %add3A_2468 : vector<16xi32>
      %swap3A_2470 = arith.index_cast %add3A_2445 : i32 to index
      %swap3A_2471 = tpu.vector_load %arg6[%swap3A_2470] {strides = array<i32>} : memref<6400xi32, #tpu.memory_space<vmem>>, vector<16xi32>,
      %swap3A_2472 = vector.shape_cast %swap3A_2471 : vector<16xi32> to vector<16xi32>
      %swap3A_2473 = vector.shape_cast %add3A_2469 : vector<16xi32> to vector<16xi32>
      tpu.vector_store %arg6[%swap3A_2470], %swap3A_2473 {strides = array<i32>} : memref<6400xi32, #tpu.memory_space<vmem>>, vector<16xi32>,
      %mul3A_2474 = arith.constant 128 : i32
      %mul3A_2475 = arith.muli %add3A_2377, %mul3A_2474 : i32
      %add3A_2476 = arith.constant 48 : i32
      %add3A_2477 = arith.addi %mul3A_2475, %add3A_2476 : i32
      %get3A_2478 = arith.index_cast %add3A_2477 : i32 to index
      %get3A_2479 = tpu.vector_load %arg6[%get3A_2478] {strides = array<i32>} : memref<6400xi32, #tpu.memory_space<vmem>>, vector<16xi32>,
      %get3A_2480 = vector.shape_cast %get3A_2479 : vector<16xi32> to vector<16xi32>
      %get3A_2481 = arith.index_cast %add3A_2477 : i32 to index
      %get3A_2482 = tpu.vector_load %arg7[%get3A_2481] {strides = array<i32>} : memref<6400xi32, #tpu.memory_space<vmem>>, vector<16xi32>,
      %get3A_2483 = vector.shape_cast %get3A_2482 : vector<16xi32> to vector<16xi32>
      %eq3A_2484 = arith.constant 2 : i32
      %eq3A_2485 = vector.broadcast %eq3A_2484 : i32 to vector<16xi32>
      %eq3A_2486 = arith.cmpi eq, %get3A_2483, %eq3A_2485 : vector<16xi32>
      %jit3A_2487 = arith.constant 100000 : i32
      %jit3A_2488 = arith.constant 0 : i32
      %broadcast_in_dim3A_2489 = vector.broadcast %jit3A_2487 : i32 to vector<16xi32>
      %broadcast_in_dim3A_2490 = vector.broadcast %jit3A_2488 : i32 to vector<16xi32>
      %select_n3A_2491 = arith.select %eq3A_2486, %broadcast_in_dim3A_2489, %broadcast_in_dim3A_2490 : vector<16xi1>, vector<16xi32>
      %add3A_2492 = arith.addi %get3A_2480, %select_n3A_2491 : vector<16xi32>
      %jit3A_2493 = arith.constant -1 : i32
      %jit3A_2494 = arith.constant 100999 : i32
      %max3A_2495 = vector.broadcast %jit3A_2493 : i32 to vector<16xi32>
      %max3A_2496 = arith.maxsi %max3A_2495, %add3A_2492 : vector<16xi32>
      %min3A_2497 = vector.broadcast %jit3A_2494 : i32 to vector<16xi32>
      %min3A_2498 = arith.minsi %min3A_2497, %max3A_2496 : vector<16xi32>
      %add3A_2499 = arith.constant 1 : i32
      %add3A_2500 = vector.broadcast %add3A_2499 : i32 to vector<16xi32>
      %add3A_2501 = arith.addi %min3A_2498, %add3A_2500 : vector<16xi32>
      %swap3A_2502 = arith.index_cast %add3A_2477 : i32 to index
      %swap3A_2503 = tpu.vector_load %arg6[%swap3A_2502] {strides = array<i32>} : memref<6400xi32, #tpu.memory_space<vmem>>, vector<16xi32>,
      %swap3A_2504 = vector.shape_cast %swap3A_2503 : vector<16xi32> to vector<16xi32>
      %swap3A_2505 = vector.shape_cast %add3A_2501 : vector<16xi32> to vector<16xi32>
      tpu.vector_store %arg6[%swap3A_2502], %swap3A_2505 {strides = array<i32>} : memref<6400xi32, #tpu.memory_space<vmem>>, vector<16xi32>,
      %mul3A_2506 = arith.constant 128 : i32
      %mul3A_2507 = arith.muli %add3A_2377, %mul3A_2506 : i32
      %add3A_2508 = arith.constant 64 : i32
      %add3A_2509 = arith.addi %mul3A_2507, %add3A_2508 : i32
      %get3A_2510 = arith.index_cast %add3A_2509 : i32 to index
      %get3A_2511 = tpu.vector_load %arg6[%get3A_2510] {strides = array<i32>} : memref<6400xi32, #tpu.memory_space<vmem>>, vector<16xi32>,
      %get3A_2512 = vector.shape_cast %get3A_2511 : vector<16xi32> to vector<16xi32>
      %get3A_2513 = arith.index_cast %add3A_2509 : i32 to index
      %get3A_2514 = tpu.vector_load %arg7[%get3A_2513] {strides = array<i32>} : memref<6400xi32, #tpu.memory_space<vmem>>, vector<16xi32>,
      %get3A_2515 = vector.shape_cast %get3A_2514 : vector<16xi32> to vector<16xi32>
      %eq3A_2516 = arith.constant 2 : i32
      %eq3A_2517 = vector.broadcast %eq3A_2516 : i32 to vector<16xi32>
      %eq3A_2518 = arith.cmpi eq, %get3A_2515, %eq3A_2517 : vector<16xi32>
      %jit3A_2519 = arith.constant 100000 : i32
      %jit3A_2520 = arith.constant 0 : i32
      %broadcast_in_dim3A_2521 = vector.broadcast %jit3A_2519 : i32 to vector<16xi32>
      %broadcast_in_dim3A_2522 = vector.broadcast %jit3A_2520 : i32 to vector<16xi32>
      %select_n3A_2523 = arith.select %eq3A_2518, %broadcast_in_dim3A_2521, %broadcast_in_dim3A_2522 : vector<16xi1>, vector<16xi32>
      %add3A_2524 = arith.addi %get3A_2512, %select_n3A_2523 : vector<16xi32>
      %jit3A_2525 = arith.constant -1 : i32
      %jit3A_2526 = arith.constant 100999 : i32
      %max3A_2527 = vector.broadcast %jit3A_2525 : i32 to vector<16xi32>
      %max3A_2528 = arith.maxsi %max3A_2527, %add3A_2524 : vector<16xi32>
      %min3A_2529 = vector.broadcast %jit3A_2526 : i32 to vector<16xi32>
      %min3A_2530 = arith.minsi %min3A_2529, %max3A_2528 : vector<16xi32>
      %add3A_2531 = arith.constant 1 : i32
      %add3A_2532 = vector.broadcast %add3A_2531 : i32 to vector<16xi32>
      %add3A_2533 = arith.addi %min3A_2530, %add3A_2532 : vector<16xi32>
      %swap3A_2534 = arith.index_cast %add3A_2509 : i32 to index
      %swap3A_2535 = tpu.vector_load %arg6[%swap3A_2534] {strides = array<i32>} : memref<6400xi32, #tpu.memory_space<vmem>>, vector<16xi32>,
      %swap3A_2536 = vector.shape_cast %swap3A_2535 : vector<16xi32> to vector<16xi32>
      %swap3A_2537 = vector.shape_cast %add3A_2533 : vector<16xi32> to vector<16xi32>
      tpu.vector_store %arg6[%swap3A_2534], %swap3A_2537 {strides = array<i32>} : memref<6400xi32, #tpu.memory_space<vmem>>, vector<16xi32>,
      %mul3A_2538 = arith.constant 128 : i32
      %mul3A_2539 = arith.muli %add3A_2377, %mul3A_2538 : i32
      %add3A_2540 = arith.constant 80 : i32
      %add3A_2541 = arith.addi %mul3A_2539, %add3A_2540 : i32
      %get3A_2542 = arith.index_cast %add3A_2541 : i32 to index
      %get3A_2543 = tpu.vector_load %arg6[%get3A_2542] {strides = array<i32>} : memref<6400xi32, #tpu.memory_space<vmem>>, vector<16xi32>,
      %get3A_2544 = vector.shape_cast %get3A_2543 : vector<16xi32> to vector<16xi32>
      %get3A_2545 = arith.index_cast %add3A_2541 : i32 to index
      %get3A_2546 = tpu.vector_load %arg7[%get3A_2545] {strides = array<i32>} : memref<6400xi32, #tpu.memory_space<vmem>>, vector<16xi32>,
      %get3A_2547 = vector.shape_cast %get3A_2546 : vector<16xi32> to vector<16xi32>
      %eq3A_2548 = arith.constant 2 : i32
      %eq3A_2549 = vector.broadcast %eq3A_2548 : i32 to vector<16xi32>
      %eq3A_2550 = arith.cmpi eq, %get3A_2547, %eq3A_2549 : vector<16xi32>
      %jit3A_2551 = arith.constant 100000 : i32
      %jit3A_2552 = arith.constant 0 : i32
      %broadcast_in_dim3A_2553 = vector.broadcast %jit3A_2551 : i32 to vector<16xi32>
      %broadcast_in_dim3A_2554 = vector.broadcast %jit3A_2552 : i32 to vector<16xi32>
      %select_n3A_2555 = arith.select %eq3A_2550, %broadcast_in_dim3A_2553, %broadcast_in_dim3A_2554 : vector<16xi1>, vector<16xi32>
      %add3A_2556 = arith.addi %get3A_2544, %select_n3A_2555 : vector<16xi32>
      %jit3A_2557 = arith.constant -1 : i32
      %jit3A_2558 = arith.constant 100999 : i32
      %max3A_2559 = vector.broadcast %jit3A_2557 : i32 to vector<16xi32>
      %max3A_2560 = arith.maxsi %max3A_2559, %add3A_2556 : vector<16xi32>
      %min3A_2561 = vector.broadcast %jit3A_2558 : i32 to vector<16xi32>
      %min3A_2562 = arith.minsi %min3A_2561, %max3A_2560 : vector<16xi32>
      %add3A_2563 = arith.constant 1 : i32
      %add3A_2564 = vector.broadcast %add3A_2563 : i32 to vector<16xi32>
      %add3A_2565 = arith.addi %min3A_2562, %add3A_2564 : vector<16xi32>
      %swap3A_2566 = arith.index_cast %add3A_2541 : i32 to index
      %swap3A_2567 = tpu.vector_load %arg6[%swap3A_2566] {strides = array<i32>} : memref<6400xi32, #tpu.memory_space<vmem>>, vector<16xi32>,
      %swap3A_2568 = vector.shape_cast %swap3A_2567 : vector<16xi32> to vector<16xi32>
      %swap3A_2569 = vector.shape_cast %add3A_2565 : vector<16xi32> to vector<16xi32>
      tpu.vector_store %arg6[%swap3A_2566], %swap3A_2569 {strides = array<i32>} : memref<6400xi32, #tpu.memory_space<vmem>>, vector<16xi32>,
      %mul3A_2570 = arith.constant 128 : i32
      %mul3A_2571 = arith.muli %add3A_2377, %mul3A_2570 : i32
      %add3A_2572 = arith.constant 96 : i32
      %add3A_2573 = arith.addi %mul3A_2571, %add3A_2572 : i32
      %get3A_2574 = arith.index_cast %add3A_2573 : i32 to index
      %get3A_2575 = tpu.vector_load %arg6[%get3A_2574] {strides = array<i32>} : memref<6400xi32, #tpu.memory_space<vmem>>, vector<16xi32>,
      %get3A_2576 = vector.shape_cast %get3A_2575 : vector<16xi32> to vector<16xi32>
      %get3A_2577 = arith.index_cast %add3A_2573 : i32 to index
      %get3A_2578 = tpu.vector_load %arg7[%get3A_2577] {strides = array<i32>} : memref<6400xi32, #tpu.memory_space<vmem>>, vector<16xi32>,
      %get3A_2579 = vector.shape_cast %get3A_2578 : vector<16xi32> to vector<16xi32>
      %eq3A_2580 = arith.constant 2 : i32
      %eq3A_2581 = vector.broadcast %eq3A_2580 : i32 to vector<16xi32>
      %eq3A_2582 = arith.cmpi eq, %get3A_2579, %eq3A_2581 : vector<16xi32>
      %jit3A_2583 = arith.constant 100000 : i32
      %jit3A_2584 = arith.constant 0 : i32
      %broadcast_in_dim3A_2585 = vector.broadcast %jit3A_2583 : i32 to vector<16xi32>
      %broadcast_in_dim3A_2586 = vector.broadcast %jit3A_2584 : i32 to vector<16xi32>
      %select_n3A_2587 = arith.select %eq3A_2582, %broadcast_in_dim3A_2585, %broadcast_in_dim3A_2586 : vector<16xi1>, vector<16xi32>
      %add3A_2588 = arith.addi %get3A_2576, %select_n3A_2587 : vector<16xi32>
      %jit3A_2589 = arith.constant -1 : i32
      %jit3A_2590 = arith.constant 100999 : i32
      %max3A_2591 = vector.broadcast %jit3A_2589 : i32 to vector<16xi32>
      %max3A_2592 = arith.maxsi %max3A_2591, %add3A_2588 : vector<16xi32>
      %min3A_2593 = vector.broadcast %jit3A_2590 : i32 to vector<16xi32>
      %min3A_2594 = arith.minsi %min3A_2593, %max3A_2592 : vector<16xi32>
      %add3A_2595 = arith.constant 1 : i32
      %add3A_2596 = vector.broadcast %add3A_2595 : i32 to vector<16xi32>
      %add3A_2597 = arith.addi %min3A_2594, %add3A_2596 : vector<16xi32>
      %swap3A_2598 = arith.index_cast %add3A_2573 : i32 to index
      %swap3A_2599 = tpu.vector_load %arg6[%swap3A_2598] {strides = array<i32>} : memref<6400xi32, #tpu.memory_space<vmem>>, vector<16xi32>,
      %swap3A_2600 = vector.shape_cast %swap3A_2599 : vector<16xi32> to vector<16xi32>
      %swap3A_2601 = vector.shape_cast %add3A_2597 : vector<16xi32> to vector<16xi32>
      tpu.vector_store %arg6[%swap3A_2598], %swap3A_2601 {strides = array<i32>} : memref<6400xi32, #tpu.memory_space<vmem>>, vector<16xi32>,
      %mul3A_2602 = arith.constant 128 : i32
      %mul3A_2603 = arith.muli %add3A_2377, %mul3A_2602 : i32
      %add3A_2604 = arith.constant 112 : i32
      %add3A_2605 = arith.addi %mul3A_2603, %add3A_2604 : i32
      %get3A_2606 = arith.index_cast %add3A_2605 : i32 to index
      %get3A_2607 = tpu.vector_load %arg6[%get3A_2606] {strides = array<i32>} : memref<6400xi32, #tpu.memory_space<vmem>>, vector<16xi32>,
      %get3A_2608 = vector.shape_cast %get3A_2607 : vector<16xi32> to vector<16xi32>
      %get3A_2609 = arith.index_cast %add3A_2605 : i32 to index
      %get3A_2610 = tpu.vector_load %arg7[%get3A_2609] {strides = array<i32>} : memref<6400xi32, #tpu.memory_space<vmem>>, vector<16xi32>,
      %get3A_2611 = vector.shape_cast %get3A_2610 : vector<16xi32> to vector<16xi32>
      %eq3A_2612 = arith.constant 2 : i32
      %eq3A_2613 = vector.broadcast %eq3A_2612 : i32 to vector<16xi32>
      %eq3A_2614 = arith.cmpi eq, %get3A_2611, %eq3A_2613 : vector<16xi32>
      %jit3A_2615 = arith.constant 100000 : i32
      %jit3A_2616 = arith.constant 0 : i32
      %broadcast_in_dim3A_2617 = vector.broadcast %jit3A_2615 : i32 to vector<16xi32>
      %broadcast_in_dim3A_2618 = vector.broadcast %jit3A_2616 : i32 to vector<16xi32>
      %select_n3A_2619 = arith.select %eq3A_2614, %broadcast_in_dim3A_2617, %broadcast_in_dim3A_2618 : vector<16xi1>, vector<16xi32>
      %add3A_2620 = arith.addi %get3A_2608, %select_n3A_2619 : vector<16xi32>
      %jit3A_2621 = arith.constant -1 : i32
      %jit3A_2622 = arith.constant 100999 : i32
      %max3A_2623 = vector.broadcast %jit3A_2621 : i32 to vector<16xi32>
      %max3A_2624 = arith.maxsi %max3A_2623, %add3A_2620 : vector<16xi32>
      %min3A_2625 = vector.broadcast %jit3A_2622 : i32 to vector<16xi32>
      %min3A_2626 = arith.minsi %min3A_2625, %max3A_2624 : vector<16xi32>
      %add3A_2627 = arith.constant 1 : i32
      %add3A_2628 = vector.broadcast %add3A_2627 : i32 to vector<16xi32>
      %add3A_2629 = arith.addi %min3A_2626, %add3A_2628 : vector<16xi32>
      %swap3A_2630 = arith.index_cast %add3A_2605 : i32 to index
      %swap3A_2631 = tpu.vector_load %arg6[%swap3A_2630] {strides = array<i32>} : memref<6400xi32, #tpu.memory_space<vmem>>, vector<16xi32>,
      %swap3A_2632 = vector.shape_cast %swap3A_2631 : vector<16xi32> to vector<16xi32>
      %swap3A_2633 = vector.shape_cast %add3A_2629 : vector<16xi32> to vector<16xi32>
      tpu.vector_store %arg6[%swap3A_2630], %swap3A_2633 {strides = array<i32>} : memref<6400xi32, #tpu.memory_space<vmem>>, vector<16xi32>,
      %dma_wait3A_2634 = arith.constant 0 : i32
      %dma_wait3A_2635 = tpu.memref_slice %arg5[%add3A_2371, %dma_wait3A_2634] : memref<204800x128xf32, #tpu.memory_space<hbm>> -> memref<128x128xf32, #tpu.memory_space<hbm>>
      %dma_wait3A_2636 = arith.constant 0 : i32
      %dma_wait3A_2637 = tpu.memref_slice %arg5[%add3A_2371, %dma_wait3A_2636] : memref<204800x128xf32, #tpu.memory_space<hbm>> -> memref<128x128xf32, #tpu.memory_space<hbm>>
      tpu.wait_dma2 semaphore(%arg22 : memref<!tpu.dma_semaphore, #tpu.memory_space<semaphore_mem>>) src(%arg12 : memref<128x128xf32, #tpu.memory_space<vmem>>) dst(%dma_wait3A_2637 : memref<128x128xf32, #tpu.memory_space<hbm>>)
      %add3A_2638 = arith.constant 5 : i32
      %add3A_2639 = arith.addi %add3A_2362, %add3A_2638 : i32
      %mul3A_2640 = arith.constant 128 : i32
      %mul3A_2641 = arith.muli %add3A_2639, %mul3A_2640 : i32
      %dma_start3A_2642 = tpu.memref_slice %arg6[%mul3A_2641] : memref<6400xi32, #tpu.memory_space<vmem>> -> memref<128xi32, #tpu.memory_space<vmem>>
      %dma_start3A_2643 = arith.constant 0 : i32
      %dma_start3A_2644 = arith.constant 0 : i32
      %dma_start3A_2645 = tpu.memref_slice %arg4[%dma_start3A_2643, %dma_start3A_2644] : memref<101001x128xf32, #tpu.memory_space<hbm>> -> memref<101001x128xf32, #tpu.memory_space<hbm>>
      tpu.enqueue_indirect_dma source(%dma_start3A_2645 : memref<101001x128xf32, #tpu.memory_space<hbm>>) target(%arg12 : memref<128x128xf32, #tpu.memory_space<vmem>>) offsets(%dma_start3A_2642 : memref<128xi32, #tpu.memory_space<vmem>>) semaphore(%arg17 : memref<!tpu.dma_semaphore, #tpu.memory_space<semaphore_mem>>)
    }
    %scan3A_1143 = arith.constant 9 : i32
    %dma_wait3A = arith.constant 5760 : i32
    %dma_wait3A_1144 = tpu.memref_slice %arg6[%dma_wait3A] : memref<6400xi32, #tpu.memory_space<vmem>> -> memref<128xi32, #tpu.memory_space<vmem>>
    %dma_wait3A_1145 = arith.constant 0 : i32
    %dma_wait3A_1146 = arith.constant 0 : i32
    %dma_wait3A_1147 = tpu.memref_slice %arg4[%dma_wait3A_1145, %dma_wait3A_1146] : memref<101001x128xf32, #tpu.memory_space<hbm>> -> memref<101001x128xf32, #tpu.memory_space<hbm>>
    tpu.wait_indirect_dma semaphore(%arg13 : memref<!tpu.dma_semaphore, #tpu.memory_space<semaphore_mem>>) src(%dma_wait3A_1147 : memref<101001x128xf32, #tpu.memory_space<hbm>>) dst(%arg8 : memref<128x128xf32, #tpu.memory_space<vmem>>)
    %add3A_1148 = arith.constant 5760 : i32
    %add3A_1149 = arith.addi %mul3A_2, %add3A_1148 : i32
    %dma_start3A_1150 = arith.constant 0 : i32
    %dma_start3A_1151 = tpu.memref_slice %arg5[%add3A_1149, %dma_start3A_1150] : memref<204800x128xf32, #tpu.memory_space<hbm>> -> memref<128x128xf32, #tpu.memory_space<hbm>>
    %dma_start3A_1152 = arith.constant 0 : i32
    %dma_start3A_1153 = tpu.memref_slice %arg5[%add3A_1149, %dma_start3A_1152] : memref<204800x128xf32, #tpu.memory_space<hbm>> -> memref<128x128xf32, #tpu.memory_space<hbm>>
    tpu.enqueue_dma source(%arg8 : memref<128x128xf32, #tpu.memory_space<vmem>>) target(%dma_start3A_1153 : memref<128x128xf32, #tpu.memory_space<hbm>>) target_semaphore(%arg18 : memref<!tpu.dma_semaphore, #tpu.memory_space<semaphore_mem>>)
    %dma_wait3A_1154 = arith.constant 0 : i32
    %dma_wait3A_1155 = tpu.memref_slice %arg5[%add3A_1149, %dma_wait3A_1154] : memref<204800x128xf32, #tpu.memory_space<hbm>> -> memref<128x128xf32, #tpu.memory_space<hbm>>
    %dma_wait3A_1156 = arith.constant 0 : i32
    %dma_wait3A_1157 = tpu.memref_slice %arg5[%add3A_1149, %dma_wait3A_1156] : memref<204800x128xf32, #tpu.memory_space<hbm>> -> memref<128x128xf32, #tpu.memory_space<hbm>>
    tpu.wait_dma2 semaphore(%arg18 : memref<!tpu.dma_semaphore, #tpu.memory_space<semaphore_mem>>) src(%arg8 : memref<128x128xf32, #tpu.memory_space<vmem>>) dst(%dma_wait3A_1157 : memref<128x128xf32, #tpu.memory_space<hbm>>)
    %dma_wait3A_1158 = arith.constant 5888 : i32
    %dma_wait3A_1159 = tpu.memref_slice %arg6[%dma_wait3A_1158] : memref<6400xi32, #tpu.memory_space<vmem>> -> memref<128xi32, #tpu.memory_space<vmem>>
    %dma_wait3A_1160 = arith.constant 0 : i32
    %dma_wait3A_1161 = arith.constant 0 : i32
    %dma_wait3A_1162 = tpu.memref_slice %arg4[%dma_wait3A_1160, %dma_wait3A_1161] : memref<101001x128xf32, #tpu.memory_space<hbm>> -> memref<101001x128xf32, #tpu.memory_space<hbm>>
    tpu.wait_indirect_dma semaphore(%arg14 : memref<!tpu.dma_semaphore, #tpu.memory_space<semaphore_mem>>) src(%dma_wait3A_1162 : memref<101001x128xf32, #tpu.memory_space<hbm>>) dst(%arg9 : memref<128x128xf32, #tpu.memory_space<vmem>>)
    %add3A_1163 = arith.constant 5888 : i32
    %add3A_1164 = arith.addi %mul3A_2, %add3A_1163 : i32
    %dma_start3A_1165 = arith.constant 0 : i32
    %dma_start3A_1166 = tpu.memref_slice %arg5[%add3A_1164, %dma_start3A_1165] : memref<204800x128xf32, #tpu.memory_space<hbm>> -> memref<128x128xf32, #tpu.memory_space<hbm>>
    %dma_start3A_1167 = arith.constant 0 : i32
    %dma_start3A_1168 = tpu.memref_slice %arg5[%add3A_1164, %dma_start3A_1167] : memref<204800x128xf32, #tpu.memory_space<hbm>> -> memref<128x128xf32, #tpu.memory_space<hbm>>
    tpu.enqueue_dma source(%arg9 : memref<128x128xf32, #tpu.memory_space<vmem>>) target(%dma_start3A_1168 : memref<128x128xf32, #tpu.memory_space<hbm>>) target_semaphore(%arg19 : memref<!tpu.dma_semaphore, #tpu.memory_space<semaphore_mem>>)
    %dma_wait3A_1169 = arith.constant 0 : i32
    %dma_wait3A_1170 = tpu.memref_slice %arg5[%add3A_1164, %dma_wait3A_1169] : memref<204800x128xf32, #tpu.memory_space<hbm>> -> memref<128x128xf32, #tpu.memory_space<hbm>>
    %dma_wait3A_1171 = arith.constant 0 : i32
    %dma_wait3A_1172 = tpu.memref_slice %arg5[%add3A_1164, %dma_wait3A_1171] : memref<204800x128xf32, #tpu.memory_space<hbm>> -> memref<128x128xf32, #tpu.memory_space<hbm>>
    tpu.wait_dma2 semaphore(%arg19 : memref<!tpu.dma_semaphore, #tpu.memory_space<semaphore_mem>>) src(%arg9 : memref<128x128xf32, #tpu.memory_space<vmem>>) dst(%dma_wait3A_1172 : memref<128x128xf32, #tpu.memory_space<hbm>>)
    %dma_wait3A_1173 = arith.constant 6016 : i32
    %dma_wait3A_1174 = tpu.memref_slice %arg6[%dma_wait3A_1173] : memref<6400xi32, #tpu.memory_space<vmem>> -> memref<128xi32, #tpu.memory_space<vmem>>
    %dma_wait3A_1175 = arith.constant 0 : i32
    %dma_wait3A_1176 = arith.constant 0 : i32
    %dma_wait3A_1177 = tpu.memref_slice %arg4[%dma_wait3A_1175, %dma_wait3A_1176] : memref<101001x128xf32, #tpu.memory_space<hbm>> -> memref<101001x128xf32, #tpu.memory_space<hbm>>
    tpu.wait_indirect_dma semaphore(%arg15 : memref<!tpu.dma_semaphore, #tpu.memory_space<semaphore_mem>>) src(%dma_wait3A_1177 : memref<101001x128xf32, #tpu.memory_space<hbm>>) dst(%arg10 : memref<128x128xf32, #tpu.memory_space<vmem>>)
    %add3A_1178 = arith.constant 6016 : i32
    %add3A_1179 = arith.addi %mul3A_2, %add3A_1178 : i32
    %dma_start3A_1180 = arith.constant 0 : i32
    %dma_start3A_1181 = tpu.memref_slice %arg5[%add3A_1179, %dma_start3A_1180] : memref<204800x128xf32, #tpu.memory_space<hbm>> -> memref<128x128xf32, #tpu.memory_space<hbm>>
    %dma_start3A_1182 = arith.constant 0 : i32
    %dma_start3A_1183 = tpu.memref_slice %arg5[%add3A_1179, %dma_start3A_1182] : memref<204800x128xf32, #tpu.memory_space<hbm>> -> memref<128x128xf32, #tpu.memory_space<hbm>>
    tpu.enqueue_dma source(%arg10 : memref<128x128xf32, #tpu.memory_space<vmem>>) target(%dma_start3A_1183 : memref<128x128xf32, #tpu.memory_space<hbm>>) target_semaphore(%arg20 : memref<!tpu.dma_semaphore, #tpu.memory_space<semaphore_mem>>)
    %dma_wait3A_1184 = arith.constant 0 : i32
    %dma_wait3A_1185 = tpu.memref_slice %arg5[%add3A_1179, %dma_wait3A_1184] : memref<204800x128xf32, #tpu.memory_space<hbm>> -> memref<128x128xf32, #tpu.memory_space<hbm>>
    %dma_wait3A_1186 = arith.constant 0 : i32
    %dma_wait3A_1187 = tpu.memref_slice %arg5[%add3A_1179, %dma_wait3A_1186] : memref<204800x128xf32, #tpu.memory_space<hbm>> -> memref<128x128xf32, #tpu.memory_space<hbm>>
    tpu.wait_dma2 semaphore(%arg20 : memref<!tpu.dma_semaphore, #tpu.memory_space<semaphore_mem>>) src(%arg10 : memref<128x128xf32, #tpu.memory_space<vmem>>) dst(%dma_wait3A_1187 : memref<128x128xf32, #tpu.memory_space<hbm>>)
    %dma_wait3A_1188 = arith.constant 6144 : i32
    %dma_wait3A_1189 = tpu.memref_slice %arg6[%dma_wait3A_1188] : memref<6400xi32, #tpu.memory_space<vmem>> -> memref<128xi32, #tpu.memory_space<vmem>>
    %dma_wait3A_1190 = arith.constant 0 : i32
    %dma_wait3A_1191 = arith.constant 0 : i32
    %dma_wait3A_1192 = tpu.memref_slice %arg4[%dma_wait3A_1190, %dma_wait3A_1191] : memref<101001x128xf32, #tpu.memory_space<hbm>> -> memref<101001x128xf32, #tpu.memory_space<hbm>>
    tpu.wait_indirect_dma semaphore(%arg16 : memref<!tpu.dma_semaphore, #tpu.memory_space<semaphore_mem>>) src(%dma_wait3A_1192 : memref<101001x128xf32, #tpu.memory_space<hbm>>) dst(%arg11 : memref<128x128xf32, #tpu.memory_space<vmem>>)
    %add3A_1193 = arith.constant 6144 : i32
    %add3A_1194 = arith.addi %mul3A_2, %add3A_1193 : i32
    %dma_start3A_1195 = arith.constant 0 : i32
    %dma_start3A_1196 = tpu.memref_slice %arg5[%add3A_1194, %dma_start3A_1195] : memref<204800x128xf32, #tpu.memory_space<hbm>> -> memref<128x128xf32, #tpu.memory_space<hbm>>
    %dma_start3A_1197 = arith.constant 0 : i32
    %dma_start3A_1198 = tpu.memref_slice %arg5[%add3A_1194, %dma_start3A_1197] : memref<204800x128xf32, #tpu.memory_space<hbm>> -> memref<128x128xf32, #tpu.memory_space<hbm>>
    tpu.enqueue_dma source(%arg11 : memref<128x128xf32, #tpu.memory_space<vmem>>) target(%dma_start3A_1198 : memref<128x128xf32, #tpu.memory_space<hbm>>) target_semaphore(%arg21 : memref<!tpu.dma_semaphore, #tpu.memory_space<semaphore_mem>>)
    %dma_wait3A_1199 = arith.constant 0 : i32
    %dma_wait3A_1200 = tpu.memref_slice %arg5[%add3A_1194, %dma_wait3A_1199] : memref<204800x128xf32, #tpu.memory_space<hbm>> -> memref<128x128xf32, #tpu.memory_space<hbm>>
    %dma_wait3A_1201 = arith.constant 0 : i32
    %dma_wait3A_1202 = tpu.memref_slice %arg5[%add3A_1194, %dma_wait3A_1201] : memref<204800x128xf32, #tpu.memory_space<hbm>> -> memref<128x128xf32, #tpu.memory_space<hbm>>
    tpu.wait_dma2 semaphore(%arg21 : memref<!tpu.dma_semaphore, #tpu.memory_space<semaphore_mem>>) src(%arg11 : memref<128x128xf32, #tpu.memory_space<vmem>>) dst(%dma_wait3A_1202 : memref<128x128xf32, #tpu.memory_space<hbm>>)
    %dma_wait3A_1203 = arith.constant 6272 : i32
    %dma_wait3A_1204 = tpu.memref_slice %arg6[%dma_wait3A_1203] : memref<6400xi32, #tpu.memory_space<vmem>> -> memref<128xi32, #tpu.memory_space<vmem>>
    %dma_wait3A_1205 = arith.constant 0 : i32
    %dma_wait3A_1206 = arith.constant 0 : i32
    %dma_wait3A_1207 = tpu.memref_slice %arg4[%dma_wait3A_1205, %dma_wait3A_1206] : memref<101001x128xf32, #tpu.memory_space<hbm>> -> memref<101001x128xf32, #tpu.memory_space<hbm>>
    tpu.wait_indirect_dma semaphore(%arg17 : memref<!tpu.dma_semaphore, #tpu.memory_space<semaphore_mem>>) src(%dma_wait3A_1207 : memref<101001x128xf32, #tpu.memory_space<hbm>>) dst(%arg12 : memref<128x128xf32, #tpu.memory_space<vmem>>)
    %add3A_1208 = arith.constant 6272 : i32
    %add3A_1209 = arith.addi %mul3A_2, %add3A_1208 : i32
    %dma_start3A_1210 = arith.constant 0 : i32
    %dma_start3A_1211 = tpu.memref_slice %arg5[%add3A_1209, %dma_start3A_1210] : memref<204800x128xf32, #tpu.memory_space<hbm>> -> memref<128x128xf32, #tpu.memory_space<hbm>>
    %dma_start3A_1212 = arith.constant 0 : i32
    %dma_start3A_1213 = tpu.memref_slice %arg5[%add3A_1209, %dma_start3A_1212] : memref<204800x128xf32, #tpu.memory_space<hbm>> -> memref<128x128xf32, #tpu.memory_space<hbm>>
    tpu.enqueue_dma source(%arg12 : memref<128x128xf32, #tpu.memory_space<vmem>>) target(%dma_start3A_1213 : memref<128x128xf32, #tpu.memory_space<hbm>>) target_semaphore(%arg22 : memref<!tpu.dma_semaphore, #tpu.memory_space<semaphore_mem>>)
    %dma_wait3A_1214 = arith.constant 0 : i32
    %dma_wait3A_1215 = tpu.memref_slice %arg5[%add3A_1209, %dma_wait3A_1214] : memref<204800x128xf32, #tpu.memory_space<hbm>> -> memref<128x128xf32, #tpu.memory_space<hbm>>
    %dma_wait3A_1216 = arith.constant 0 : i32
    %dma_wait3A_1217 = tpu.memref_slice %arg5[%add3A_1209, %dma_wait3A_1216] : memref<204800x128xf32, #tpu.memory_space<hbm>> -> memref<128x128xf32, #tpu.memory_space<hbm>>
    tpu.wait_dma2 semaphore(%arg22 : memref<!tpu.dma_semaphore, #tpu.memory_space<semaphore_mem>>) src(%arg12 : memref<128x128xf32, #tpu.memory_space<vmem>>) dst(%dma_wait3A_1217 : memref<128x128xf32, #tpu.memory_space<hbm>>)
    return
  }
}

</mosaic_0001>

<sc_bundles>
// kernel: kernel.3.cloned.1.call-start
scs
__scs_entry_jumppad:
0x0: {  	(pc) =	sbr.rel $0x88, $3  }
0x1: {  	(tag) =	ssettag $0x0;
	lr =	simm.s32 $0x1  }
0x2: {  	[smem:$0x3F9E] =	sst lr;
	_ =	strace $0xD0000000  }
0x3: {  	_ = 	snop  }
0x4: {  	_ = 	snop  }
0x5: {  	_ = 	snop  }
0x6: {  	_ = 	snop  }
0x7: {  	_ = 	snop  }
__scs_overlays_trampoline_lowered:
0x8: {  	[smem:$0x3FAD] =	sst s0  }
0x9: {  	[smem:$0x3FAE] =	sst s1  }
0xa: {  	[smem:$0x3FAF] =	sst s2  }
0xb: {  	[smem:$0x3FB0] =	sst s3  }
0xc: {  	[smem:$0x3FB1] =	sst s4  }
0xd: {  	[smem:$0x3FB2] =	sst s5  }
0xe: {  	[smem:$0x3FB3] =	sst s6  }
0xf: {  	[smem:$0x3FB4] =	sst s7  }
0x10: {  	[smem:$0x3FB5] =	sst s8  }
0x11: {  	[smem:$0x3FB6] =	sst s9;
	s0 =	simm.s32 @!p0 $0x0  }
0x12: {  	s1 =	sld [smem:$0x3F9C];
	s0 =	simm.s32 @p0 $0x1  }
0x13: {  	[smem:$0x3FB7] =	sst s0;
	s0 =	simm.s32 @!p1 $0x0  }
0x14: {  	s2 =	sld [smem:$0x3F9B];
	s0 =	simm.s32 @p1 $0x1  }
0x15: {  	[smem:$0x3FB8] =	sst s0;
	s0 =	simm.s32 @!p2 $0x0  }
0x16: {  	s3 =	sld [smem:$0x3FDB];
	s0 =	simm.s32 @p2 $0x1  }
0x17: {  	s4 =	simm.s32 $0x1BF5;
	[smem:$0x3FBA] =	sst s0  }
0x18: {  	s0 =	sld [smem:$0x3F9D];
	_ =	swait.ge [sflag:s4], $0x0  }
0x19: {  	s7 =	sld [smem:$0x3F9E]  }
0x1a: {  	s8 =	sadd.s32 $0xFFFFE003, lr  }
0x1b: {  	s9 =	sadd.s32 $0xFFFFFEF7, lr;
	s5 =	simm.s32 $0xFFFFFFFF;
	p2 =	slt.u32 s8, $0xFFFFF086  }
0x1c: {  	p1 =	slt.u32 s9, $0xF7A;
	s5 =	simm.s32 @!p2 $0x0  }
0x1d: {  	s5 =	simm.s32 @p1 $0x1;
	p0 =	seq.s32 s7, s2  }
0x1e: {  	s7 =	smul.u32 @!p0 $0xF7A, s2;
	p2 =	seq.s32 @!p0 s5, $0x0  }
0x1f: {  	s9 =	smul.u32 $0xF7A, s1;
	s8 =	simm.s32 @!p0 $0x1BF5;
	p2 =	por !p2, p0  }
0x20: {  	[sflag:s8] =	ssyncset.s32 @!p0 $0xFFFFF086;
	s6 =	sadd.s32 @!p0 s3, s7;
	s7 =	simm.s32 @!p0 $0x108  }
0x21: {  	s3 =	sadd.s32 s3, s9;
	s6 =	sadd.s32 @!p0 $0x88, s6;
	s7 =	simm.s32 @p2 $0x1082  }
0x22: {  	[simem:s7], [sflag:s8] =	dma.local @!p0 [hbm:s6], $0xF7A  }
0x23: {  	s9 =	sor.u32 $0xD0000000, s2;
	s6 =	simm.s32 $0x108;
	_ =	swait.ge @!p0 [sflag:s8], $0x0  }
0x24: {  	s3 =	sadd.s32 $0x88, s3;
	s6 =	simm.s32 @!p1 $0x1082;
	[sflag:s4] =	ssyncset.s32 $0xFFFFF086  }
0x25: {  	[simem:s6], [sflag:s4] =	dma.local [hbm:s3], $0xF7A  }
0x26: {  	[smem:$0x3F9E] =	sst s1;
	(tag) =	ssettag s2;
	_ =	strace s9  }
0x27: {  	s1 =	sld [smem:$0x3FAE]  }
0x28: {  	s2 =	sld [smem:$0x3FAF]  }
0x29: {  	s4 =	sld [smem:$0x3FB1]  }
0x2a: {  	p0 =	seq.s32 s5, $0x0;
	s5 =	sld [smem:$0x3FB2]  }
0x2b: {  	s6 =	sld [smem:$0x3FB3]  }
0x2c: {  	s7 =	sld [smem:$0x3FB4]  }
0x2d: {  	s3 =	simm.s32 $0x108;
	s8 =	sld [smem:$0x3FB5]  }
0x2e: {  	s3 =	simm.s32 @!p0 $0x1082;
	s9 =	sld [smem:$0x3FB6]  }
0x2f: {  	lr =	sadd.s32 s0, s3;
	s0 =	sld [smem:$0x3FAD]  }
0x30: {  	s3 =	sld [smem:$0x3FB0]  }
0x31: {  	[smem:$0x3FB9] =	sst s10  }
0x32: {  	s10 =	sld [smem:$0x3FB7];
	_ =	sdelay $0x3  }
0x33: {  	p0 =	seq.s32 s10, $0x1;
	s10 =	sld [smem:$0x3FB9];
	_ =	sdelay $0x3  }
0x34: {  	[smem:$0x3FB9] =	sst s10  }
0x35: {  	s10 =	sld [smem:$0x3FB8];
	_ =	sdelay $0x3  }
0x36: {  	p1 =	seq.s32 s10, $0x1;
	s10 =	sld [smem:$0x3FB9];
	_ =	sdelay $0x3  }
0x37: {  	[smem:$0x3FB9] =	sst s10  }
0x38: {  	s10 =	sld [smem:$0x3FBA]  }
0x39: {  	_ = 	snop;
	(pc) =	sbr.ind lr, $3  }
0x3a: {  	_ = 	snop  }
0x3b: {  	_ = 	snop  }
0x3c: {  	p2 =	seq.s32 s10, $0x1;
	s10 =	sld [smem:$0x3FB9]  }
0x3d: {  	_ =	shalt  }
0x3e: {  	_ =	shalt  }
0x3f: {  	_ =	shalt  }
0x40: {  	_ =	shalt  }
0x41: {  	_ =	shalt  }
0x42: {  	_ =	shalt  }
0x43: {  	_ =	shalt  }
0x44: {  	_ =	shalt  }
0x45: {  	_ =	shalt  }
0x46: {  	_ =	shalt  }
0x47: {  	_ =	shalt  }
0x48: {  	_ =	shalt  }
0x49: {  	_ =	shalt  }
0x4a: {  	_ =	shalt  }
0x4b: {  	_ =	shalt  }
0x4c: {  	_ =	shalt  }
0x4d: {  	_ =	shalt  }
0x4e: {  	_ =	shalt  }
0x4f: {  	_ =	shalt  }
0x50: {  	_ =	shalt  }
0x51: {  	_ =	shalt  }
0x52: {  	_ =	shalt  }
0x53: {  	_ =	shalt  }
0x54: {  	_ =	shalt  }
0x55: {  	_ =	shalt  }
0x56: {  	_ =	shalt  }
0x57: {  	_ =	shalt  }
0x58: {  	_ =	shalt  }
0x59: {  	_ =	shalt  }
0x5a: {  	_ =	shalt  }
0x5b: {  	_ =	shalt  }
0x5c: {  	_ =	shalt  }
0x5d: {  	_ =	shalt  }
0x5e: {  	_ =	shalt  }
0x5f: {  	_ =	shalt  }
0x60: {  	_ =	shalt  }
0x61: {  	_ =	shalt  }
0x62: {  	_ =	shalt  }
0x63: {  	_ =	shalt  }
0x64: {  	_ =	shalt  }
0x65: {  	_ =	shalt  }
0x66: {  	_ =	shalt  }
0x67: {  	_ =	shalt  }
0x68: {  	_ =	shalt  }
0x69: {  	_ =	shalt  }
0x6a: {  	_ =	shalt  }
0x6b: {  	_ =	shalt  }
0x6c: {  	_ =	shalt  }
0x6d: {  	_ =	shalt  }
0x6e: {  	_ =	shalt  }
0x6f: {  	_ =	shalt  }
0x70: {  	_ =	shalt  }
0x71: {  	_ =	shalt  }
0x72: {  	_ =	shalt  }
0x73: {  	_ =	shalt  }
0x74: {  	_ =	shalt  }
0x75: {  	_ =	shalt  }
0x76: {  	_ =	shalt  }
0x77: {  	_ =	shalt  }
0x78: {  	_ =	shalt  }
0x79: {  	_ =	shalt  }
0x7a: {  	_ =	shalt  }
0x7b: {  	_ =	shalt  }
0x7c: {  	_ =	shalt  }
0x7d: {  	_ =	shalt  }
0x7e: {  	_ =	shalt  }
0x7f: {  	_ =	shalt  }
0x80: {  	_ =	shalt  }
0x81: {  	_ =	shalt  }
0x82: {  	_ =	shalt  }
0x83: {  	_ =	shalt  }
0x84: {  	_ =	shalt  }
0x85: {  	_ =	shalt  }
0x86: {  	_ =	shalt  }
0x87: {  	_ =	shalt  }
.Lfunc_end0:
.L_simem_size_0:
called_computation_lowered:
.L_overlay_start_0:
0x88: {  	s2 =	sld [smem:$0x3FD9]  }
0x89: {  	s3 =	sld [smem:$0x3FFE];
	_ =	sdelay $0x1  }
0x8a: {  	s1 =	srdreg.scid  }
0x8b: {  	s0 =	sand.u32 $0x1, s1  }
0x8c: {  	s17 =	sshll.u32 s0, $0xA;
	s2 =	sadd.s32 s3, s2  }
0x8d: {  	s2 =	sadd.s32 s2, s17  }
0x8e: {  	[smem:$0x3FC5] =	sst s2  }
0x8f: {  	_ = 	snop  }
0x90: {  	s2 =	sld [smem:$0x3FC7]  }
0x91: {  	s18 =	sld [smem:$0x3FD0];
	(tm) =	ssettm $0x1  }
0x92: {  	s4 =	sld [smem:$0x3FFB];
	_ =	sdelay $0x3  }
0x93: {  	_ =	strace s4  }
0x94: {  	s4 =	sld [smem:$0x3FFC];
	_ =	sdelay $0x3  }
0x95: {  	_ =	strace s4  }
0x96: {  	s4 =	sld [smem:$0x3FFD];
	_ =	sdelay $0x3  }
0x97: {  	_ =	strace s4  }
0x98: {  	_ =	strace $0x8FFFFFFF  }
0x99: {  	s19 =	sld [smem:$0x3FDB];
	_ =	sdelay $0x1  }
0x9a: {  	s5 =	simm.s32 $_scs_section_size  }
0x9b: {  	s6 =	simm.s32 $_size__tile_overlayer_lowered;
	s7 =	simm.s32 $_tile_overlayer_lowered  }
0x9c: {  	s22 =	simm.s32 $0x1BFF;
	s21 =	sshll.u32 s7, $0x1;
	s4 =	sadd.s32 s5, s19  }
0x9d: {  	s8 =	simm.s32 $0x0;
	s20 =	sshll.u32 s6, $0x1;
	s6 =	sadd.s32 s21, s4  }
0x9e: {  	[timem:s8], [sflag:s22] =	dma.local [hbm:s6], s20  }
0x9f: {  	_ =	swait.ge [sflag:s22], s20  }
0xa0: {  	s5 =	ssub.s32 $0x0, s20;
	[sflag:s22] =	ssyncset.done $0x0  }
0xa1: {  	[sflag:s22] =	ssyncadd.s32 s5;
	_ =	sdelay $0x1  }
0xa2: {  	s23 =	simm.s32 $0x1B8B  }
0xa3: {  	_ =	swait.ge [sflag:s23], $0x1  }
0xa4: {  	[sflag:s23] =	ssyncset.done $0x0  }
0xa5: {  	s25 =	simm.s32 $0x1B8E;
	s24 =	sld [smem:$0x3FFE];
	[sflag:s23] =	ssyncadd.s32 $0xFFFFFFFF  }
0xa6: {  	s26 =	simm.s32 $execute0_lowered;
	[smem:$0x3FD2] =	sst s25  }
0xa7: {  	s6 =	sshll.u32 s26, $0x1;
	_ =	strace $0x80000046;
	[dreg:$0x1] =	wrdreg $0xFFFFFFFF  }
0xa8: {  	s28 =	simm.s32 $_size_execute0_lowered;
	s4 =	sadd.s32 s4, s6;
	[dreg:$0x0] =	wrdreg $0x0  }
0xa9: {  	s6 =	sshll.u32 s28, $0x1;
	[dreg:$0x2] =	wrdreg s4  }
0xaa: {  	[dreg:$0x3] =	wrdreg s6  }
0xab: {  	[dreg:$0x4] =	wrdreg $0xC0  }
0xac: {  	_ =	task [dreg:s8], $0x5FFFF  }
0xad: {  	[dreg:$0x1] =	wrdreg $0xFFFFFFFF  }
0xae: {  	[dreg:$0x0] =	wrdreg $0x60  }
0xaf: {  	[dreg:$0x2] =	wrdreg s24  }
0xb0: {  	[dreg:$0x3] =	wrdreg s2  }
0xb1: {  	[dreg:$0x4] =	wrdreg s18  }
0xb2: {  	[dreg:$0x5] =	wrdreg $0x9  }
0xb3: {  	_ =	task.clear_ibuf [dreg:s8], $0x6FFFF;
	_ =	strace $0x90000046  }
0xb4: {  	s29 =	simm.s32 $0x9;
	_ =	strace $0x80000048  }
0xb5: {  	_ =	swait.ge [sflag:s29], $0x1  }
0xb6: {  	[sflag:s29] =	ssyncadd.s32 $0xFFFFFFFF  }
0xb7: {  	_ =	strace $0x90000048  }
0xb8: {  	_ =	sfence  }
0xb9: {  	s30 =	sld [smem:$0x0];
	_ =	sdelay $0x2  }
0xba: {  	s31 =	sshll.u32 s1, $0xD;
	s1 =	sshrl.u32 s1, $0x2  }
0xbb: {  	s3 =	sand.u32 $0x4000, s31;
	s1 =	sadd.s32 s1, s30  }
0xbc: {  	s0 =	sor.u32 s3, s0;
	s1 =	sshll.u32 s1, $0x11  }
0xbd: {  	s0 =	sor.u32 s1, s0  }
0xbe: {  	s0 =	sadd.s32 $0x8F2B, s0  }
0xbf: {  	[sflag:s0] =	ssyncadd.remote.s32 $0x1  }
0xc0: {  	_ =	sfence.sel $0xFFFF  }
0xc1: {  	[dreg:$0x0] =	wrdreg $0xFFFFFFFF;
	(pc) =	sbr.abs _section_cstart, $3  }
0xc2: {  	[dreg:$0x1] =	wrdreg $0xFFFFFFFF  }
0xc3: {  	_ =	task.clear_ibuf [dreg:s8], $0x2FFFF;
	_ =	strace $0x9FFFFFFF  }
0xc4: {  	(tm) =	ssettm $0x7FFFFFFF  }
0xc5: {  	_ =	shalt  }
tec
execute0_lowered:
.L_overlay_start_1:
0x0: {  	(tag) =	ssettag $0x1  }
0x1: {  	s0 =	rddreg [dreg:$0x0]  }
0x2: {  	s2 =	rddreg [dreg:$0x1];
	s1 =	srdreg.scid  }
0x3: {  	s9 =	stileid.u32;
	s4 =	rddreg [dreg:$0x2];
	s3 =	simm.s32 $0x0  }
0x4: {  	s1 =	sand.u32 $0x1, s1;
	s5 =	sshll.u32 s9, $0x1;
	s8 =	smul.u32 $0x3200, s9  }
0x5: {  	s28 =	simm.s32 $0x13200;
	s24 =	smul.u32 $0x32000, s9;
	s5 =	sor.u32 s1, s5  }
0x6: {  	s29 =	simm.s32 $0x1;
	s30 =	simm.s32 $0x6;
	s6 =	smul.u32 $0x1900, s5  }
0x7: {  	s31 =	simm.s32 $0x2;
	[smem:$0x7FF] =	sst s3;
	s17 =	smul.u32 $0x1900, s1  }
0x8: {  	_ =	strace $0x80000047;
	s5 =	smul.u32 $0xC8000, s5;
	s6 =	sshrl.u32 s6, $0x3  }
0x9: {  	s7 =	ssub.s32 $0x2, s1;
	s1 =	smul.u32 $0x19000, s1;
	s0 =	sadd.s32 s6, s0  }
0xa: {  	s16 =	sshrl.u32 s7, $0x1;
	s5 =	sshrl.u32 s5, $0x3;
	s10 =	sadd.s32 $0x400, s0  }
0xb: {  	s18 =	sadd.s32 s4, s5;
	s0 =	sadd.s32 $0x6800, s0;
	[dreg:$0x4] =	wrdreg s10  }
0xc: {  	s20 =	sadd.s32 s17, s8;
	s5 =	sadd.s32 $0x16800, s18;
	[dreg:$0x5] =	wrdreg s0  }
0xd: {  	s17 =	simm.s32 $0xB;
	s19 =	sadd.s32 $0x17000, s18;
	[dreg:$0x6] =	wrdreg s5  }
0xe: {  	s6 =	ssub.s32 s7, s16;
	s21 =	sadd.s32 $0x17800, s18;
	[dreg:$0x7] =	wrdreg s19  }
0xf: {  	s22 =	sadd.s32 $0x18000, s18;
	s6 =	smax.u32 s6, $0x1;
	[dreg:$0x8] =	wrdreg s21  }
0x10: {  	[dreg:$0x9] =	wrdreg s22;
	s5 =	sshll.u32 s20, $0x4;
	s0 =	sadd.s32 $0x18800, s18  }
0x11: {  	[dreg:$0xb] =	wrdreg s6;
	s19 =	simm.s32 $0x80;
	s20 =	simm.s32 $0x3200  }
0x12: {  	s21 =	simm.s32 $0x7200;
	s18 =	simm.s32 $0x8;
	s22 =	simm.s32 $0x4  }
0x13: {  	[dreg:$0xa] =	wrdreg s0;
	s23 =	sadd.s32 s5, s4;
	s4 =	sadd.s32 s24, s4  }
0x14: {  	s0 =	simm.s32 $0x3;
	s24 =	simm.s32 $0x9;
	s5 =	simm.s32 $0x0  }
0x15: {  	s25 =	sadd.s32 $0x2000, s23;
	s26 =	sadd.s32 $0x1800, s23;
	s8 =	sadd.s32 $0x1000, s23  }
0x16: {  	s7 =	sadd.s32 $0x800, s23;
	s6 =	sadd.s32 s1, s4;
	s23 =	simm.s32 $0xB200  }
0x17: {  	s1 =	simm.s32 $0x7;
	s4 =	simm.s32 $0xA;
	[dreg:$0xc] =	wrdreg s25  }
0x18: {  	v0 =	vimm.s32 $0x0;
	[dreg:$0xd] =	wrdreg s26;
	s25 =	simm.s32 $0xF200;
	s26 =	simm.s32 $0x5  }
.LBB2_1:
0x19: {  	s9 =	rddreg [dreg:$0x4]  }
0x1a: {  	[tilespmem:s3], [sflag:$0xB] =	stream.linear.gather [hbm4b:s9+s3], $0x1900, $0x38;
	[tilespmem:$0x17200] =	vst v63  }
0x1b: {  	_ =	swait.ge [sflag:s17], $0x1900  }
0x1c: {  	[sflag:s17] =	ssyncset.done $0x0  }
0x1d: {  	s10 =	simm.s32 $0x1900;
	s13 =	rddreg [dreg:$0x5];
	[sflag:s17] =	ssyncadd.s32 $0xFFFFE700  }
0x1e: {  	[tilespmem:s10], [sflag:$0xB] =	stream.linear.gather [hbm4b:s13+s3], $0x1900, $0x38;
	[tilespmem:$0x17200] =	vst v63  }
0x1f: {  	_ =	swait.ge [sflag:s17], $0x1900  }
0x20: {  	[sflag:s17] =	ssyncset.done $0x0  }
0x21: {  	[sflag:s17] =	ssyncadd.s32 $0xFFFFE700  }
0x22: {  	v1 =	vld [tilespmem:$0x1900]  }
0x23: {  	v2 =	vld [tilespmem:$0x1910]  }
0x24: {  	v3 =	vld [tilespmem:$0x0]  }
0x25: {  	v5 =	vld [tilespmem:$0x1920]  }
0x26: {  	v16 =	vld [tilespmem:$0x1930]  }
0x27: {  	v7 =	vld [tilespmem:$0x1940]  }
0x28: {  	v9 =	vld [tilespmem:$0x1950]  }
0x29: {  	v23 =	vld [tilespmem:$0x1960]  }
0x2a: {  	v10 =	vld [tilespmem:$0x1970]  }
0x2b: {  	v4 =	vld [tilespmem:$0x10]  }
0x2c: {  	v11 =	vld [tilespmem:$0x70];
	vm0 =	veq.s32 v1, $0x2  }
0x2d: {  	v18 =	vld [tilespmem:$0x30];
	vm9 =	veq.s32 v2, $0x2;
	vm12 =	veq.s32 v5, $0x2;
	vm13 =	veq.s32 v16, $0x2  }
0x2e: {  	v8 =	vld [tilespmem:$0x40];
	vm14 =	veq.s32 v7, $0x2;
	vm6 =	veq.s32 v9, $0x2;
	vm7 =	veq.s32 v23, $0x2  }
0x2f: {  	v19 =	vld [tilespmem:$0x50];
	vm8 =	veq.s32 v10, $0x2;
	v1 =	vsel vm0, $0x186A0, v0;
	v5 =	vsel vm12, $0x186A0, v0  }
0x30: {  	v2 =	vld [tilespmem:$0x20];
	v21 =	vsel vm14, $0x186A0, v0;
	v9 =	vsel vm6, $0x186A0, v0;
	v26 =	vsel vm8, $0x186A0, v0  }
0x31: {  	v25 =	vld [tilespmem:$0x60];
	v1 =	vadd.s32 v3, v1;
	v3 =	vsel vm9, $0x186A0, v0;
	v27 =	vadd.s32 v11, v26  }
0x32: {  	v6 =	vshra.s32 v1, $0x1F;
	v3 =	vadd.s32 v4, v3;
	v4 =	vsel vm13, $0x186A0, v0  }
0x33: {  	v1 =	vor.u32 v6, v1;
	v17 =	vshra.s32 v3, $0x1F;
	v4 =	vadd.s32 v18, v4  }
0x34: {  	v6 =	vadd.s32 v8, v21;
	v8 =	vsel vm7, $0x186A0, v0;
	vm10 =	vlt.s32 v1, $0x18A87  }
0x35: {  	v3 =	vor.u32 v17, v3;
	v2 =	vadd.s32 v2, v5;
	v22 =	vshra.s32 v4, $0x1F  }
0x36: {  	v24 =	vshra.s32 v6, $0x1F;
	v5 =	vadd.s32 v19, v9;
	v7 =	vadd.s32 v25, v8  }
0x37: {  	v1 =	vnsel vm10, $0x18A87, v1;
	vm11 =	vlt.s32 v3, $0x18A87;
	v20 =	vshra.s32 v2, $0x1F  }
0x38: {  	v4 =	vor.u32 v22, v4;
	v6 =	vor.u32 v24, v6;
	v1 =	vadd.s32 $0x1, v1  }
0x39: {  	v3 =	vnsel vm11, $0x18A87, v3;
	v2 =	vor.u32 v20, v2;
	vm4 =	vlt.s32 v4, $0x18A87  }
0x3a: {  	vm5 =	vlt.s32 v6, $0x18A87;
	v3 =	vadd.s32 $0x1, v3;
	vm15 =	vlt.s32 v2, $0x18A87  }
0x3b: {  	v4 =	vnsel vm4, $0x18A87, v4;
	v6 =	vnsel vm5, $0x18A87, v6;
	[tilespmem:$0x0] =	vst v1;
	v1 =	vshra.s32 v5, $0x1F  }
0x3c: {  	v2 =	vnsel vm15, $0x18A87, v2;
	v4 =	vadd.s32 $0x1, v4;
	v6 =	vadd.s32 $0x1, v6  }
0x3d: {  	[tilespmem:$0x10] =	vst v3;
	v1 =	vor.u32 v1, v5;
	v3 =	vshra.s32 v7, $0x1F;
	v2 =	vadd.s32 $0x1, v2  }
0x3e: {  	vm9 =	vlt.s32 v1, $0x18A87;
	[tilespmem:$0x20] =	vst v2;
	v2 =	vor.u32 v3, v7;
	v3 =	vshra.s32 v27, $0x1F  }
0x3f: {  	[tilespmem:$0x30] =	vst v4;
	v1 =	vnsel vm9, $0x18A87, v1;
	vm10 =	vlt.s32 v2, $0x18A87;
	v3 =	vor.u32 v3, v27  }
0x40: {  	[tilespmem:$0x40] =	vst v6;
	v1 =	vadd.s32 $0x1, v1;
	v2 =	vnsel vm10, $0x18A87, v2;
	vm11 =	vlt.s32 v3, $0x18A87  }
0x41: {  	[tilespmem:$0x50] =	vst v1;
	v1 =	vadd.s32 $0x1, v2;
	v2 =	vnsel vm11, $0x18A87, v3  }
0x42: {  	[tilespmem:$0x60] =	vst v1;
	v1 =	vadd.s32 $0x1, v2  }
0x43: {  	[tilespmem:$0x70] =	vst v1  }
0x44: {  	[tilespmem:s20], [sflag:$0x1] =	stream.indirect.gather [hbm4b:s2+s19], $0x80, s3, s19, $0xb8;
	[tilespmem:$0x17200] =	vst v63  }
0x45: {  	v1 =	vld [tilespmem:$0x1980]  }
0x46: {  	v2 =	vld [tilespmem:$0x1990]  }
0x47: {  	v3 =	vld [tilespmem:$0x80]  }
0x48: {  	v29 =	vld [tilespmem:$0x19A0]  }
0x49: {  	v31 =	vld [tilespmem:$0x19B0]  }
0x4a: {  	v33 =	vld [tilespmem:$0x19C0]  }
0x4b: {  	v39 =	vld [tilespmem:$0x19D0]  }
0x4c: {  	v41 =	vld [tilespmem:$0x19E0]  }
0x4d: {  	v34 =	vld [tilespmem:$0xB0]  }
0x4e: {  	v35 =	vld [tilespmem:$0xC0]  }
0x4f: {  	v43 =	vld [tilespmem:$0x19F0];
	vm12 =	veq.s32 v1, $0x2  }
0x50: {  	v44 =	vld [tilespmem:$0xE0];
	vm13 =	veq.s32 v2, $0x2;
	vm4 =	veq.s32 v29, $0x2;
	vm5 =	veq.s32 v31, $0x2  }
0x51: {  	v28 =	vld [tilespmem:$0x90];
	vm6 =	veq.s32 v33, $0x2;
	vm10 =	veq.s32 v39, $0x2;
	vm11 =	veq.s32 v41, $0x2  }
0x52: {  	v45 =	vld [tilespmem:$0xF0];
	v1 =	vsel vm12, $0x186A0, v0;
	v5 =	vsel vm4, $0x186A0, v0;
	v4 =	vsel vm5, $0x186A0, v0  }
0x53: {  	v38 =	vsel vm6, $0x186A0, v0;
	v9 =	vsel vm10, $0x186A0, v0;
	v8 =	vsel vm11, $0x186A0, v0  }
0x54: {  	vm12 =	veq.s32 v43, $0x2;
	v1 =	vadd.s32 v3, v1;
	v3 =	vsel vm13, $0x186A0, v0  }
0x55: {  	v2 =	vld [tilespmem:$0xA0];
	v4 =	vadd.s32 v34, v4;
	v6 =	vadd.s32 v35, v38;
	v7 =	vadd.s32 v44, v8  }
0x56: {  	v36 =	vld [tilespmem:$0xD0];
	v46 =	vsel vm12, $0x186A0, v0;
	v30 =	vshra.s32 v1, $0x1F;
	v3 =	vadd.s32 v28, v3  }
0x57: {  	v40 =	vshra.s32 v4, $0x1F;
	v42 =	vshra.s32 v6, $0x1F;
	v47 =	vadd.s32 v45, v46  }
0x58: {  	v1 =	vor.u32 v30, v1;
	v32 =	vshra.s32 v3, $0x1F;
	v4 =	vor.u32 v40, v4  }
0x59: {  	v6 =	vor.u32 v42, v6;
	vm14 =	vlt.s32 v1, $0x18A87;
	v3 =	vor.u32 v32, v3  }
0x5a: {  	v2 =	vadd.s32 v2, v5;
	vm8 =	vlt.s32 v4, $0x18A87;
	vm9 =	vlt.s32 v6, $0x18A87  }
0x5b: {  	v5 =	vadd.s32 v36, v9;
	v1 =	vnsel vm14, $0x18A87, v1;
	vm15 =	vlt.s32 v3, $0x18A87  }
0x5c: {  	v37 =	vshra.s32 v2, $0x1F;
	v4 =	vnsel vm8, $0x18A87, v4;
	v6 =	vnsel vm9, $0x18A87, v6  }
0x5d: {  	v1 =	vadd.s32 $0x1, v1;
	v3 =	vnsel vm15, $0x18A87, v3;
	v2 =	vor.u32 v37, v2  }
0x5e: {  	v4 =	vadd.s32 $0x1, v4;
	v6 =	vadd.s32 $0x1, v6;
	vm7 =	vlt.s32 v2, $0x18A87  }
0x5f: {  	v3 =	vadd.s32 $0x1, v3;
	[tilespmem:$0x80] =	vst v1;
	v1 =	vshra.s32 v5, $0x1F;
	v2 =	vnsel vm7, $0x18A87, v2  }
0x60: {  	[tilespmem:$0x90] =	vst v3;
	v1 =	vor.u32 v1, v5;
	v3 =	vshra.s32 v7, $0x1F;
	v2 =	vadd.s32 $0x1, v2  }
0x61: {  	vm13 =	vlt.s32 v1, $0x18A87;
	[tilespmem:$0xA0] =	vst v2;
	v2 =	vor.u32 v3, v7;
	v3 =	vshra.s32 v47, $0x1F  }
0x62: {  	[tilespmem:$0xB0] =	vst v4;
	v1 =	vnsel vm13, $0x18A87, v1;
	vm14 =	vlt.s32 v2, $0x18A87;
	v3 =	vor.u32 v3, v47  }
0x63: {  	[tilespmem:$0xC0] =	vst v6;
	v1 =	vadd.s32 $0x1, v1;
	v2 =	vnsel vm14, $0x18A87, v2;
	vm15 =	vlt.s32 v3, $0x18A87  }
0x64: {  	[tilespmem:$0xD0] =	vst v1;
	v1 =	vadd.s32 $0x1, v2;
	v2 =	vnsel vm15, $0x18A87, v3  }
0x65: {  	[tilespmem:$0xE0] =	vst v1;
	v1 =	vadd.s32 $0x1, v2  }
0x66: {  	[tilespmem:$0xF0] =	vst v1  }
0x67: {  	[tilespmem:s21], [sflag:$0x2] =	stream.indirect.gather [hbm4b:s2+s19], $0x80, s19, s19, $0xb8;
	[tilespmem:$0x17200] =	vst v63  }
0x68: {  	v1 =	vld [tilespmem:$0x1A00]  }
0x69: {  	v2 =	vld [tilespmem:$0x1A10]  }
0x6a: {  	v3 =	vld [tilespmem:$0x100]  }
0x6b: {  	v49 =	vld [tilespmem:$0x1A20]  }
0x6c: {  	v51 =	vld [tilespmem:$0x1A30]  }
0x6d: {  	v53 =	vld [tilespmem:$0x1A40]  }
0x6e: {  	v59 =	vld [tilespmem:$0x1A50]  }
0x6f: {  	v61 =	vld [tilespmem:$0x1A60]  }
0x70: {  	v54 =	vld [tilespmem:$0x130]  }
0x71: {  	v55 =	vld [tilespmem:$0x140]  }
0x72: {  	v63 =	vld [tilespmem:$0x1A70];
	vm4 =	veq.s32 v1, $0x2  }
0x73: {  	v12 =	vld [tilespmem:$0x160];
	vm5 =	veq.s32 v2, $0x2;
	vm8 =	veq.s32 v49, $0x2;
	vm9 =	veq.s32 v51, $0x2  }
0x74: {  	v48 =	vld [tilespmem:$0x110];
	vm10 =	veq.s32 v53, $0x2;
	vm14 =	veq.s32 v59, $0x2;
	vm15 =	veq.s32 v61, $0x2  }
0x75: {  	v13 =	vld [tilespmem:$0x170];
	v1 =	vsel vm4, $0x186A0, v0;
	v5 =	vsel vm8, $0x186A0, v0;
	v4 =	vsel vm9, $0x186A0, v0  }
0x76: {  	v58 =	vsel vm10, $0x186A0, v0;
	v9 =	vsel vm14, $0x186A0, v0;
	v8 =	vsel vm15, $0x186A0, v0  }
0x77: {  	vm4 =	veq.s32 v63, $0x2;
	v1 =	vadd.s32 v3, v1;
	v3 =	vsel vm5, $0x186A0, v0  }
0x78: {  	v2 =	vld [tilespmem:$0x120];
	v4 =	vadd.s32 v54, v4;
	v6 =	vadd.s32 v55, v58;
	v7 =	vadd.s32 v12, v8  }
0x79: {  	v56 =	vld [tilespmem:$0x150];
	v14 =	vsel vm4, $0x186A0, v0;
	v50 =	vshra.s32 v1, $0x1F;
	v3 =	vadd.s32 v48, v3  }
0x7a: {  	v60 =	vshra.s32 v4, $0x1F;
	v62 =	vshra.s32 v6, $0x1F;
	v15 =	vadd.s32 v13, v14  }
0x7b: {  	v1 =	vor.u32 v50, v1;
	v52 =	vshra.s32 v3, $0x1F;
	v4 =	vor.u32 v60, v4  }
0x7c: {  	v6 =	vor.u32 v62, v6;
	vm6 =	vlt.s32 v1, $0x18A87;
	v3 =	vor.u32 v52, v3  }
0x7d: {  	v2 =	vadd.s32 v2, v5;
	vm12 =	vlt.s32 v4, $0x18A87;
	vm13 =	vlt.s32 v6, $0x18A87  }
0x7e: {  	v5 =	vadd.s32 v56, v9;
	v1 =	vnsel vm6, $0x18A87, v1;
	vm7 =	vlt.s32 v3, $0x18A87  }
0x7f: {  	v57 =	vshra.s32 v2, $0x1F;
	v4 =	vnsel vm12, $0x18A87, v4;
	v6 =	vnsel vm13, $0x18A87, v6  }
0x80: {  	v1 =	vadd.s32 $0x1, v1;
	v3 =	vnsel vm7, $0x18A87, v3;
	v2 =	vor.u32 v57, v2  }
0x81: {  	v4 =	vadd.s32 $0x1, v4;
	v6 =	vadd.s32 $0x1, v6;
	vm11 =	vlt.s32 v2, $0x18A87  }
0x82: {  	v3 =	vadd.s32 $0x1, v3;
	[tilespmem:$0x100] =	vst v1;
	v1 =	vshra.s32 v5, $0x1F;
	v2 =	vnsel vm11, $0x18A87, v2  }
0x83: {  	[tilespmem:$0x110] =	vst v3;
	v1 =	vor.u32 v1, v5;
	v3 =	vshra.s32 v7, $0x1F;
	v2 =	vadd.s32 $0x1, v2  }
0x84: {  	vm5 =	vlt.s32 v1, $0x18A87;
	[tilespmem:$0x120] =	vst v2;
	v2 =	vor.u32 v3, v7;
	v3 =	vshra.s32 v15, $0x1F  }
0x85: {  	[tilespmem:$0x130] =	vst v4;
	v1 =	vnsel vm5, $0x18A87, v1;
	vm6 =	vlt.s32 v2, $0x18A87;
	v3 =	vor.u32 v3, v15  }
0x86: {  	[tilespmem:$0x140] =	vst v6;
	v1 =	vadd.s32 $0x1, v1;
	v2 =	vnsel vm6, $0x18A87, v2;
	vm7 =	vlt.s32 v3, $0x18A87  }
0x87: {  	[tilespmem:$0x150] =	vst v1;
	v1 =	vadd.s32 $0x1, v2;
	v2 =	vnsel vm7, $0x18A87, v3  }
0x88: {  	[tilespmem:$0x160] =	vst v1;
	v1 =	vadd.s32 $0x1, v2  }
0x89: {  	s14 =	simm.s32 $0x100;
	[tilespmem:$0x170] =	vst v1  }
0x8a: {  	[tilespmem:s23], [sflag:$0x3] =	stream.indirect.gather [hbm4b:s2+s19], $0x80, s14, s19, $0xb8;
	[tilespmem:$0x17200] =	vst v63  }
0x8b: {  	v1 =	vld [tilespmem:$0x1A80]  }
0x8c: {  	v2 =	vld [tilespmem:$0x1A90]  }
0x8d: {  	v3 =	vld [tilespmem:$0x180]  }
0x8e: {  	v17 =	vld [tilespmem:$0x1AA0]  }
0x8f: {  	v19 =	vld [tilespmem:$0x1AB0]  }
0x90: {  	v21 =	vld [tilespmem:$0x1AC0]  }
0x91: {  	v27 =	vld [tilespmem:$0x1AD0]  }
0x92: {  	v29 =	vld [tilespmem:$0x1AE0]  }
0x93: {  	v22 =	vld [tilespmem:$0x1B0]  }
0x94: {  	v23 =	vld [tilespmem:$0x1C0]  }
0x95: {  	v31 =	vld [tilespmem:$0x1AF0];
	vm8 =	veq.s32 v1, $0x2  }
0x96: {  	v32 =	vld [tilespmem:$0x1E0];
	vm9 =	veq.s32 v2, $0x2;
	vm12 =	veq.s32 v17, $0x2;
	vm13 =	veq.s32 v19, $0x2  }
0x97: {  	v16 =	vld [tilespmem:$0x190];
	vm14 =	veq.s32 v21, $0x2;
	vm6 =	veq.s32 v27, $0x2;
	vm7 =	veq.s32 v29, $0x2  }
0x98: {  	v33 =	vld [tilespmem:$0x1F0];
	v1 =	vsel vm8, $0x186A0, v0;
	v5 =	vsel vm12, $0x186A0, v0;
	v4 =	vsel vm13, $0x186A0, v0  }
0x99: {  	v26 =	vsel vm14, $0x186A0, v0;
	v9 =	vsel vm6, $0x186A0, v0;
	v8 =	vsel vm7, $0x186A0, v0  }
0x9a: {  	vm8 =	veq.s32 v31, $0x2;
	v1 =	vadd.s32 v3, v1;
	v3 =	vsel vm9, $0x186A0, v0  }
0x9b: {  	v2 =	vld [tilespmem:$0x1A0];
	v4 =	vadd.s32 v22, v4;
	v6 =	vadd.s32 v23, v26;
	v7 =	vadd.s32 v32, v8  }
0x9c: {  	v24 =	vld [tilespmem:$0x1D0];
	v34 =	vsel vm8, $0x186A0, v0;
	v18 =	vshra.s32 v1, $0x1F;
	v3 =	vadd.s32 v16, v3  }
0x9d: {  	v28 =	vshra.s32 v4, $0x1F;
	v30 =	vshra.s32 v6, $0x1F;
	v35 =	vadd.s32 v33, v34  }
0x9e: {  	v1 =	vor.u32 v18, v1;
	v20 =	vshra.s32 v3, $0x1F;
	v4 =	vor.u32 v28, v4  }
0x9f: {  	v6 =	vor.u32 v30, v6;
	vm10 =	vlt.s32 v1, $0x18A87;
	v3 =	vor.u32 v20, v3  }
0xa0: {  	v2 =	vadd.s32 v2, v5;
	vm4 =	vlt.s32 v4, $0x18A87;
	vm5 =	vlt.s32 v6, $0x18A87  }
0xa1: {  	v5 =	vadd.s32 v24, v9;
	v1 =	vnsel vm10, $0x18A87, v1;
	vm11 =	vlt.s32 v3, $0x18A87  }
0xa2: {  	v25 =	vshra.s32 v2, $0x1F;
	v4 =	vnsel vm4, $0x18A87, v4;
	v6 =	vnsel vm5, $0x18A87, v6  }
0xa3: {  	v1 =	vadd.s32 $0x1, v1;
	v3 =	vnsel vm11, $0x18A87, v3;
	v2 =	vor.u32 v25, v2  }
0xa4: {  	v4 =	vadd.s32 $0x1, v4;
	v6 =	vadd.s32 $0x1, v6;
	vm15 =	vlt.s32 v2, $0x18A87  }
0xa5: {  	v3 =	vadd.s32 $0x1, v3;
	[tilespmem:$0x180] =	vst v1;
	v1 =	vshra.s32 v5, $0x1F;
	v2 =	vnsel vm15, $0x18A87, v2  }
0xa6: {  	[tilespmem:$0x190] =	vst v3;
	v1 =	vor.u32 v1, v5;
	v3 =	vshra.s32 v7, $0x1F;
	v2 =	vadd.s32 $0x1, v2  }
0xa7: {  	vm9 =	vlt.s32 v1, $0x18A87;
	[tilespmem:$0x1A0] =	vst v2;
	v2 =	vor.u32 v3, v7;
	v3 =	vshra.s32 v35, $0x1F  }
0xa8: {  	[tilespmem:$0x1B0] =	vst v4;
	v1 =	vnsel vm9, $0x18A87, v1;
	vm10 =	vlt.s32 v2, $0x18A87;
	v3 =	vor.u32 v3, v35  }
0xa9: {  	[tilespmem:$0x1C0] =	vst v6;
	v1 =	vadd.s32 $0x1, v1;
	v2 =	vnsel vm10, $0x18A87, v2;
	vm11 =	vlt.s32 v3, $0x18A87  }
0xaa: {  	[tilespmem:$0x1D0] =	vst v1;
	v1 =	vadd.s32 $0x1, v2;
	v2 =	vnsel vm11, $0x18A87, v3  }
0xab: {  	[tilespmem:$0x1E0] =	vst v1;
	v1 =	vadd.s32 $0x1, v2  }
0xac: {  	s15 =	simm.s32 $0x180;
	[tilespmem:$0x1F0] =	vst v1  }
0xad: {  	[tilespmem:s25], [sflag:$0x4] =	stream.indirect.gather [hbm4b:s2+s19], $0x80, s15, s19, $0xb8;
	[tilespmem:$0x17200] =	vst v63  }
0xae: {  	v1 =	vld [tilespmem:$0x200]  }
0xaf: {  	v2 =	vld [tilespmem:$0x1B00]  }
0xb0: {  	v36 =	vld [tilespmem:$0x1B10]  }
0xb1: {  	v38 =	vld [tilespmem:$0x1B20]  }
0xb2: {  	v41 =	vld [tilespmem:$0x1B40]  }
0xb3: {  	v47 =	vld [tilespmem:$0x1B50]  }
0xb4: {  	v50 =	vld [tilespmem:$0x1B70]  }
0xb5: {  	v3 =	vld [tilespmem:$0x210]  }
0xb6: {  	v37 =	vld [tilespmem:$0x220]  }
0xb7: {  	v43 =	vld [tilespmem:$0x240];
	vm12 =	veq.s32 v2, $0x2  }
0xb8: {  	v54 =	vld [tilespmem:$0x270];
	vm13 =	veq.s32 v36, $0x2;
	vm14 =	veq.s32 v38, $0x2;
	vm4 =	veq.s32 v41, $0x2  }
0xb9: {  	vm5 =	veq.s32 v47, $0x2;
	vm7 =	veq.s32 v50, $0x2;
	v40 =	vsel vm12, $0x186A0, v0  }
0xba: {  	v42 =	vsel vm13, $0x186A0, v0;
	v48 =	vsel vm14, $0x186A0, v0;
	v52 =	vsel vm4, $0x186A0, v0  }
0xbb: {  	v2 =	vld [tilespmem:$0x1B30];
	v56 =	vsel vm5, $0x186A0, v0;
	v60 =	vsel vm7, $0x186A0, v0;
	v1 =	vadd.s32 v1, v40  }
0xbc: {  	v3 =	vadd.s32 v3, v42;
	v5 =	vadd.s32 v37, v48;
	v9 =	vadd.s32 v43, v52  }
0xbd: {  	v61 =	vadd.s32 v54, v60;
	v44 =	vshra.s32 v1, $0x1F;
	v46 =	vshra.s32 v3, $0x1F  }
0xbe: {  	v39 =	vld [tilespmem:$0x230];
	v51 =	vshra.s32 v5, $0x1F;
	v55 =	vshra.s32 v9, $0x1F;
	v63 =	vshra.s32 v61, $0x1F  }
0xbf: {  	v1 =	vor.u32 v44, v1;
	v3 =	vor.u32 v46, v3;
	v5 =	vor.u32 v51, v5  }
0xc0: {  	v6 =	vor.u32 v55, v9;
	v8 =	vor.u32 v63, v61;
	vm15 =	veq.s32 v2, $0x2;
	v2 =	vld [tilespmem:$0x1B60]  }
0xc1: {  	v45 =	vld [tilespmem:$0x250];
	vm8 =	vlt.s32 v1, $0x18A87;
	vm9 =	vlt.s32 v3, $0x18A87;
	vm10 =	vlt.s32 v5, $0x18A87  }
0xc2: {  	v12 =	vld [tilespmem:$0x260];
	vm12 =	vlt.s32 v6, $0x18A87;
	v49 =	vsel vm15, $0x186A0, v0;
	v1 =	vnsel vm8, $0x18A87, v1  }
0xc3: {  	v3 =	vnsel vm9, $0x18A87, v3;
	v7 =	vadd.s32 v39, v49;
	v1 =	vadd.s32 $0x1, v1  }
0xc4: {  	v53 =	vshra.s32 v7, $0x1F;
	[tilespmem:$0x200] =	vst v1;
	v1 =	vadd.s32 $0x1, v3;
	v3 =	vnsel vm10, $0x18A87, v5  }
0xc5: {  	v7 =	vor.u32 v53, v7;
	[tilespmem:$0x210] =	vst v1;
	v1 =	vadd.s32 $0x1, v3;
	vm6 =	veq.s32 v2, $0x2  }
0xc6: {  	v2 =	vadd.s32 v45, v56;
	vm11 =	vlt.s32 v7, $0x18A87;
	v57 =	vsel vm6, $0x186A0, v0  }
0xc7: {  	v59 =	vshra.s32 v2, $0x1F;
	v3 =	vnsel vm11, $0x18A87, v7;
	v58 =	vadd.s32 v12, v57  }
0xc8: {  	[tilespmem:$0x220] =	vst v1;
	v2 =	vor.u32 v59, v2;
	v1 =	vadd.s32 $0x1, v3;
	v62 =	vshra.s32 v58, $0x1F  }
0xc9: {  	v3 =	vnsel vm12, $0x18A87, v6;
	vm13 =	vlt.s32 v2, $0x18A87;
	v4 =	vor.u32 v62, v58  }
0xca: {  	[tilespmem:$0x230] =	vst v1;
	v1 =	vadd.s32 $0x1, v3;
	v2 =	vnsel vm13, $0x18A87, v2;
	vm14 =	vlt.s32 v4, $0x18A87  }
0xcb: {  	vm15 =	vlt.s32 v8, $0x18A87;
	[tilespmem:$0x240] =	vst v1;
	v1 =	vadd.s32 $0x1, v2;
	v2 =	vnsel vm14, $0x18A87, v4  }
0xcc: {  	[tilespmem:$0x250] =	vst v1;
	v1 =	vnsel vm15, $0x18A87, v8;
	v2 =	vadd.s32 $0x1, v2  }
0xcd: {  	s13 =	rddreg [dreg:$0xd];
	v1 =	vadd.s32 $0x1, v1;
	[tilespmem:$0x260] =	vst v2  }
0xce: {  	s16 =	simm.s32 $0x200;
	s11 =	simm.s32 $0x0;
	s12 =	rddreg [dreg:$0xc];
	[tilespmem:$0x270] =	vst v1  }
0xcf: {  	[tilespmem:s28], [sflag:$0x5] =	stream.indirect.gather [hbm4b:s2+s19], $0x80, s16, s19, $0xb8;
	[tilespmem:$0x17200] =	vst v63  }
0xd0: {  	s14 =	smov.u32 s8;
	s15 =	smov.u32 s7;
	s16 =	smov.u32 s6  }
.LBB2_2:
0xd1: {  	_ =	swait.ge [sflag:s29], $0x4000  }
0xd2: {  	[sflag:s29] =	ssyncset.done $0x0  }
0xd3: {  	s10 =	sshra.s32 s11, $0x2;
	[sflag:s29] =	ssyncadd.s32 $0xFFFFC000  }
0xd4: {  	[hbm4b:s16+s3] =	stream.linear.scatter [tilespmem:s20], [sflag:$0x6], $0x4000, $0x38;
	[tilespmem:$0x17200] =	vst v63  }
0xd5: {  	v1 =	vld [tilespmem:s10+$0x1B80]  }
0xd6: {  	v2 =	vld [tilespmem:s10+$0x1B90]  }
0xd7: {  	v3 =	vld [tilespmem:s10+$0x280]  }
0xd8: {  	v5 =	vld [tilespmem:s10+$0x1BA0]  }
0xd9: {  	v16 =	vld [tilespmem:s10+$0x1BB0]  }
0xda: {  	v7 =	vld [tilespmem:s10+$0x1BC0]  }
0xdb: {  	v9 =	vld [tilespmem:s10+$0x1BD0]  }
0xdc: {  	v23 =	vld [tilespmem:s10+$0x1BE0]  }
0xdd: {  	v10 =	vld [tilespmem:s10+$0x1BF0]  }
0xde: {  	v4 =	vld [tilespmem:s10+$0x290]  }
0xdf: {  	v11 =	vld [tilespmem:s10+$0x2F0];
	vm0 =	veq.s32 v1, $0x2  }
0xe0: {  	v18 =	vld [tilespmem:s10+$0x2B0];
	vm9 =	veq.s32 v2, $0x2;
	vm12 =	veq.s32 v5, $0x2;
	vm13 =	veq.s32 v16, $0x2  }
0xe1: {  	v8 =	vld [tilespmem:s10+$0x2C0];
	vm14 =	veq.s32 v7, $0x2;
	vm6 =	veq.s32 v9, $0x2;
	vm7 =	veq.s32 v23, $0x2  }
0xe2: {  	v19 =	vld [tilespmem:s10+$0x2D0];
	vm8 =	veq.s32 v10, $0x2;
	v1 =	vsel vm0, $0x186A0, v0;
	v5 =	vsel vm12, $0x186A0, v0  }
0xe3: {  	v2 =	vld [tilespmem:s10+$0x2A0];
	v21 =	vsel vm14, $0x186A0, v0;
	v9 =	vsel vm6, $0x186A0, v0;
	v26 =	vsel vm8, $0x186A0, v0  }
0xe4: {  	v25 =	vld [tilespmem:s10+$0x2E0];
	v1 =	vadd.s32 v3, v1;
	v3 =	vsel vm9, $0x186A0, v0;
	v27 =	vadd.s32 v11, v26  }
0xe5: {  	v6 =	vshra.s32 v1, $0x1F;
	v3 =	vadd.s32 v4, v3;
	v4 =	vsel vm13, $0x186A0, v0  }
0xe6: {  	v1 =	vor.u32 v6, v1;
	v17 =	vshra.s32 v3, $0x1F;
	v4 =	vadd.s32 v18, v4  }
0xe7: {  	v6 =	vadd.s32 v8, v21;
	v8 =	vsel vm7, $0x186A0, v0;
	vm10 =	vlt.s32 v1, $0x18A87  }
0xe8: {  	v3 =	vor.u32 v17, v3;
	v2 =	vadd.s32 v2, v5;
	v22 =	vshra.s32 v4, $0x1F  }
0xe9: {  	v24 =	vshra.s32 v6, $0x1F;
	v5 =	vadd.s32 v19, v9;
	v7 =	vadd.s32 v25, v8  }
0xea: {  	v1 =	vnsel vm10, $0x18A87, v1;
	vm11 =	vlt.s32 v3, $0x18A87;
	v20 =	vshra.s32 v2, $0x1F  }
0xeb: {  	v4 =	vor.u32 v22, v4;
	v6 =	vor.u32 v24, v6;
	v1 =	vadd.s32 $0x1, v1  }
0xec: {  	v3 =	vnsel vm11, $0x18A87, v3;
	v2 =	vor.u32 v20, v2;
	vm4 =	vlt.s32 v4, $0x18A87  }
0xed: {  	vm5 =	vlt.s32 v6, $0x18A87;
	v3 =	vadd.s32 $0x1, v3;
	vm15 =	vlt.s32 v2, $0x18A87  }
0xee: {  	v4 =	vnsel vm4, $0x18A87, v4;
	v6 =	vnsel vm5, $0x18A87, v6;
	[tilespmem:s10+$0x280] =	vst v1;
	v1 =	vshra.s32 v5, $0x1F  }
0xef: {  	v2 =	vnsel vm15, $0x18A87, v2;
	v4 =	vadd.s32 $0x1, v4;
	v6 =	vadd.s32 $0x1, v6  }
0xf0: {  	[tilespmem:s10+$0x290] =	vst v3;
	v1 =	vor.u32 v1, v5;
	v3 =	vshra.s32 v7, $0x1F;
	v2 =	vadd.s32 $0x1, v2  }
0xf1: {  	vm9 =	vlt.s32 v1, $0x18A87;
	[tilespmem:s10+$0x2A0] =	vst v2;
	v2 =	vor.u32 v3, v7;
	v3 =	vshra.s32 v27, $0x1F  }
0xf2: {  	[tilespmem:s10+$0x2B0] =	vst v4;
	v1 =	vnsel vm9, $0x18A87, v1;
	vm10 =	vlt.s32 v2, $0x18A87;
	v3 =	vor.u32 v3, v27  }
0xf3: {  	[tilespmem:s10+$0x2C0] =	vst v6;
	v1 =	vadd.s32 $0x1, v1;
	v2 =	vnsel vm10, $0x18A87, v2;
	vm11 =	vlt.s32 v3, $0x18A87  }
0xf4: {  	[tilespmem:s10+$0x2D0] =	vst v1;
	v1 =	vadd.s32 $0x1, v2;
	v2 =	vnsel vm11, $0x18A87, v3  }
0xf5: {  	[tilespmem:s10+$0x2E0] =	vst v1;
	v1 =	vadd.s32 $0x1, v2  }
0xf6: {  	[tilespmem:s10+$0x2F0] =	vst v1  }
0xf7: {  	_ =	swait.ge [sflag:s30], $0x4000  }
0xf8: {  	[sflag:s30] =	ssyncset.done $0x0  }
0xf9: {  	s9 =	sadd.s32 $0x280, s10;
	[sflag:s30] =	ssyncadd.s32 $0xFFFFC000  }
0xfa: {  	[tilespmem:s20], [sflag:$0x1] =	stream.indirect.gather [hbm4b:s2+s19], $0x80, s9, s19, $0xb8;
	[tilespmem:$0x17200] =	vst v63  }
0xfb: {  	_ =	swait.ge [sflag:s31], $0x4000  }
0xfc: {  	[sflag:s31] =	ssyncset.done $0x0  }
0xfd: {  	[sflag:s31] =	ssyncadd.s32 $0xFFFFC000  }
0xfe: {  	[hbm4b:s15+s3] =	stream.linear.scatter [tilespmem:s21], [sflag:$0x7], $0x4000, $0x38;
	[tilespmem:$0x17200] =	vst v63  }
0xff: {  	v1 =	vld [tilespmem:s10+$0x1C00]  }
0x100: {  	v2 =	vld [tilespmem:s10+$0x1C10]  }
0x101: {  	v3 =	vld [tilespmem:s10+$0x300]  }
0x102: {  	v29 =	vld [tilespmem:s10+$0x1C20]  }
0x103: {  	v31 =	vld [tilespmem:s10+$0x1C30]  }
0x104: {  	v33 =	vld [tilespmem:s10+$0x1C40]  }
0x105: {  	v39 =	vld [tilespmem:s10+$0x1C50]  }
0x106: {  	v41 =	vld [tilespmem:s10+$0x1C60]  }
0x107: {  	v34 =	vld [tilespmem:s10+$0x330]  }
0x108: {  	v35 =	vld [tilespmem:s10+$0x340]  }
0x109: {  	v43 =	vld [tilespmem:s10+$0x1C70];
	vm12 =	veq.s32 v1, $0x2  }
0x10a: {  	v44 =	vld [tilespmem:s10+$0x360];
	vm13 =	veq.s32 v2, $0x2;
	vm4 =	veq.s32 v29, $0x2;
	vm5 =	veq.s32 v31, $0x2  }
0x10b: {  	v28 =	vld [tilespmem:s10+$0x310];
	vm6 =	veq.s32 v33, $0x2;
	vm10 =	veq.s32 v39, $0x2;
	vm11 =	veq.s32 v41, $0x2  }
0x10c: {  	v45 =	vld [tilespmem:s10+$0x370];
	v1 =	vsel vm12, $0x186A0, v0;
	v5 =	vsel vm4, $0x186A0, v0;
	v4 =	vsel vm5, $0x186A0, v0  }
0x10d: {  	v38 =	vsel vm6, $0x186A0, v0;
	v9 =	vsel vm10, $0x186A0, v0;
	v8 =	vsel vm11, $0x186A0, v0  }
0x10e: {  	vm12 =	veq.s32 v43, $0x2;
	v1 =	vadd.s32 v3, v1;
	v3 =	vsel vm13, $0x186A0, v0  }
0x10f: {  	v2 =	vld [tilespmem:s10+$0x320];
	v4 =	vadd.s32 v34, v4;
	v6 =	vadd.s32 v35, v38;
	v7 =	vadd.s32 v44, v8  }
0x110: {  	v36 =	vld [tilespmem:s10+$0x350];
	v46 =	vsel vm12, $0x186A0, v0;
	v30 =	vshra.s32 v1, $0x1F;
	v3 =	vadd.s32 v28, v3  }
0x111: {  	v40 =	vshra.s32 v4, $0x1F;
	v42 =	vshra.s32 v6, $0x1F;
	v47 =	vadd.s32 v45, v46  }
0x112: {  	v1 =	vor.u32 v30, v1;
	v32 =	vshra.s32 v3, $0x1F;
	v4 =	vor.u32 v40, v4  }
0x113: {  	v6 =	vor.u32 v42, v6;
	vm14 =	vlt.s32 v1, $0x18A87;
	v3 =	vor.u32 v32, v3  }
0x114: {  	v2 =	vadd.s32 v2, v5;
	vm8 =	vlt.s32 v4, $0x18A87;
	vm9 =	vlt.s32 v6, $0x18A87  }
0x115: {  	v5 =	vadd.s32 v36, v9;
	v1 =	vnsel vm14, $0x18A87, v1;
	vm15 =	vlt.s32 v3, $0x18A87  }
0x116: {  	v37 =	vshra.s32 v2, $0x1F;
	v4 =	vnsel vm8, $0x18A87, v4;
	v6 =	vnsel vm9, $0x18A87, v6  }
0x117: {  	v1 =	vadd.s32 $0x1, v1;
	v3 =	vnsel vm15, $0x18A87, v3;
	v2 =	vor.u32 v37, v2  }
0x118: {  	v4 =	vadd.s32 $0x1, v4;
	v6 =	vadd.s32 $0x1, v6;
	vm7 =	vlt.s32 v2, $0x18A87  }
0x119: {  	v3 =	vadd.s32 $0x1, v3;
	[tilespmem:s10+$0x300] =	vst v1;
	v1 =	vshra.s32 v5, $0x1F;
	v2 =	vnsel vm7, $0x18A87, v2  }
0x11a: {  	[tilespmem:s10+$0x310] =	vst v3;
	v1 =	vor.u32 v1, v5;
	v3 =	vshra.s32 v7, $0x1F;
	v2 =	vadd.s32 $0x1, v2  }
0x11b: {  	vm13 =	vlt.s32 v1, $0x18A87;
	[tilespmem:s10+$0x320] =	vst v2;
	v2 =	vor.u32 v3, v7;
	v3 =	vshra.s32 v47, $0x1F  }
0x11c: {  	[tilespmem:s10+$0x330] =	vst v4;
	v1 =	vnsel vm13, $0x18A87, v1;
	vm14 =	vlt.s32 v2, $0x18A87;
	v3 =	vor.u32 v3, v47  }
0x11d: {  	[tilespmem:s10+$0x340] =	vst v6;
	v1 =	vadd.s32 $0x1, v1;
	v2 =	vnsel vm14, $0x18A87, v2;
	vm15 =	vlt.s32 v3, $0x18A87  }
0x11e: {  	[tilespmem:s10+$0x350] =	vst v1;
	v1 =	vadd.s32 $0x1, v2;
	v2 =	vnsel vm15, $0x18A87, v3  }
0x11f: {  	[tilespmem:s10+$0x360] =	vst v1;
	v1 =	vadd.s32 $0x1, v2  }
0x120: {  	[tilespmem:s10+$0x370] =	vst v1  }
0x121: {  	_ =	swait.ge [sflag:s1], $0x4000  }
0x122: {  	[sflag:s1] =	ssyncset.done $0x0  }
0x123: {  	s9 =	sadd.s32 $0x300, s10;
	[sflag:s1] =	ssyncadd.s32 $0xFFFFC000  }
0x124: {  	[tilespmem:s21], [sflag:$0x2] =	stream.indirect.gather [hbm4b:s2+s19], $0x80, s9, s19, $0xb8;
	[tilespmem:$0x17200] =	vst v63  }
0x125: {  	_ =	swait.ge [sflag:s0], $0x4000  }
0x126: {  	[sflag:s0] =	ssyncset.done $0x0  }
0x127: {  	[sflag:s0] =	ssyncadd.s32 $0xFFFFC000  }
0x128: {  	[hbm4b:s14+s3] =	stream.linear.scatter [tilespmem:s23], [sflag:$0x8], $0x4000, $0x38;
	[tilespmem:$0x17200] =	vst v63  }
0x129: {  	v1 =	vld [tilespmem:s10+$0x1C80]  }
0x12a: {  	v2 =	vld [tilespmem:s10+$0x1C90]  }
0x12b: {  	v3 =	vld [tilespmem:s10+$0x380]  }
0x12c: {  	v49 =	vld [tilespmem:s10+$0x1CA0]  }
0x12d: {  	v51 =	vld [tilespmem:s10+$0x1CB0]  }
0x12e: {  	v53 =	vld [tilespmem:s10+$0x1CC0]  }
0x12f: {  	v59 =	vld [tilespmem:s10+$0x1CD0]  }
0x130: {  	v61 =	vld [tilespmem:s10+$0x1CE0]  }
0x131: {  	v54 =	vld [tilespmem:s10+$0x3B0]  }
0x132: {  	v55 =	vld [tilespmem:s10+$0x3C0]  }
0x133: {  	v63 =	vld [tilespmem:s10+$0x1CF0];
	vm4 =	veq.s32 v1, $0x2  }
0x134: {  	v12 =	vld [tilespmem:s10+$0x3E0];
	vm5 =	veq.s32 v2, $0x2;
	vm8 =	veq.s32 v49, $0x2;
	vm9 =	veq.s32 v51, $0x2  }
0x135: {  	v48 =	vld [tilespmem:s10+$0x390];
	vm10 =	veq.s32 v53, $0x2;
	vm14 =	veq.s32 v59, $0x2;
	vm15 =	veq.s32 v61, $0x2  }
0x136: {  	v13 =	vld [tilespmem:s10+$0x3F0];
	v1 =	vsel vm4, $0x186A0, v0;
	v5 =	vsel vm8, $0x186A0, v0;
	v4 =	vsel vm9, $0x186A0, v0  }
0x137: {  	v58 =	vsel vm10, $0x186A0, v0;
	v9 =	vsel vm14, $0x186A0, v0;
	v8 =	vsel vm15, $0x186A0, v0  }
0x138: {  	vm4 =	veq.s32 v63, $0x2;
	v1 =	vadd.s32 v3, v1;
	v3 =	vsel vm5, $0x186A0, v0  }
0x139: {  	v2 =	vld [tilespmem:s10+$0x3A0];
	v4 =	vadd.s32 v54, v4;
	v6 =	vadd.s32 v55, v58;
	v7 =	vadd.s32 v12, v8  }
0x13a: {  	v56 =	vld [tilespmem:s10+$0x3D0];
	v14 =	vsel vm4, $0x186A0, v0;
	v50 =	vshra.s32 v1, $0x1F;
	v3 =	vadd.s32 v48, v3  }
0x13b: {  	v60 =	vshra.s32 v4, $0x1F;
	v62 =	vshra.s32 v6, $0x1F;
	v15 =	vadd.s32 v13, v14  }
0x13c: {  	v1 =	vor.u32 v50, v1;
	v52 =	vshra.s32 v3, $0x1F;
	v4 =	vor.u32 v60, v4  }
0x13d: {  	v6 =	vor.u32 v62, v6;
	vm6 =	vlt.s32 v1, $0x18A87;
	v3 =	vor.u32 v52, v3  }
0x13e: {  	v2 =	vadd.s32 v2, v5;
	vm12 =	vlt.s32 v4, $0x18A87;
	vm13 =	vlt.s32 v6, $0x18A87  }
0x13f: {  	v5 =	vadd.s32 v56, v9;
	v1 =	vnsel vm6, $0x18A87, v1;
	vm7 =	vlt.s32 v3, $0x18A87  }
0x140: {  	v57 =	vshra.s32 v2, $0x1F;
	v4 =	vnsel vm12, $0x18A87, v4;
	v6 =	vnsel vm13, $0x18A87, v6  }
0x141: {  	v1 =	vadd.s32 $0x1, v1;
	v3 =	vnsel vm7, $0x18A87, v3;
	v2 =	vor.u32 v57, v2  }
0x142: {  	v4 =	vadd.s32 $0x1, v4;
	v6 =	vadd.s32 $0x1, v6;
	vm11 =	vlt.s32 v2, $0x18A87  }
0x143: {  	v3 =	vadd.s32 $0x1, v3;
	[tilespmem:s10+$0x380] =	vst v1;
	v1 =	vshra.s32 v5, $0x1F;
	v2 =	vnsel vm11, $0x18A87, v2  }
0x144: {  	[tilespmem:s10+$0x390] =	vst v3;
	v1 =	vor.u32 v1, v5;
	v3 =	vshra.s32 v7, $0x1F;
	v2 =	vadd.s32 $0x1, v2  }
0x145: {  	vm5 =	vlt.s32 v1, $0x18A87;
	[tilespmem:s10+$0x3A0] =	vst v2;
	v2 =	vor.u32 v3, v7;
	v3 =	vshra.s32 v15, $0x1F  }
0x146: {  	[tilespmem:s10+$0x3B0] =	vst v4;
	v1 =	vnsel vm5, $0x18A87, v1;
	vm6 =	vlt.s32 v2, $0x18A87;
	v3 =	vor.u32 v3, v15  }
0x147: {  	[tilespmem:s10+$0x3C0] =	vst v6;
	v1 =	vadd.s32 $0x1, v1;
	v2 =	vnsel vm6, $0x18A87, v2;
	vm7 =	vlt.s32 v3, $0x18A87  }
0x148: {  	[tilespmem:s10+$0x3D0] =	vst v1;
	v1 =	vadd.s32 $0x1, v2;
	v2 =	vnsel vm7, $0x18A87, v3  }
0x149: {  	[tilespmem:s10+$0x3E0] =	vst v1;
	v1 =	vadd.s32 $0x1, v2  }
0x14a: {  	[tilespmem:s10+$0x3F0] =	vst v1  }
0x14b: {  	_ =	swait.ge [sflag:s18], $0x4000  }
0x14c: {  	[sflag:s18] =	ssyncset.done $0x0  }
0x14d: {  	s9 =	sadd.s32 $0x380, s10;
	[sflag:s18] =	ssyncadd.s32 $0xFFFFC000  }
0x14e: {  	[tilespmem:s23], [sflag:$0x3] =	stream.indirect.gather [hbm4b:s2+s19], $0x80, s9, s19, $0xb8;
	[tilespmem:$0x17200] =	vst v63  }
0x14f: {  	_ =	swait.ge [sflag:s22], $0x4000  }
0x150: {  	[sflag:s22] =	ssyncset.done $0x0  }
0x151: {  	[sflag:s22] =	ssyncadd.s32 $0xFFFFC000  }
0x152: {  	[hbm4b:s13+s3] =	stream.linear.scatter [tilespmem:s25], [sflag:$0x9], $0x4000, $0x38;
	[tilespmem:$0x17200] =	vst v63  }
0x153: {  	v1 =	vld [tilespmem:s10+$0x1D00]  }
0x154: {  	v2 =	vld [tilespmem:s10+$0x1D10]  }
0x155: {  	v3 =	vld [tilespmem:s10+$0x400]  }
0x156: {  	v17 =	vld [tilespmem:s10+$0x1D20]  }
0x157: {  	v19 =	vld [tilespmem:s10+$0x1D30]  }
0x158: {  	v21 =	vld [tilespmem:s10+$0x1D40]  }
0x159: {  	v27 =	vld [tilespmem:s10+$0x1D50]  }
0x15a: {  	v29 =	vld [tilespmem:s10+$0x1D60]  }
0x15b: {  	v22 =	vld [tilespmem:s10+$0x430]  }
0x15c: {  	v23 =	vld [tilespmem:s10+$0x440]  }
0x15d: {  	v31 =	vld [tilespmem:s10+$0x1D70];
	vm8 =	veq.s32 v1, $0x2  }
0x15e: {  	v32 =	vld [tilespmem:s10+$0x460];
	vm9 =	veq.s32 v2, $0x2;
	vm12 =	veq.s32 v17, $0x2;
	vm13 =	veq.s32 v19, $0x2  }
0x15f: {  	v16 =	vld [tilespmem:s10+$0x410];
	vm14 =	veq.s32 v21, $0x2;
	vm6 =	veq.s32 v27, $0x2;
	vm7 =	veq.s32 v29, $0x2  }
0x160: {  	v33 =	vld [tilespmem:s10+$0x470];
	v1 =	vsel vm8, $0x186A0, v0;
	v5 =	vsel vm12, $0x186A0, v0;
	v4 =	vsel vm13, $0x186A0, v0  }
0x161: {  	v26 =	vsel vm14, $0x186A0, v0;
	v9 =	vsel vm6, $0x186A0, v0;
	v8 =	vsel vm7, $0x186A0, v0  }
0x162: {  	vm8 =	veq.s32 v31, $0x2;
	v1 =	vadd.s32 v3, v1;
	v3 =	vsel vm9, $0x186A0, v0  }
0x163: {  	v2 =	vld [tilespmem:s10+$0x420];
	v4 =	vadd.s32 v22, v4;
	v6 =	vadd.s32 v23, v26;
	v7 =	vadd.s32 v32, v8  }
0x164: {  	v24 =	vld [tilespmem:s10+$0x450];
	v34 =	vsel vm8, $0x186A0, v0;
	v18 =	vshra.s32 v1, $0x1F;
	v3 =	vadd.s32 v16, v3  }
0x165: {  	v28 =	vshra.s32 v4, $0x1F;
	v30 =	vshra.s32 v6, $0x1F;
	v35 =	vadd.s32 v33, v34  }
0x166: {  	v1 =	vor.u32 v18, v1;
	v20 =	vshra.s32 v3, $0x1F;
	v4 =	vor.u32 v28, v4  }
0x167: {  	v6 =	vor.u32 v30, v6;
	vm10 =	vlt.s32 v1, $0x18A87;
	v3 =	vor.u32 v20, v3  }
0x168: {  	v2 =	vadd.s32 v2, v5;
	vm4 =	vlt.s32 v4, $0x18A87;
	vm5 =	vlt.s32 v6, $0x18A87  }
0x169: {  	v5 =	vadd.s32 v24, v9;
	v1 =	vnsel vm10, $0x18A87, v1;
	vm11 =	vlt.s32 v3, $0x18A87  }
0x16a: {  	v25 =	vshra.s32 v2, $0x1F;
	v4 =	vnsel vm4, $0x18A87, v4;
	v6 =	vnsel vm5, $0x18A87, v6  }
0x16b: {  	v1 =	vadd.s32 $0x1, v1;
	v3 =	vnsel vm11, $0x18A87, v3;
	v2 =	vor.u32 v25, v2  }
0x16c: {  	v4 =	vadd.s32 $0x1, v4;
	v6 =	vadd.s32 $0x1, v6;
	vm15 =	vlt.s32 v2, $0x18A87  }
0x16d: {  	v3 =	vadd.s32 $0x1, v3;
	[tilespmem:s10+$0x400] =	vst v1;
	v1 =	vshra.s32 v5, $0x1F;
	v2 =	vnsel vm15, $0x18A87, v2  }
0x16e: {  	[tilespmem:s10+$0x410] =	vst v3;
	v1 =	vor.u32 v1, v5;
	v3 =	vshra.s32 v7, $0x1F;
	v2 =	vadd.s32 $0x1, v2  }
0x16f: {  	vm9 =	vlt.s32 v1, $0x18A87;
	[tilespmem:s10+$0x420] =	vst v2;
	v2 =	vor.u32 v3, v7;
	v3 =	vshra.s32 v35, $0x1F  }
0x170: {  	[tilespmem:s10+$0x430] =	vst v4;
	v1 =	vnsel vm9, $0x18A87, v1;
	vm10 =	vlt.s32 v2, $0x18A87;
	v3 =	vor.u32 v3, v35  }
0x171: {  	[tilespmem:s10+$0x440] =	vst v6;
	v1 =	vadd.s32 $0x1, v1;
	v2 =	vnsel vm10, $0x18A87, v2;
	vm11 =	vlt.s32 v3, $0x18A87  }
0x172: {  	[tilespmem:s10+$0x450] =	vst v1;
	v1 =	vadd.s32 $0x1, v2;
	v2 =	vnsel vm11, $0x18A87, v3  }
0x173: {  	[tilespmem:s10+$0x460] =	vst v1;
	v1 =	vadd.s32 $0x1, v2  }
0x174: {  	[tilespmem:s10+$0x470] =	vst v1  }
0x175: {  	_ =	swait.ge [sflag:s24], $0x4000  }
0x176: {  	[sflag:s24] =	ssyncset.done $0x0  }
0x177: {  	s9 =	sadd.s32 $0x400, s10;
	[sflag:s24] =	ssyncadd.s32 $0xFFFFC000  }
0x178: {  	[tilespmem:s25], [sflag:$0x4] =	stream.indirect.gather [hbm4b:s2+s19], $0x80, s9, s19, $0xb8;
	[tilespmem:$0x17200] =	vst v63  }
0x179: {  	_ =	swait.ge [sflag:s26], $0x4000  }
0x17a: {  	[sflag:s26] =	ssyncset.done $0x0  }
0x17b: {  	[sflag:s26] =	ssyncadd.s32 $0xFFFFC000  }
0x17c: {  	[hbm4b:s12+s3] =	stream.linear.scatter [tilespmem:s28], [sflag:$0xA], $0x4000, $0x38;
	[tilespmem:$0x17200] =	vst v63  }
0x17d: {  	v1 =	vld [tilespmem:s10+$0x480]  }
0x17e: {  	v2 =	vld [tilespmem:s10+$0x1D80]  }
0x17f: {  	v36 =	vld [tilespmem:s10+$0x1D90]  }
0x180: {  	v38 =	vld [tilespmem:s10+$0x1DA0]  }
0x181: {  	v41 =	vld [tilespmem:s10+$0x1DC0]  }
0x182: {  	v47 =	vld [tilespmem:s10+$0x1DD0]  }
0x183: {  	v50 =	vld [tilespmem:s10+$0x1DF0]  }
0x184: {  	v3 =	vld [tilespmem:s10+$0x490]  }
0x185: {  	v37 =	vld [tilespmem:s10+$0x4A0]  }
0x186: {  	v43 =	vld [tilespmem:s10+$0x4C0];
	vm12 =	veq.s32 v2, $0x2  }
0x187: {  	v54 =	vld [tilespmem:s10+$0x4F0];
	vm13 =	veq.s32 v36, $0x2;
	vm14 =	veq.s32 v38, $0x2;
	vm4 =	veq.s32 v41, $0x2  }
0x188: {  	vm5 =	veq.s32 v47, $0x2;
	vm7 =	veq.s32 v50, $0x2;
	v40 =	vsel vm12, $0x186A0, v0  }
0x189: {  	v42 =	vsel vm13, $0x186A0, v0;
	v48 =	vsel vm14, $0x186A0, v0;
	v52 =	vsel vm4, $0x186A0, v0  }
0x18a: {  	v2 =	vld [tilespmem:s10+$0x1DB0];
	v56 =	vsel vm5, $0x186A0, v0;
	v60 =	vsel vm7, $0x186A0, v0;
	v1 =	vadd.s32 v1, v40  }
0x18b: {  	v3 =	vadd.s32 v3, v42;
	v5 =	vadd.s32 v37, v48;
	v9 =	vadd.s32 v43, v52  }
0x18c: {  	v61 =	vadd.s32 v54, v60;
	v44 =	vshra.s32 v1, $0x1F;
	v46 =	vshra.s32 v3, $0x1F  }
0x18d: {  	v39 =	vld [tilespmem:s10+$0x4B0];
	v51 =	vshra.s32 v5, $0x1F;
	v55 =	vshra.s32 v9, $0x1F;
	v63 =	vshra.s32 v61, $0x1F  }
0x18e: {  	v1 =	vor.u32 v44, v1;
	v3 =	vor.u32 v46, v3;
	v5 =	vor.u32 v51, v5  }
0x18f: {  	v6 =	vor.u32 v55, v9;
	v8 =	vor.u32 v63, v61;
	vm15 =	veq.s32 v2, $0x2;
	v2 =	vld [tilespmem:s10+$0x1DE0]  }
0x190: {  	v45 =	vld [tilespmem:s10+$0x4D0];
	vm8 =	vlt.s32 v1, $0x18A87;
	vm9 =	vlt.s32 v3, $0x18A87;
	vm10 =	vlt.s32 v5, $0x18A87  }
0x191: {  	v12 =	vld [tilespmem:s10+$0x4E0];
	vm12 =	vlt.s32 v6, $0x18A87;
	v49 =	vsel vm15, $0x186A0, v0;
	v1 =	vnsel vm8, $0x18A87, v1  }
0x192: {  	v3 =	vnsel vm9, $0x18A87, v3;
	v7 =	vadd.s32 v39, v49;
	v1 =	vadd.s32 $0x1, v1  }
0x193: {  	v53 =	vshra.s32 v7, $0x1F;
	[tilespmem:s10+$0x480] =	vst v1;
	v1 =	vadd.s32 $0x1, v3;
	v3 =	vnsel vm10, $0x18A87, v5  }
0x194: {  	v7 =	vor.u32 v53, v7;
	[tilespmem:s10+$0x490] =	vst v1;
	v1 =	vadd.s32 $0x1, v3;
	vm6 =	veq.s32 v2, $0x2  }
0x195: {  	v2 =	vadd.s32 v45, v56;
	vm11 =	vlt.s32 v7, $0x18A87;
	v57 =	vsel vm6, $0x186A0, v0  }
0x196: {  	v59 =	vshra.s32 v2, $0x1F;
	v3 =	vnsel vm11, $0x18A87, v7;
	v58 =	vadd.s32 v12, v57  }
0x197: {  	[tilespmem:s10+$0x4A0] =	vst v1;
	v2 =	vor.u32 v59, v2;
	v1 =	vadd.s32 $0x1, v3;
	v62 =	vshra.s32 v58, $0x1F  }
0x198: {  	v3 =	vnsel vm12, $0x18A87, v6;
	vm13 =	vlt.s32 v2, $0x18A87;
	v4 =	vor.u32 v62, v58  }
0x199: {  	[tilespmem:s10+$0x4B0] =	vst v1;
	v1 =	vadd.s32 $0x1, v3;
	v2 =	vnsel vm13, $0x18A87, v2;
	vm14 =	vlt.s32 v4, $0x18A87  }
0x19a: {  	vm15 =	vlt.s32 v8, $0x18A87;
	[tilespmem:s10+$0x4C0] =	vst v1;
	v1 =	vadd.s32 $0x1, v2;
	v2 =	vnsel vm14, $0x18A87, v4  }
0x19b: {  	[tilespmem:s10+$0x4D0] =	vst v1;
	v1 =	vnsel vm15, $0x18A87, v8;
	v2 =	vadd.s32 $0x1, v2  }
0x19c: {  	p0 =	sne.s32 s11, $0x5000;
	v1 =	vadd.s32 $0x1, v1;
	[tilespmem:s10+$0x4E0] =	vst v2  }
.Ltmp0:
0x19d: {  	s11 =	sadd.s32 $0xA00, s11;
	[tilespmem:s10+$0x4F0] =	vst v1;
	(pc) =	sbr.rel @p0 .LBB2_2-.Ltmp0, $4  }
0x19e: {  	s16 =	sadd.s32 $0x2800, s16;
	s15 =	sadd.s32 $0x2800, s15;
	_ =	swait.ge [sflag:s4], $0x4000  }
0x19f: {  	s14 =	sadd.s32 $0x2800, s14;
	s13 =	sadd.s32 $0x2800, s13;
	[sflag:s4] =	ssyncset.done $0x0  }
0x1a0: {  	s12 =	sadd.s32 $0x2800, s12;
	s10 =	sadd.s32 $0x480, s10;
	[sflag:s4] =	ssyncadd.s32 $0xFFFFC000  }
0x1a1: {  	[tilespmem:s28], [sflag:$0x5] =	stream.indirect.gather [hbm4b:s2+s19], $0x80, s10, s19, $0xb8;
	[tilespmem:$0x17200] =	vst v63  }
0x1a2: {  	_ =	swait.ge [sflag:s29], $0x4000  }
0x1a3: {  	[sflag:s29] =	ssyncset.done $0x0  }
0x1a4: {  	s9 =	rddreg [dreg:$0x6];
	[sflag:s29] =	ssyncadd.s32 $0xFFFFC000  }
0x1a5: {  	[hbm4b:s9+s3] =	stream.linear.scatter [tilespmem:s20], [sflag:$0x6], $0x4000, $0x38;
	[tilespmem:$0x17200] =	vst v63  }
0x1a6: {  	_ =	swait.ge [sflag:s30], $0x4000  }
0x1a7: {  	[sflag:s30] =	ssyncset.done $0x0  }
0x1a8: {  	[sflag:s30] =	ssyncadd.s32 $0xFFFFC000  }
0x1a9: {  	_ =	swait.ge [sflag:s31], $0x4000  }
0x1aa: {  	[sflag:s31] =	ssyncset.done $0x0  }
0x1ab: {  	s12 =	rddreg [dreg:$0x7];
	[sflag:s31] =	ssyncadd.s32 $0xFFFFC000  }
0x1ac: {  	[hbm4b:s12+s3] =	stream.linear.scatter [tilespmem:s21], [sflag:$0x7], $0x4000, $0x38;
	[tilespmem:$0x17200] =	vst v63  }
0x1ad: {  	_ =	swait.ge [sflag:s1], $0x4000  }
0x1ae: {  	[sflag:s1] =	ssyncset.done $0x0  }
0x1af: {  	[sflag:s1] =	ssyncadd.s32 $0xFFFFC000  }
0x1b0: {  	_ =	swait.ge [sflag:s0], $0x4000  }
0x1b1: {  	[sflag:s0] =	ssyncset.done $0x0  }
0x1b2: {  	s13 =	rddreg [dreg:$0x8];
	[sflag:s0] =	ssyncadd.s32 $0xFFFFC000  }
0x1b3: {  	[hbm4b:s13+s3] =	stream.linear.scatter [tilespmem:s23], [sflag:$0x8], $0x4000, $0x38;
	[tilespmem:$0x17200] =	vst v63  }
0x1b4: {  	_ =	swait.ge [sflag:s18], $0x4000  }
0x1b5: {  	[sflag:s18] =	ssyncset.done $0x0  }
0x1b6: {  	[sflag:s18] =	ssyncadd.s32 $0xFFFFC000  }
0x1b7: {  	_ =	swait.ge [sflag:s22], $0x4000  }
0x1b8: {  	[sflag:s22] =	ssyncset.done $0x0  }
0x1b9: {  	s14 =	rddreg [dreg:$0x9];
	[sflag:s22] =	ssyncadd.s32 $0xFFFFC000  }
0x1ba: {  	[hbm4b:s14+s3] =	stream.linear.scatter [tilespmem:s25], [sflag:$0x9], $0x4000, $0x38;
	[tilespmem:$0x17200] =	vst v63  }
0x1bb: {  	_ =	swait.ge [sflag:s24], $0x4000  }
0x1bc: {  	[sflag:s24] =	ssyncset.done $0x0  }
0x1bd: {  	[sflag:s24] =	ssyncadd.s32 $0xFFFFC000  }
0x1be: {  	_ =	swait.ge [sflag:s26], $0x4000  }
0x1bf: {  	[sflag:s26] =	ssyncset.done $0x0  }
0x1c0: {  	s15 =	rddreg [dreg:$0xa];
	[sflag:s26] =	ssyncadd.s32 $0xFFFFC000  }
0x1c1: {  	[hbm4b:s15+s3] =	stream.linear.scatter [tilespmem:s28], [sflag:$0xA], $0x4000, $0x38;
	[tilespmem:$0x17200] =	vst v63  }
0x1c2: {  	_ =	swait.ge [sflag:s4], $0x4000  }
0x1c3: {  	s5 =	sadd.s32 $0x1, s5;
	s16 =	rddreg [dreg:$0xb]  }
0x1c4: {  	p0 =	sne.s32 s5, s16  }
.Ltmp1:
0x1c5: {  	_ = 	snop;
	(pc) =	sbr.rel @p0 .LBB2_1-.Ltmp1, $3  }
0x1c6: {  	_ =	sdelay $0x1  }
0x1c7: {  	[sflag:s4] =	ssyncset.done $0x0  }
0x1c8: {  	[sflag:s4] =	ssyncadd.s32 $0xFFFFC000  }
0x1c9: {  	_ =	sfence.sel $0x180000  }
0x1ca: {  	[bflag:$0x0] =	sbarrier.arrive $0xFFFF  }
0x1cb: {  	_ =	strace $0x90000047  }
0x1cc: {  	s0 =	stileid.u32;
	[bflag:$0x2] =	sbarrier.arrive $0xFFFF  }
0x1cd: {  	p0 =	sne.s32 s0, $0x0;
	s0 =	rddreg [dreg:$0x3]  }
0x1ce: {  	s0 =	sadd.s32 @!p0 $0x100000, s0  }
0x1cf: {  	[sflag:s0] =	ssyncadd.tile.s32 @!p0 $0x1;
	_ =	shalt  }
.Lfunc_end2:
_tile_overlayer_lowered:
.L_overlay_start_2:
0x1d0: {  	(tag) =	ssettag $0x2  }
0x1d1: {  	s0 =	rddreg [dreg:$0x0];
	s2 =	stileid.u32  }
0x1d2: {  	s1 =	rddreg [dreg:$0x1];
	p0 =	sne.s32 s2, $0x0  }
0x1d3: {  	s3 =	rddreg [dreg:$0x2];
	[bflag:$0x3] =	sbarrier.arrive $0xFFFF;
	s2 =	simm.s32 @!p0 $0x1C0B  }
0x1d4: {  	[timem:s3], [sflag:s2] =	dma.local @!p0 [hbm:s0], s1  }
0x1d5: {  	s0 =	simm.s32 @!p0 $0xB  }
0x1d6: {  	_ =	swait.ge @!p0 [sflag:s0], s1  }
0x1d7: {  	s1 =	ssub.s32 @!p0 $0x0, s1;
	[sflag:s0] =	ssyncset.done @!p0 $0x0  }
0x1d8: {  	[sflag:s0] =	ssyncadd.s32 @!p0 s1  }
0x1d9: {  	[bflag:$0x3] =	sbarrier.arrive $0xFFFF  }
0x1da: {  	_ =	shalt  }

</sc_bundles>
